<compile_context>
chip_gen: v7x
topology: tpu7x:2x2x1
jax: 0.10.2.dev20260603
libtpu: 0.0.44.dev20260713+nightly
codegen_flags: <defaults>
</compile_context>

<pallas_src>
import jax
import jax.numpy as jnp
from jax import lax
from jax.experimental import pallas as pl
from jax.experimental.pallas import tpu as pltpu
from jax.experimental.pallas import tpu_sc as plsc

BATCH = 16384
SEQ = 20
EMBED_DIM = 32
NC = 2
NS = 16
NW = NC * NS

B_PER_W = BATCH // NW
IDX_PER_W = B_PER_W * SEQ
IDX_MINOR = 128
IDX_ROWS = IDX_PER_W // IDX_MINOR
CHUNK_SAMPLES = 16
CHUNK_ROWS = CHUNK_SAMPLES * SEQ
GROUPS_PER_CHUNK = CHUNK_ROWS // 16
NCHUNK = B_PER_W // CHUNK_SAMPLES
INV_SEQ = 1.0 / SEQ


def _tree_sum(vals):
  while len(vals) > 1:
    nxt = [vals[i] + vals[i + 1] for i in range(0, len(vals) - 1, 2)]
    if len(vals) % 2:
      nxt.append(vals[-1])
    vals = nxt
  return vals[0]


def _body(idx_hbm, table_hbm, out_hbm,
          idx_v, rows0, rows1, out0, out1, sem0, sem1, osem0, osem1):
  wid = lax.axis_index("s") * NC + lax.axis_index("c")
  base = wid * B_PER_W

  pltpu.sync_copy(idx_hbm.at[wid], idx_v)

  rows = (rows0, rows1)
  sems = (sem0, sem1)
  outs = (out0, out1)
  osems = (osem0, osem1)

  def fire(bc, buf, sem):
    def grp(g, _):
      gg = bc * GROUPS_PER_CHUNK + g
      vec = idx_v[gg >> 3, pl.ds((gg & 7) * 16, 16)]
      for lane in range(16):
        pltpu.async_copy(
            table_hbm.at[vec[lane]],
            buf.at[g * 16 + lane],
            sem,
        )
      return 0
    lax.fori_loop(0, GROUPS_PER_CHUNK, grp, 0)

  def drain(buf, sem):
    def grp(g, _):
      pltpu.make_async_copy(
          table_hbm.at[pl.ds(0, 16)],
          buf.at[pl.ds(g * 16, 16)],
          sem,
      ).wait()
      return 0
    lax.fori_loop(0, GROUPS_PER_CHUNK, grp, 0)

  def combine(buf, out_v):
    @plsc.parallel_loop(0, CHUNK_SAMPLES, unroll=2)
    def _(i):
      r0 = i * SEQ
      lo = _tree_sum([buf[r0 + s, pl.ds(0, 16)] for s in range(SEQ)])
      hi = _tree_sum([buf[r0 + s, pl.ds(16, 16)] for s in range(SEQ)])
      out_v[i, pl.ds(0, 16)] = lo * INV_SEQ
      out_v[i, pl.ds(16, 16)] = hi * INV_SEQ

  def out_slice(bc):
    return out_hbm.at[pl.ds(base + bc * CHUNK_SAMPLES, CHUNK_SAMPLES)]

  fire(0, rows[0], sems[0])

  def chunk_pair(g, _):
    for b in range(2):
      bc = 2 * g + b
      nb = 1 - b

      @pl.when(bc + 1 < NCHUNK)
      def _():
        fire(bc + 1, rows[nb], sems[nb])

      drain(rows[b], sems[b])

      @pl.when(bc >= 2)
      def _():
        pltpu.make_async_copy(outs[b], out_slice(bc - 2), osems[b]).wait()

      combine(rows[b], outs[b])
      pltpu.async_copy(outs[b], out_slice(bc), osems[b])
    return 0

  lax.fori_loop(0, NCHUNK // 2, chunk_pair, 0)

  for b in range(2):
    pltpu.make_async_copy(outs[b], out_slice(NCHUNK - 2 + b), osems[b]).wait()


@jax.jit
def kernel(indices, table):
  idx3 = indices.reshape(NW, IDX_ROWS, IDX_MINOR)
  mesh = plsc.VectorSubcoreMesh(core_axis_name="c", subcore_axis_name="s")
  f = pl.kernel(
      _body,
      out_type=jax.ShapeDtypeStruct((BATCH, EMBED_DIM), jnp.float32),
      mesh=mesh,
      scratch_types=[
          pltpu.VMEM((IDX_ROWS, IDX_MINOR), jnp.int32),
          pltpu.VMEM((CHUNK_ROWS, EMBED_DIM), jnp.float32),
          pltpu.VMEM((CHUNK_ROWS, EMBED_DIM), jnp.float32),
          pltpu.VMEM((CHUNK_SAMPLES, EMBED_DIM), jnp.float32),
          pltpu.VMEM((CHUNK_SAMPLES, EMBED_DIM), jnp.float32),
          pltpu.SemaphoreType.DMA,
          pltpu.SemaphoreType.DMA,
          pltpu.SemaphoreType.DMA,
          pltpu.SemaphoreType.DMA,
      ],
  )
  return f(idx3, table)

# --- scband reference (transcript-rebuilt; emitter-appended) ---
"""Pipeline reference for scband-sparsecore-embed-60086592471118 (READ-ONLY COPY).

The authoritative reference and input builder live on the scoring server;
editing this copy changes nothing except your own understanding.
"""

import jax, jax.numpy as jnp
import numpy as np

INPUT_DIM = 1000000
EMBED_DIM = 32
BATCH = 16384
SEQ = 20


def setup_inputs(seed: int = 0) -> dict:
    key = jax.random.key(seed)
    k_idx, k_tbl = jax.random.split(key)
    # Multi-hot sparse feature ids, shape [batch, valency]
    indices = jax.random.randint(k_idx, (BATCH, SEQ), 0, INPUT_DIM, dtype=jnp.int32)
    # Embedding table initialized with truncated_normal(stddev=1/sqrt(embedding_dim)),
    # matching the default EmbeddingSpec initializer.
    stddev = 1.0 / jnp.sqrt(jnp.asarray(EMBED_DIM, dtype=jnp.float32))
    table = jax.random.truncated_normal(
        k_tbl, -2.0, 2.0, (INPUT_DIM, EMBED_DIM), dtype=jnp.float32
    ) * stddev
    return {"indices": indices, "table": table}


def reference(indices, table):
    # SparsecoreEmbed forward for one feature with combiner='mean' and no
    # max_sequence_length: gather rows from the embedding table for each id
    # in the multi-hot input, then aggregate (mean) over the sample's ids.
    emb = jnp.take(table, indices, axis=0)  # [BATCH, SEQ, EMBED_DIM] gather
    out = jnp.mean(emb, axis=1)  # mean combiner over the sequence/valency dim
    return out  # [BATCH, EMBED_DIM]

if __name__ == "__main__":
    import jax
    _d = setup_inputs()
    print(jax.jit(kernel)(*tuple(_d.values())))

</pallas_src>

<mosaic_0001>
#map = affine_map<(d0, d1) -> (0, 0, 0)>
#map1 = affine_map<(d0, d1) -> (0, 0)>
module attributes {stable_mosaic.version = 14 : i64} {
  func.func @_body(%arg0: i32, %arg1: i32, %arg2: memref<32x80x128xi32, #tpu.memory_space<hbm>>, %arg3: memref<1000000x32xf32, #tpu.memory_space<hbm>>, %arg4: memref<16384x32xf32, #tpu.memory_space<hbm>>, %arg5: memref<80x128xi32, #tpu.memory_space<vmem>>, %arg6: memref<320x32xf32, #tpu.memory_space<vmem>>, %arg7: memref<320x32xf32, #tpu.memory_space<vmem>>, %arg8: memref<16x32xf32, #tpu.memory_space<vmem>>, %arg9: memref<16x32xf32, #tpu.memory_space<vmem>>, %arg10: memref<!tpu.dma_semaphore, #tpu.memory_space<semaphore_mem>>, %arg11: memref<!tpu.dma_semaphore, #tpu.memory_space<semaphore_mem>>, %arg12: memref<!tpu.dma_semaphore, #tpu.memory_space<semaphore_mem>>, %arg13: memref<!tpu.dma_semaphore, #tpu.memory_space<semaphore_mem>>) attributes {dimension_semantics = [#tpu.dimension_semantics<core_parallel>, #tpu.dimension_semantics<subcore_parallel>], iteration_bounds = array<i64: 2, 16>, scalar_prefetch = 0 : i64, scratch_operands = 9 : i64, tpu.core_type = #tpu.core_type<sc_vector_subcore>, window_params = [{transform_indices = #map}, {transform_indices = #map1}, {transform_indices = #map1}]} {
    %mul3A = arith.constant 2 : i32
    %mul3A_0 = arith.muli %arg1, %mul3A : i32
    %add3A = arith.addi %mul3A_0, %arg0 : i32
    %mul3A_1 = arith.constant 512 : i32
    %mul3A_2 = arith.muli %add3A, %mul3A_1 : i32
    "tpu.region"() ({
      %run_scoped3A = tpu.sem_alloc : memref<!tpu.dma_semaphore, #tpu.memory_space<semaphore_mem>>
      %dma_start3A = arith.constant 0 : i32
      %dma_start3A_27 = arith.constant 0 : i32
      %dma_start3A_28 = tpu.memref_slice %arg2[%add3A, %dma_start3A, %dma_start3A_27] : memref<32x80x128xi32, #tpu.memory_space<hbm>> -> memref<1x80x128xi32, #tpu.memory_space<hbm>>
      %dma_start3A_29 = tpu.memref_squeeze %dma_start3A_28 : memref<1x80x128xi32, #tpu.memory_space<hbm>> -> memref<80x128xi32, #tpu.memory_space<hbm>>
      %dma_start3A_30 = arith.constant 0 : i32
      %dma_start3A_31 = arith.constant 0 : i32
      %dma_start3A_32 = tpu.memref_slice %arg2[%add3A, %dma_start3A_30, %dma_start3A_31] : memref<32x80x128xi32, #tpu.memory_space<hbm>> -> memref<1x80x128xi32, #tpu.memory_space<hbm>>
      %dma_start3A_33 = tpu.memref_squeeze %dma_start3A_32 : memref<1x80x128xi32, #tpu.memory_space<hbm>> -> memref<80x128xi32, #tpu.memory_space<hbm>>
      tpu.enqueue_dma source(%dma_start3A_33 : memref<80x128xi32, #tpu.memory_space<hbm>>) target(%arg5 : memref<80x128xi32, #tpu.memory_space<vmem>>) target_semaphore(%run_scoped3A : memref<!tpu.dma_semaphore, #tpu.memory_space<semaphore_mem>>)
      %dma_wait3A_34 = arith.constant 0 : i32
      %dma_wait3A_35 = arith.constant 0 : i32
      %dma_wait3A_36 = tpu.memref_slice %arg2[%add3A, %dma_wait3A_34, %dma_wait3A_35] : memref<32x80x128xi32, #tpu.memory_space<hbm>> -> memref<1x80x128xi32, #tpu.memory_space<hbm>>
      %dma_wait3A_37 = tpu.memref_squeeze %dma_wait3A_36 : memref<1x80x128xi32, #tpu.memory_space<hbm>> -> memref<80x128xi32, #tpu.memory_space<hbm>>
      %dma_wait3A_38 = arith.constant 0 : i32
      %dma_wait3A_39 = arith.constant 0 : i32
      %dma_wait3A_40 = tpu.memref_slice %arg2[%add3A, %dma_wait3A_38, %dma_wait3A_39] : memref<32x80x128xi32, #tpu.memory_space<hbm>> -> memref<1x80x128xi32, #tpu.memory_space<hbm>>
      %dma_wait3A_41 = tpu.memref_squeeze %dma_wait3A_40 : memref<1x80x128xi32, #tpu.memory_space<hbm>> -> memref<80x128xi32, #tpu.memory_space<hbm>>
      tpu.wait_dma2 semaphore(%run_scoped3A : memref<!tpu.dma_semaphore, #tpu.memory_space<semaphore_mem>>) src(%dma_wait3A_41 : memref<80x128xi32, #tpu.memory_space<hbm>>) dst(%arg5 : memref<80x128xi32, #tpu.memory_space<vmem>>)
      tpu.yield
    }) : () -> ()
    %scan3A = arith.constant 0 : i32
    %scan3A_3 = arith.constant 0 : i32
    %scan3A_4 = arith.constant 20 : i32
    %scan3A_5 = arith.addi %scan3A_3, %scan3A_4 : i32
    %scan3A_6 = arith.constant 1 : i32
    %scan3A_7 = scf.for %scan3A_27 = %scan3A_3 to %scan3A_5 step %scan3A_6 iter_args(%scan3A_28 = %scan3A) -> (i32)  : i32 {
      %add3A_29 = arith.constant 0 : i32
      %add3A_30 = arith.addi %add3A_29, %scan3A_27 : i32
      %shift_right_arithmetic3A = arith.constant 3 : i32
      %shift_right_arithmetic3A_31 = arith.shrsi %add3A_30, %shift_right_arithmetic3A : i32
      %and3A = arith.constant 7 : i32
      %and3A_32 = arith.andi %add3A_30, %and3A : i32
      %mul3A_33 = arith.constant 16 : i32
      %mul3A_34 = arith.muli %and3A_32, %mul3A_33 : i32
      %get3A = arith.index_cast %shift_right_arithmetic3A_31 : i32 to index
      %get3A_35 = arith.index_cast %mul3A_34 : i32 to index
      %get3A_36 = tpu.vector_load %arg5[%get3A, %get3A_35] {strides = array<i32>} : memref<80x128xi32, #tpu.memory_space<vmem>>, vector<1x16xi32>,
      %get3A_37 = vector.shape_cast %get3A_36 : vector<1x16xi32> to vector<16xi32>
      %slice3A = vector.extract_strided_slice %get3A_37 {offsets = [0], sizes = [1], strides = [1]} : vector<16xi32> to vector<1xi32>
      %squeeze3A = vector.extract %slice3A[0] : i32 from vector<1xi32>
      %mul3A_38 = arith.constant 16 : i32
      %mul3A_39 = arith.muli %scan3A_27, %mul3A_38 : i32
      %add3A_40 = arith.constant 0 : i32
      %add3A_41 = arith.addi %mul3A_39, %add3A_40 : i32
      %dma_start3A = arith.constant 0 : i32
      %dma_start3A_42 = tpu.memref_slice %arg6[%add3A_41, %dma_start3A] : memref<320x32xf32, #tpu.memory_space<vmem>> -> memref<1x32xf32, #tpu.memory_space<vmem>>
      %dma_start3A_43 = tpu.memref_squeeze %dma_start3A_42 : memref<1x32xf32, #tpu.memory_space<vmem>> -> memref<32xf32, #tpu.memory_space<vmem>>
      %dma_start3A_44 = arith.constant 0 : i32
      %dma_start3A_45 = tpu.memref_slice %arg3[%squeeze3A, %dma_start3A_44] : memref<1000000x32xf32, #tpu.memory_space<hbm>> -> memref<1x32xf32, #tpu.memory_space<hbm>>
      %dma_start3A_46 = tpu.memref_squeeze %dma_start3A_45 : memref<1x32xf32, #tpu.memory_space<hbm>> -> memref<32xf32, #tpu.memory_space<hbm>>
      %dma_start3A_47 = arith.constant 0 : i32
      %dma_start3A_48 = tpu.memref_slice %arg6[%add3A_41, %dma_start3A_47] : memref<320x32xf32, #tpu.memory_space<vmem>> -> memref<1x32xf32, #tpu.memory_space<vmem>>
      %dma_start3A_49 = tpu.memref_squeeze %dma_start3A_48 : memref<1x32xf32, #tpu.memory_space<vmem>> -> memref<32xf32, #tpu.memory_space<vmem>>
      %dma_start3A_50 = arith.constant 0 : i32
      %dma_start3A_51 = tpu.memref_slice %arg3[%squeeze3A, %dma_start3A_50] : memref<1000000x32xf32, #tpu.memory_space<hbm>> -> memref<1x32xf32, #tpu.memory_space<hbm>>
      %dma_start3A_52 = tpu.memref_squeeze %dma_start3A_51 : memref<1x32xf32, #tpu.memory_space<hbm>> -> memref<32xf32, #tpu.memory_space<hbm>>
      tpu.enqueue_dma source(%dma_start3A_52 : memref<32xf32, #tpu.memory_space<hbm>>) target(%dma_start3A_49 : memref<32xf32, #tpu.memory_space<vmem>>) target_semaphore(%arg10 : memref<!tpu.dma_semaphore, #tpu.memory_space<semaphore_mem>>)
      %slice3A_53 = vector.extract_strided_slice %get3A_37 {offsets = [1], sizes = [1], strides = [1]} : vector<16xi32> to vector<1xi32>
      %squeeze3A_54 = vector.extract %slice3A_53[0] : i32 from vector<1xi32>
      %mul3A_55 = arith.constant 16 : i32
      %mul3A_56 = arith.muli %scan3A_27, %mul3A_55 : i32
      %add3A_57 = arith.constant 1 : i32
      %add3A_58 = arith.addi %mul3A_56, %add3A_57 : i32
      %dma_start3A_59 = arith.constant 0 : i32
      %dma_start3A_60 = tpu.memref_slice %arg6[%add3A_58, %dma_start3A_59] : memref<320x32xf32, #tpu.memory_space<vmem>> -> memref<1x32xf32, #tpu.memory_space<vmem>>
      %dma_start3A_61 = tpu.memref_squeeze %dma_start3A_60 : memref<1x32xf32, #tpu.memory_space<vmem>> -> memref<32xf32, #tpu.memory_space<vmem>>
      %dma_start3A_62 = arith.constant 0 : i32
      %dma_start3A_63 = tpu.memref_slice %arg3[%squeeze3A_54, %dma_start3A_62] : memref<1000000x32xf32, #tpu.memory_space<hbm>> -> memref<1x32xf32, #tpu.memory_space<hbm>>
      %dma_start3A_64 = tpu.memref_squeeze %dma_start3A_63 : memref<1x32xf32, #tpu.memory_space<hbm>> -> memref<32xf32, #tpu.memory_space<hbm>>
      %dma_start3A_65 = arith.constant 0 : i32
      %dma_start3A_66 = tpu.memref_slice %arg6[%add3A_58, %dma_start3A_65] : memref<320x32xf32, #tpu.memory_space<vmem>> -> memref<1x32xf32, #tpu.memory_space<vmem>>
      %dma_start3A_67 = tpu.memref_squeeze %dma_start3A_66 : memref<1x32xf32, #tpu.memory_space<vmem>> -> memref<32xf32, #tpu.memory_space<vmem>>
      %dma_start3A_68 = arith.constant 0 : i32
      %dma_start3A_69 = tpu.memref_slice %arg3[%squeeze3A_54, %dma_start3A_68] : memref<1000000x32xf32, #tpu.memory_space<hbm>> -> memref<1x32xf32, #tpu.memory_space<hbm>>
      %dma_start3A_70 = tpu.memref_squeeze %dma_start3A_69 : memref<1x32xf32, #tpu.memory_space<hbm>> -> memref<32xf32, #tpu.memory_space<hbm>>
      tpu.enqueue_dma source(%dma_start3A_70 : memref<32xf32, #tpu.memory_space<hbm>>) target(%dma_start3A_67 : memref<32xf32, #tpu.memory_space<vmem>>) target_semaphore(%arg10 : memref<!tpu.dma_semaphore, #tpu.memory_space<semaphore_mem>>)
      %slice3A_71 = vector.extract_strided_slice %get3A_37 {offsets = [2], sizes = [1], strides = [1]} : vector<16xi32> to vector<1xi32>
      %squeeze3A_72 = vector.extract %slice3A_71[0] : i32 from vector<1xi32>
      %mul3A_73 = arith.constant 16 : i32
      %mul3A_74 = arith.muli %scan3A_27, %mul3A_73 : i32
      %add3A_75 = arith.constant 2 : i32
      %add3A_76 = arith.addi %mul3A_74, %add3A_75 : i32
      %dma_start3A_77 = arith.constant 0 : i32
      %dma_start3A_78 = tpu.memref_slice %arg6[%add3A_76, %dma_start3A_77] : memref<320x32xf32, #tpu.memory_space<vmem>> -> memref<1x32xf32, #tpu.memory_space<vmem>>
      %dma_start3A_79 = tpu.memref_squeeze %dma_start3A_78 : memref<1x32xf32, #tpu.memory_space<vmem>> -> memref<32xf32, #tpu.memory_space<vmem>>
      %dma_start3A_80 = arith.constant 0 : i32
      %dma_start3A_81 = tpu.memref_slice %arg3[%squeeze3A_72, %dma_start3A_80] : memref<1000000x32xf32, #tpu.memory_space<hbm>> -> memref<1x32xf32, #tpu.memory_space<hbm>>
      %dma_start3A_82 = tpu.memref_squeeze %dma_start3A_81 : memref<1x32xf32, #tpu.memory_space<hbm>> -> memref<32xf32, #tpu.memory_space<hbm>>
      %dma_start3A_83 = arith.constant 0 : i32
      %dma_start3A_84 = tpu.memref_slice %arg6[%add3A_76, %dma_start3A_83] : memref<320x32xf32, #tpu.memory_space<vmem>> -> memref<1x32xf32, #tpu.memory_space<vmem>>
      %dma_start3A_85 = tpu.memref_squeeze %dma_start3A_84 : memref<1x32xf32, #tpu.memory_space<vmem>> -> memref<32xf32, #tpu.memory_space<vmem>>
      %dma_start3A_86 = arith.constant 0 : i32
      %dma_start3A_87 = tpu.memref_slice %arg3[%squeeze3A_72, %dma_start3A_86] : memref<1000000x32xf32, #tpu.memory_space<hbm>> -> memref<1x32xf32, #tpu.memory_space<hbm>>
      %dma_start3A_88 = tpu.memref_squeeze %dma_start3A_87 : memref<1x32xf32, #tpu.memory_space<hbm>> -> memref<32xf32, #tpu.memory_space<hbm>>
      tpu.enqueue_dma source(%dma_start3A_88 : memref<32xf32, #tpu.memory_space<hbm>>) target(%dma_start3A_85 : memref<32xf32, #tpu.memory_space<vmem>>) target_semaphore(%arg10 : memref<!tpu.dma_semaphore, #tpu.memory_space<semaphore_mem>>)
      %slice3A_89 = vector.extract_strided_slice %get3A_37 {offsets = [3], sizes = [1], strides = [1]} : vector<16xi32> to vector<1xi32>
      %squeeze3A_90 = vector.extract %slice3A_89[0] : i32 from vector<1xi32>
      %mul3A_91 = arith.constant 16 : i32
      %mul3A_92 = arith.muli %scan3A_27, %mul3A_91 : i32
      %add3A_93 = arith.constant 3 : i32
      %add3A_94 = arith.addi %mul3A_92, %add3A_93 : i32
      %dma_start3A_95 = arith.constant 0 : i32
      %dma_start3A_96 = tpu.memref_slice %arg6[%add3A_94, %dma_start3A_95] : memref<320x32xf32, #tpu.memory_space<vmem>> -> memref<1x32xf32, #tpu.memory_space<vmem>>
      %dma_start3A_97 = tpu.memref_squeeze %dma_start3A_96 : memref<1x32xf32, #tpu.memory_space<vmem>> -> memref<32xf32, #tpu.memory_space<vmem>>
      %dma_start3A_98 = arith.constant 0 : i32
      %dma_start3A_99 = tpu.memref_slice %arg3[%squeeze3A_90, %dma_start3A_98] : memref<1000000x32xf32, #tpu.memory_space<hbm>> -> memref<1x32xf32, #tpu.memory_space<hbm>>
      %dma_start3A_100 = tpu.memref_squeeze %dma_start3A_99 : memref<1x32xf32, #tpu.memory_space<hbm>> -> memref<32xf32, #tpu.memory_space<hbm>>
      %dma_start3A_101 = arith.constant 0 : i32
      %dma_start3A_102 = tpu.memref_slice %arg6[%add3A_94, %dma_start3A_101] : memref<320x32xf32, #tpu.memory_space<vmem>> -> memref<1x32xf32, #tpu.memory_space<vmem>>
      %dma_start3A_103 = tpu.memref_squeeze %dma_start3A_102 : memref<1x32xf32, #tpu.memory_space<vmem>> -> memref<32xf32, #tpu.memory_space<vmem>>
      %dma_start3A_104 = arith.constant 0 : i32
      %dma_start3A_105 = tpu.memref_slice %arg3[%squeeze3A_90, %dma_start3A_104] : memref<1000000x32xf32, #tpu.memory_space<hbm>> -> memref<1x32xf32, #tpu.memory_space<hbm>>
      %dma_start3A_106 = tpu.memref_squeeze %dma_start3A_105 : memref<1x32xf32, #tpu.memory_space<hbm>> -> memref<32xf32, #tpu.memory_space<hbm>>
      tpu.enqueue_dma source(%dma_start3A_106 : memref<32xf32, #tpu.memory_space<hbm>>) target(%dma_start3A_103 : memref<32xf32, #tpu.memory_space<vmem>>) target_semaphore(%arg10 : memref<!tpu.dma_semaphore, #tpu.memory_space<semaphore_mem>>)
      %slice3A_107 = vector.extract_strided_slice %get3A_37 {offsets = [4], sizes = [1], strides = [1]} : vector<16xi32> to vector<1xi32>
      %squeeze3A_108 = vector.extract %slice3A_107[0] : i32 from vector<1xi32>
      %mul3A_109 = arith.constant 16 : i32
      %mul3A_110 = arith.muli %scan3A_27, %mul3A_109 : i32
      %add3A_111 = arith.constant 4 : i32
      %add3A_112 = arith.addi %mul3A_110, %add3A_111 : i32
      %dma_start3A_113 = arith.constant 0 : i32
      %dma_start3A_114 = tpu.memref_slice %arg6[%add3A_112, %dma_start3A_113] : memref<320x32xf32, #tpu.memory_space<vmem>> -> memref<1x32xf32, #tpu.memory_space<vmem>>
      %dma_start3A_115 = tpu.memref_squeeze %dma_start3A_114 : memref<1x32xf32, #tpu.memory_space<vmem>> -> memref<32xf32, #tpu.memory_space<vmem>>
      %dma_start3A_116 = arith.constant 0 : i32
      %dma_start3A_117 = tpu.memref_slice %arg3[%squeeze3A_108, %dma_start3A_116] : memref<1000000x32xf32, #tpu.memory_space<hbm>> -> memref<1x32xf32, #tpu.memory_space<hbm>>
      %dma_start3A_118 = tpu.memref_squeeze %dma_start3A_117 : memref<1x32xf32, #tpu.memory_space<hbm>> -> memref<32xf32, #tpu.memory_space<hbm>>
      %dma_start3A_119 = arith.constant 0 : i32
      %dma_start3A_120 = tpu.memref_slice %arg6[%add3A_112, %dma_start3A_119] : memref<320x32xf32, #tpu.memory_space<vmem>> -> memref<1x32xf32, #tpu.memory_space<vmem>>
      %dma_start3A_121 = tpu.memref_squeeze %dma_start3A_120 : memref<1x32xf32, #tpu.memory_space<vmem>> -> memref<32xf32, #tpu.memory_space<vmem>>
      %dma_start3A_122 = arith.constant 0 : i32
      %dma_start3A_123 = tpu.memref_slice %arg3[%squeeze3A_108, %dma_start3A_122] : memref<1000000x32xf32, #tpu.memory_space<hbm>> -> memref<1x32xf32, #tpu.memory_space<hbm>>
      %dma_start3A_124 = tpu.memref_squeeze %dma_start3A_123 : memref<1x32xf32, #tpu.memory_space<hbm>> -> memref<32xf32, #tpu.memory_space<hbm>>
      tpu.enqueue_dma source(%dma_start3A_124 : memref<32xf32, #tpu.memory_space<hbm>>) target(%dma_start3A_121 : memref<32xf32, #tpu.memory_space<vmem>>) target_semaphore(%arg10 : memref<!tpu.dma_semaphore, #tpu.memory_space<semaphore_mem>>)
      %slice3A_125 = vector.extract_strided_slice %get3A_37 {offsets = [5], sizes = [1], strides = [1]} : vector<16xi32> to vector<1xi32>
      %squeeze3A_126 = vector.extract %slice3A_125[0] : i32 from vector<1xi32>
      %mul3A_127 = arith.constant 16 : i32
      %mul3A_128 = arith.muli %scan3A_27, %mul3A_127 : i32
      %add3A_129 = arith.constant 5 : i32
      %add3A_130 = arith.addi %mul3A_128, %add3A_129 : i32
      %dma_start3A_131 = arith.constant 0 : i32
      %dma_start3A_132 = tpu.memref_slice %arg6[%add3A_130, %dma_start3A_131] : memref<320x32xf32, #tpu.memory_space<vmem>> -> memref<1x32xf32, #tpu.memory_space<vmem>>
      %dma_start3A_133 = tpu.memref_squeeze %dma_start3A_132 : memref<1x32xf32, #tpu.memory_space<vmem>> -> memref<32xf32, #tpu.memory_space<vmem>>
      %dma_start3A_134 = arith.constant 0 : i32
      %dma_start3A_135 = tpu.memref_slice %arg3[%squeeze3A_126, %dma_start3A_134] : memref<1000000x32xf32, #tpu.memory_space<hbm>> -> memref<1x32xf32, #tpu.memory_space<hbm>>
      %dma_start3A_136 = tpu.memref_squeeze %dma_start3A_135 : memref<1x32xf32, #tpu.memory_space<hbm>> -> memref<32xf32, #tpu.memory_space<hbm>>
      %dma_start3A_137 = arith.constant 0 : i32
      %dma_start3A_138 = tpu.memref_slice %arg6[%add3A_130, %dma_start3A_137] : memref<320x32xf32, #tpu.memory_space<vmem>> -> memref<1x32xf32, #tpu.memory_space<vmem>>
      %dma_start3A_139 = tpu.memref_squeeze %dma_start3A_138 : memref<1x32xf32, #tpu.memory_space<vmem>> -> memref<32xf32, #tpu.memory_space<vmem>>
      %dma_start3A_140 = arith.constant 0 : i32
      %dma_start3A_141 = tpu.memref_slice %arg3[%squeeze3A_126, %dma_start3A_140] : memref<1000000x32xf32, #tpu.memory_space<hbm>> -> memref<1x32xf32, #tpu.memory_space<hbm>>
      %dma_start3A_142 = tpu.memref_squeeze %dma_start3A_141 : memref<1x32xf32, #tpu.memory_space<hbm>> -> memref<32xf32, #tpu.memory_space<hbm>>
      tpu.enqueue_dma source(%dma_start3A_142 : memref<32xf32, #tpu.memory_space<hbm>>) target(%dma_start3A_139 : memref<32xf32, #tpu.memory_space<vmem>>) target_semaphore(%arg10 : memref<!tpu.dma_semaphore, #tpu.memory_space<semaphore_mem>>)
      %slice3A_143 = vector.extract_strided_slice %get3A_37 {offsets = [6], sizes = [1], strides = [1]} : vector<16xi32> to vector<1xi32>
      %squeeze3A_144 = vector.extract %slice3A_143[0] : i32 from vector<1xi32>
      %mul3A_145 = arith.constant 16 : i32
      %mul3A_146 = arith.muli %scan3A_27, %mul3A_145 : i32
      %add3A_147 = arith.constant 6 : i32
      %add3A_148 = arith.addi %mul3A_146, %add3A_147 : i32
      %dma_start3A_149 = arith.constant 0 : i32
      %dma_start3A_150 = tpu.memref_slice %arg6[%add3A_148, %dma_start3A_149] : memref<320x32xf32, #tpu.memory_space<vmem>> -> memref<1x32xf32, #tpu.memory_space<vmem>>
      %dma_start3A_151 = tpu.memref_squeeze %dma_start3A_150 : memref<1x32xf32, #tpu.memory_space<vmem>> -> memref<32xf32, #tpu.memory_space<vmem>>
      %dma_start3A_152 = arith.constant 0 : i32
      %dma_start3A_153 = tpu.memref_slice %arg3[%squeeze3A_144, %dma_start3A_152] : memref<1000000x32xf32, #tpu.memory_space<hbm>> -> memref<1x32xf32, #tpu.memory_space<hbm>>
      %dma_start3A_154 = tpu.memref_squeeze %dma_start3A_153 : memref<1x32xf32, #tpu.memory_space<hbm>> -> memref<32xf32, #tpu.memory_space<hbm>>
      %dma_start3A_155 = arith.constant 0 : i32
      %dma_start3A_156 = tpu.memref_slice %arg6[%add3A_148, %dma_start3A_155] : memref<320x32xf32, #tpu.memory_space<vmem>> -> memref<1x32xf32, #tpu.memory_space<vmem>>
      %dma_start3A_157 = tpu.memref_squeeze %dma_start3A_156 : memref<1x32xf32, #tpu.memory_space<vmem>> -> memref<32xf32, #tpu.memory_space<vmem>>
      %dma_start3A_158 = arith.constant 0 : i32
      %dma_start3A_159 = tpu.memref_slice %arg3[%squeeze3A_144, %dma_start3A_158] : memref<1000000x32xf32, #tpu.memory_space<hbm>> -> memref<1x32xf32, #tpu.memory_space<hbm>>
      %dma_start3A_160 = tpu.memref_squeeze %dma_start3A_159 : memref<1x32xf32, #tpu.memory_space<hbm>> -> memref<32xf32, #tpu.memory_space<hbm>>
      tpu.enqueue_dma source(%dma_start3A_160 : memref<32xf32, #tpu.memory_space<hbm>>) target(%dma_start3A_157 : memref<32xf32, #tpu.memory_space<vmem>>) target_semaphore(%arg10 : memref<!tpu.dma_semaphore, #tpu.memory_space<semaphore_mem>>)
      %slice3A_161 = vector.extract_strided_slice %get3A_37 {offsets = [7], sizes = [1], strides = [1]} : vector<16xi32> to vector<1xi32>
      %squeeze3A_162 = vector.extract %slice3A_161[0] : i32 from vector<1xi32>
      %mul3A_163 = arith.constant 16 : i32
      %mul3A_164 = arith.muli %scan3A_27, %mul3A_163 : i32
      %add3A_165 = arith.constant 7 : i32
      %add3A_166 = arith.addi %mul3A_164, %add3A_165 : i32
      %dma_start3A_167 = arith.constant 0 : i32
      %dma_start3A_168 = tpu.memref_slice %arg6[%add3A_166, %dma_start3A_167] : memref<320x32xf32, #tpu.memory_space<vmem>> -> memref<1x32xf32, #tpu.memory_space<vmem>>
      %dma_start3A_169 = tpu.memref_squeeze %dma_start3A_168 : memref<1x32xf32, #tpu.memory_space<vmem>> -> memref<32xf32, #tpu.memory_space<vmem>>
      %dma_start3A_170 = arith.constant 0 : i32
      %dma_start3A_171 = tpu.memref_slice %arg3[%squeeze3A_162, %dma_start3A_170] : memref<1000000x32xf32, #tpu.memory_space<hbm>> -> memref<1x32xf32, #tpu.memory_space<hbm>>
      %dma_start3A_172 = tpu.memref_squeeze %dma_start3A_171 : memref<1x32xf32, #tpu.memory_space<hbm>> -> memref<32xf32, #tpu.memory_space<hbm>>
      %dma_start3A_173 = arith.constant 0 : i32
      %dma_start3A_174 = tpu.memref_slice %arg6[%add3A_166, %dma_start3A_173] : memref<320x32xf32, #tpu.memory_space<vmem>> -> memref<1x32xf32, #tpu.memory_space<vmem>>
      %dma_start3A_175 = tpu.memref_squeeze %dma_start3A_174 : memref<1x32xf32, #tpu.memory_space<vmem>> -> memref<32xf32, #tpu.memory_space<vmem>>
      %dma_start3A_176 = arith.constant 0 : i32
      %dma_start3A_177 = tpu.memref_slice %arg3[%squeeze3A_162, %dma_start3A_176] : memref<1000000x32xf32, #tpu.memory_space<hbm>> -> memref<1x32xf32, #tpu.memory_space<hbm>>
      %dma_start3A_178 = tpu.memref_squeeze %dma_start3A_177 : memref<1x32xf32, #tpu.memory_space<hbm>> -> memref<32xf32, #tpu.memory_space<hbm>>
      tpu.enqueue_dma source(%dma_start3A_178 : memref<32xf32, #tpu.memory_space<hbm>>) target(%dma_start3A_175 : memref<32xf32, #tpu.memory_space<vmem>>) target_semaphore(%arg10 : memref<!tpu.dma_semaphore, #tpu.memory_space<semaphore_mem>>)
      %slice3A_179 = vector.extract_strided_slice %get3A_37 {offsets = [8], sizes = [1], strides = [1]} : vector<16xi32> to vector<1xi32>
      %squeeze3A_180 = vector.extract %slice3A_179[0] : i32 from vector<1xi32>
      %mul3A_181 = arith.constant 16 : i32
      %mul3A_182 = arith.muli %scan3A_27, %mul3A_181 : i32
      %add3A_183 = arith.constant 8 : i32
      %add3A_184 = arith.addi %mul3A_182, %add3A_183 : i32
      %dma_start3A_185 = arith.constant 0 : i32
      %dma_start3A_186 = tpu.memref_slice %arg6[%add3A_184, %dma_start3A_185] : memref<320x32xf32, #tpu.memory_space<vmem>> -> memref<1x32xf32, #tpu.memory_space<vmem>>
      %dma_start3A_187 = tpu.memref_squeeze %dma_start3A_186 : memref<1x32xf32, #tpu.memory_space<vmem>> -> memref<32xf32, #tpu.memory_space<vmem>>
      %dma_start3A_188 = arith.constant 0 : i32
      %dma_start3A_189 = tpu.memref_slice %arg3[%squeeze3A_180, %dma_start3A_188] : memref<1000000x32xf32, #tpu.memory_space<hbm>> -> memref<1x32xf32, #tpu.memory_space<hbm>>
      %dma_start3A_190 = tpu.memref_squeeze %dma_start3A_189 : memref<1x32xf32, #tpu.memory_space<hbm>> -> memref<32xf32, #tpu.memory_space<hbm>>
      %dma_start3A_191 = arith.constant 0 : i32
      %dma_start3A_192 = tpu.memref_slice %arg6[%add3A_184, %dma_start3A_191] : memref<320x32xf32, #tpu.memory_space<vmem>> -> memref<1x32xf32, #tpu.memory_space<vmem>>
      %dma_start3A_193 = tpu.memref_squeeze %dma_start3A_192 : memref<1x32xf32, #tpu.memory_space<vmem>> -> memref<32xf32, #tpu.memory_space<vmem>>
      %dma_start3A_194 = arith.constant 0 : i32
      %dma_start3A_195 = tpu.memref_slice %arg3[%squeeze3A_180, %dma_start3A_194] : memref<1000000x32xf32, #tpu.memory_space<hbm>> -> memref<1x32xf32, #tpu.memory_space<hbm>>
      %dma_start3A_196 = tpu.memref_squeeze %dma_start3A_195 : memref<1x32xf32, #tpu.memory_space<hbm>> -> memref<32xf32, #tpu.memory_space<hbm>>
      tpu.enqueue_dma source(%dma_start3A_196 : memref<32xf32, #tpu.memory_space<hbm>>) target(%dma_start3A_193 : memref<32xf32, #tpu.memory_space<vmem>>) target_semaphore(%arg10 : memref<!tpu.dma_semaphore, #tpu.memory_space<semaphore_mem>>)
      %slice3A_197 = vector.extract_strided_slice %get3A_37 {offsets = [9], sizes = [1], strides = [1]} : vector<16xi32> to vector<1xi32>
      %squeeze3A_198 = vector.extract %slice3A_197[0] : i32 from vector<1xi32>
      %mul3A_199 = arith.constant 16 : i32
      %mul3A_200 = arith.muli %scan3A_27, %mul3A_199 : i32
      %add3A_201 = arith.constant 9 : i32
      %add3A_202 = arith.addi %mul3A_200, %add3A_201 : i32
      %dma_start3A_203 = arith.constant 0 : i32
      %dma_start3A_204 = tpu.memref_slice %arg6[%add3A_202, %dma_start3A_203] : memref<320x32xf32, #tpu.memory_space<vmem>> -> memref<1x32xf32, #tpu.memory_space<vmem>>
      %dma_start3A_205 = tpu.memref_squeeze %dma_start3A_204 : memref<1x32xf32, #tpu.memory_space<vmem>> -> memref<32xf32, #tpu.memory_space<vmem>>
      %dma_start3A_206 = arith.constant 0 : i32
      %dma_start3A_207 = tpu.memref_slice %arg3[%squeeze3A_198, %dma_start3A_206] : memref<1000000x32xf32, #tpu.memory_space<hbm>> -> memref<1x32xf32, #tpu.memory_space<hbm>>
      %dma_start3A_208 = tpu.memref_squeeze %dma_start3A_207 : memref<1x32xf32, #tpu.memory_space<hbm>> -> memref<32xf32, #tpu.memory_space<hbm>>
      %dma_start3A_209 = arith.constant 0 : i32
      %dma_start3A_210 = tpu.memref_slice %arg6[%add3A_202, %dma_start3A_209] : memref<320x32xf32, #tpu.memory_space<vmem>> -> memref<1x32xf32, #tpu.memory_space<vmem>>
      %dma_start3A_211 = tpu.memref_squeeze %dma_start3A_210 : memref<1x32xf32, #tpu.memory_space<vmem>> -> memref<32xf32, #tpu.memory_space<vmem>>
      %dma_start3A_212 = arith.constant 0 : i32
      %dma_start3A_213 = tpu.memref_slice %arg3[%squeeze3A_198, %dma_start3A_212] : memref<1000000x32xf32, #tpu.memory_space<hbm>> -> memref<1x32xf32, #tpu.memory_space<hbm>>
      %dma_start3A_214 = tpu.memref_squeeze %dma_start3A_213 : memref<1x32xf32, #tpu.memory_space<hbm>> -> memref<32xf32, #tpu.memory_space<hbm>>
      tpu.enqueue_dma source(%dma_start3A_214 : memref<32xf32, #tpu.memory_space<hbm>>) target(%dma_start3A_211 : memref<32xf32, #tpu.memory_space<vmem>>) target_semaphore(%arg10 : memref<!tpu.dma_semaphore, #tpu.memory_space<semaphore_mem>>)
      %slice3A_215 = vector.extract_strided_slice %get3A_37 {offsets = [10], sizes = [1], strides = [1]} : vector<16xi32> to vector<1xi32>
      %squeeze3A_216 = vector.extract %slice3A_215[0] : i32 from vector<1xi32>
      %mul3A_217 = arith.constant 16 : i32
      %mul3A_218 = arith.muli %scan3A_27, %mul3A_217 : i32
      %add3A_219 = arith.constant 10 : i32
      %add3A_220 = arith.addi %mul3A_218, %add3A_219 : i32
      %dma_start3A_221 = arith.constant 0 : i32
      %dma_start3A_222 = tpu.memref_slice %arg6[%add3A_220, %dma_start3A_221] : memref<320x32xf32, #tpu.memory_space<vmem>> -> memref<1x32xf32, #tpu.memory_space<vmem>>
      %dma_start3A_223 = tpu.memref_squeeze %dma_start3A_222 : memref<1x32xf32, #tpu.memory_space<vmem>> -> memref<32xf32, #tpu.memory_space<vmem>>
      %dma_start3A_224 = arith.constant 0 : i32
      %dma_start3A_225 = tpu.memref_slice %arg3[%squeeze3A_216, %dma_start3A_224] : memref<1000000x32xf32, #tpu.memory_space<hbm>> -> memref<1x32xf32, #tpu.memory_space<hbm>>
      %dma_start3A_226 = tpu.memref_squeeze %dma_start3A_225 : memref<1x32xf32, #tpu.memory_space<hbm>> -> memref<32xf32, #tpu.memory_space<hbm>>
      %dma_start3A_227 = arith.constant 0 : i32
      %dma_start3A_228 = tpu.memref_slice %arg6[%add3A_220, %dma_start3A_227] : memref<320x32xf32, #tpu.memory_space<vmem>> -> memref<1x32xf32, #tpu.memory_space<vmem>>
      %dma_start3A_229 = tpu.memref_squeeze %dma_start3A_228 : memref<1x32xf32, #tpu.memory_space<vmem>> -> memref<32xf32, #tpu.memory_space<vmem>>
      %dma_start3A_230 = arith.constant 0 : i32
      %dma_start3A_231 = tpu.memref_slice %arg3[%squeeze3A_216, %dma_start3A_230] : memref<1000000x32xf32, #tpu.memory_space<hbm>> -> memref<1x32xf32, #tpu.memory_space<hbm>>
      %dma_start3A_232 = tpu.memref_squeeze %dma_start3A_231 : memref<1x32xf32, #tpu.memory_space<hbm>> -> memref<32xf32, #tpu.memory_space<hbm>>
      tpu.enqueue_dma source(%dma_start3A_232 : memref<32xf32, #tpu.memory_space<hbm>>) target(%dma_start3A_229 : memref<32xf32, #tpu.memory_space<vmem>>) target_semaphore(%arg10 : memref<!tpu.dma_semaphore, #tpu.memory_space<semaphore_mem>>)
      %slice3A_233 = vector.extract_strided_slice %get3A_37 {offsets = [11], sizes = [1], strides = [1]} : vector<16xi32> to vector<1xi32>
      %squeeze3A_234 = vector.extract %slice3A_233[0] : i32 from vector<1xi32>
      %mul3A_235 = arith.constant 16 : i32
      %mul3A_236 = arith.muli %scan3A_27, %mul3A_235 : i32
      %add3A_237 = arith.constant 11 : i32
      %add3A_238 = arith.addi %mul3A_236, %add3A_237 : i32
      %dma_start3A_239 = arith.constant 0 : i32
      %dma_start3A_240 = tpu.memref_slice %arg6[%add3A_238, %dma_start3A_239] : memref<320x32xf32, #tpu.memory_space<vmem>> -> memref<1x32xf32, #tpu.memory_space<vmem>>
      %dma_start3A_241 = tpu.memref_squeeze %dma_start3A_240 : memref<1x32xf32, #tpu.memory_space<vmem>> -> memref<32xf32, #tpu.memory_space<vmem>>
      %dma_start3A_242 = arith.constant 0 : i32
      %dma_start3A_243 = tpu.memref_slice %arg3[%squeeze3A_234, %dma_start3A_242] : memref<1000000x32xf32, #tpu.memory_space<hbm>> -> memref<1x32xf32, #tpu.memory_space<hbm>>
      %dma_start3A_244 = tpu.memref_squeeze %dma_start3A_243 : memref<1x32xf32, #tpu.memory_space<hbm>> -> memref<32xf32, #tpu.memory_space<hbm>>
      %dma_start3A_245 = arith.constant 0 : i32
      %dma_start3A_246 = tpu.memref_slice %arg6[%add3A_238, %dma_start3A_245] : memref<320x32xf32, #tpu.memory_space<vmem>> -> memref<1x32xf32, #tpu.memory_space<vmem>>
      %dma_start3A_247 = tpu.memref_squeeze %dma_start3A_246 : memref<1x32xf32, #tpu.memory_space<vmem>> -> memref<32xf32, #tpu.memory_space<vmem>>
      %dma_start3A_248 = arith.constant 0 : i32
      %dma_start3A_249 = tpu.memref_slice %arg3[%squeeze3A_234, %dma_start3A_248] : memref<1000000x32xf32, #tpu.memory_space<hbm>> -> memref<1x32xf32, #tpu.memory_space<hbm>>
      %dma_start3A_250 = tpu.memref_squeeze %dma_start3A_249 : memref<1x32xf32, #tpu.memory_space<hbm>> -> memref<32xf32, #tpu.memory_space<hbm>>
      tpu.enqueue_dma source(%dma_start3A_250 : memref<32xf32, #tpu.memory_space<hbm>>) target(%dma_start3A_247 : memref<32xf32, #tpu.memory_space<vmem>>) target_semaphore(%arg10 : memref<!tpu.dma_semaphore, #tpu.memory_space<semaphore_mem>>)
      %slice3A_251 = vector.extract_strided_slice %get3A_37 {offsets = [12], sizes = [1], strides = [1]} : vector<16xi32> to vector<1xi32>
      %squeeze3A_252 = vector.extract %slice3A_251[0] : i32 from vector<1xi32>
      %mul3A_253 = arith.constant 16 : i32
      %mul3A_254 = arith.muli %scan3A_27, %mul3A_253 : i32
      %add3A_255 = arith.constant 12 : i32
      %add3A_256 = arith.addi %mul3A_254, %add3A_255 : i32
      %dma_start3A_257 = arith.constant 0 : i32
      %dma_start3A_258 = tpu.memref_slice %arg6[%add3A_256, %dma_start3A_257] : memref<320x32xf32, #tpu.memory_space<vmem>> -> memref<1x32xf32, #tpu.memory_space<vmem>>
      %dma_start3A_259 = tpu.memref_squeeze %dma_start3A_258 : memref<1x32xf32, #tpu.memory_space<vmem>> -> memref<32xf32, #tpu.memory_space<vmem>>
      %dma_start3A_260 = arith.constant 0 : i32
      %dma_start3A_261 = tpu.memref_slice %arg3[%squeeze3A_252, %dma_start3A_260] : memref<1000000x32xf32, #tpu.memory_space<hbm>> -> memref<1x32xf32, #tpu.memory_space<hbm>>
      %dma_start3A_262 = tpu.memref_squeeze %dma_start3A_261 : memref<1x32xf32, #tpu.memory_space<hbm>> -> memref<32xf32, #tpu.memory_space<hbm>>
      %dma_start3A_263 = arith.constant 0 : i32
      %dma_start3A_264 = tpu.memref_slice %arg6[%add3A_256, %dma_start3A_263] : memref<320x32xf32, #tpu.memory_space<vmem>> -> memref<1x32xf32, #tpu.memory_space<vmem>>
      %dma_start3A_265 = tpu.memref_squeeze %dma_start3A_264 : memref<1x32xf32, #tpu.memory_space<vmem>> -> memref<32xf32, #tpu.memory_space<vmem>>
      %dma_start3A_266 = arith.constant 0 : i32
      %dma_start3A_267 = tpu.memref_slice %arg3[%squeeze3A_252, %dma_start3A_266] : memref<1000000x32xf32, #tpu.memory_space<hbm>> -> memref<1x32xf32, #tpu.memory_space<hbm>>
      %dma_start3A_268 = tpu.memref_squeeze %dma_start3A_267 : memref<1x32xf32, #tpu.memory_space<hbm>> -> memref<32xf32, #tpu.memory_space<hbm>>
      tpu.enqueue_dma source(%dma_start3A_268 : memref<32xf32, #tpu.memory_space<hbm>>) target(%dma_start3A_265 : memref<32xf32, #tpu.memory_space<vmem>>) target_semaphore(%arg10 : memref<!tpu.dma_semaphore, #tpu.memory_space<semaphore_mem>>)
      %slice3A_269 = vector.extract_strided_slice %get3A_37 {offsets = [13], sizes = [1], strides = [1]} : vector<16xi32> to vector<1xi32>
      %squeeze3A_270 = vector.extract %slice3A_269[0] : i32 from vector<1xi32>
      %mul3A_271 = arith.constant 16 : i32
      %mul3A_272 = arith.muli %scan3A_27, %mul3A_271 : i32
      %add3A_273 = arith.constant 13 : i32
      %add3A_274 = arith.addi %mul3A_272, %add3A_273 : i32
      %dma_start3A_275 = arith.constant 0 : i32
      %dma_start3A_276 = tpu.memref_slice %arg6[%add3A_274, %dma_start3A_275] : memref<320x32xf32, #tpu.memory_space<vmem>> -> memref<1x32xf32, #tpu.memory_space<vmem>>
      %dma_start3A_277 = tpu.memref_squeeze %dma_start3A_276 : memref<1x32xf32, #tpu.memory_space<vmem>> -> memref<32xf32, #tpu.memory_space<vmem>>
      %dma_start3A_278 = arith.constant 0 : i32
      %dma_start3A_279 = tpu.memref_slice %arg3[%squeeze3A_270, %dma_start3A_278] : memref<1000000x32xf32, #tpu.memory_space<hbm>> -> memref<1x32xf32, #tpu.memory_space<hbm>>
      %dma_start3A_280 = tpu.memref_squeeze %dma_start3A_279 : memref<1x32xf32, #tpu.memory_space<hbm>> -> memref<32xf32, #tpu.memory_space<hbm>>
      %dma_start3A_281 = arith.constant 0 : i32
      %dma_start3A_282 = tpu.memref_slice %arg6[%add3A_274, %dma_start3A_281] : memref<320x32xf32, #tpu.memory_space<vmem>> -> memref<1x32xf32, #tpu.memory_space<vmem>>
      %dma_start3A_283 = tpu.memref_squeeze %dma_start3A_282 : memref<1x32xf32, #tpu.memory_space<vmem>> -> memref<32xf32, #tpu.memory_space<vmem>>
      %dma_start3A_284 = arith.constant 0 : i32
      %dma_start3A_285 = tpu.memref_slice %arg3[%squeeze3A_270, %dma_start3A_284] : memref<1000000x32xf32, #tpu.memory_space<hbm>> -> memref<1x32xf32, #tpu.memory_space<hbm>>
      %dma_start3A_286 = tpu.memref_squeeze %dma_start3A_285 : memref<1x32xf32, #tpu.memory_space<hbm>> -> memref<32xf32, #tpu.memory_space<hbm>>
      tpu.enqueue_dma source(%dma_start3A_286 : memref<32xf32, #tpu.memory_space<hbm>>) target(%dma_start3A_283 : memref<32xf32, #tpu.memory_space<vmem>>) target_semaphore(%arg10 : memref<!tpu.dma_semaphore, #tpu.memory_space<semaphore_mem>>)
      %slice3A_287 = vector.extract_strided_slice %get3A_37 {offsets = [14], sizes = [1], strides = [1]} : vector<16xi32> to vector<1xi32>
      %squeeze3A_288 = vector.extract %slice3A_287[0] : i32 from vector<1xi32>
      %mul3A_289 = arith.constant 16 : i32
      %mul3A_290 = arith.muli %scan3A_27, %mul3A_289 : i32
      %add3A_291 = arith.constant 14 : i32
      %add3A_292 = arith.addi %mul3A_290, %add3A_291 : i32
      %dma_start3A_293 = arith.constant 0 : i32
      %dma_start3A_294 = tpu.memref_slice %arg6[%add3A_292, %dma_start3A_293] : memref<320x32xf32, #tpu.memory_space<vmem>> -> memref<1x32xf32, #tpu.memory_space<vmem>>
      %dma_start3A_295 = tpu.memref_squeeze %dma_start3A_294 : memref<1x32xf32, #tpu.memory_space<vmem>> -> memref<32xf32, #tpu.memory_space<vmem>>
      %dma_start3A_296 = arith.constant 0 : i32
      %dma_start3A_297 = tpu.memref_slice %arg3[%squeeze3A_288, %dma_start3A_296] : memref<1000000x32xf32, #tpu.memory_space<hbm>> -> memref<1x32xf32, #tpu.memory_space<hbm>>
      %dma_start3A_298 = tpu.memref_squeeze %dma_start3A_297 : memref<1x32xf32, #tpu.memory_space<hbm>> -> memref<32xf32, #tpu.memory_space<hbm>>
      %dma_start3A_299 = arith.constant 0 : i32
      %dma_start3A_300 = tpu.memref_slice %arg6[%add3A_292, %dma_start3A_299] : memref<320x32xf32, #tpu.memory_space<vmem>> -> memref<1x32xf32, #tpu.memory_space<vmem>>
      %dma_start3A_301 = tpu.memref_squeeze %dma_start3A_300 : memref<1x32xf32, #tpu.memory_space<vmem>> -> memref<32xf32, #tpu.memory_space<vmem>>
      %dma_start3A_302 = arith.constant 0 : i32
      %dma_start3A_303 = tpu.memref_slice %arg3[%squeeze3A_288, %dma_start3A_302] : memref<1000000x32xf32, #tpu.memory_space<hbm>> -> memref<1x32xf32, #tpu.memory_space<hbm>>
      %dma_start3A_304 = tpu.memref_squeeze %dma_start3A_303 : memref<1x32xf32, #tpu.memory_space<hbm>> -> memref<32xf32, #tpu.memory_space<hbm>>
      tpu.enqueue_dma source(%dma_start3A_304 : memref<32xf32, #tpu.memory_space<hbm>>) target(%dma_start3A_301 : memref<32xf32, #tpu.memory_space<vmem>>) target_semaphore(%arg10 : memref<!tpu.dma_semaphore, #tpu.memory_space<semaphore_mem>>)
      %slice3A_305 = vector.extract_strided_slice %get3A_37 {offsets = [15], sizes = [1], strides = [1]} : vector<16xi32> to vector<1xi32>
      %squeeze3A_306 = vector.extract %slice3A_305[0] : i32 from vector<1xi32>
      %mul3A_307 = arith.constant 16 : i32
      %mul3A_308 = arith.muli %scan3A_27, %mul3A_307 : i32
      %add3A_309 = arith.constant 15 : i32
      %add3A_310 = arith.addi %mul3A_308, %add3A_309 : i32
      %dma_start3A_311 = arith.constant 0 : i32
      %dma_start3A_312 = tpu.memref_slice %arg6[%add3A_310, %dma_start3A_311] : memref<320x32xf32, #tpu.memory_space<vmem>> -> memref<1x32xf32, #tpu.memory_space<vmem>>
      %dma_start3A_313 = tpu.memref_squeeze %dma_start3A_312 : memref<1x32xf32, #tpu.memory_space<vmem>> -> memref<32xf32, #tpu.memory_space<vmem>>
      %dma_start3A_314 = arith.constant 0 : i32
      %dma_start3A_315 = tpu.memref_slice %arg3[%squeeze3A_306, %dma_start3A_314] : memref<1000000x32xf32, #tpu.memory_space<hbm>> -> memref<1x32xf32, #tpu.memory_space<hbm>>
      %dma_start3A_316 = tpu.memref_squeeze %dma_start3A_315 : memref<1x32xf32, #tpu.memory_space<hbm>> -> memref<32xf32, #tpu.memory_space<hbm>>
      %dma_start3A_317 = arith.constant 0 : i32
      %dma_start3A_318 = tpu.memref_slice %arg6[%add3A_310, %dma_start3A_317] : memref<320x32xf32, #tpu.memory_space<vmem>> -> memref<1x32xf32, #tpu.memory_space<vmem>>
      %dma_start3A_319 = tpu.memref_squeeze %dma_start3A_318 : memref<1x32xf32, #tpu.memory_space<vmem>> -> memref<32xf32, #tpu.memory_space<vmem>>
      %dma_start3A_320 = arith.constant 0 : i32
      %dma_start3A_321 = tpu.memref_slice %arg3[%squeeze3A_306, %dma_start3A_320] : memref<1000000x32xf32, #tpu.memory_space<hbm>> -> memref<1x32xf32, #tpu.memory_space<hbm>>
      %dma_start3A_322 = tpu.memref_squeeze %dma_start3A_321 : memref<1x32xf32, #tpu.memory_space<hbm>> -> memref<32xf32, #tpu.memory_space<hbm>>
      tpu.enqueue_dma source(%dma_start3A_322 : memref<32xf32, #tpu.memory_space<hbm>>) target(%dma_start3A_319 : memref<32xf32, #tpu.memory_space<vmem>>) target_semaphore(%arg10 : memref<!tpu.dma_semaphore, #tpu.memory_space<semaphore_mem>>)
      %scan3A_323 = arith.constant 0 : i32
      scf.yield %scan3A_323 : i32
    }
    %scan3A_8 = arith.constant 20 : i32
    %scan3A_9 = arith.constant 0 : i32
    %scan3A_10 = arith.constant 0 : i32
    %scan3A_11 = arith.constant 16 : i32
    %scan3A_12 = arith.addi %scan3A_10, %scan3A_11 : i32
    %scan3A_13 = arith.constant 1 : i32
    %scan3A_14 = scf.for %scan3A_27 = %scan3A_10 to %scan3A_12 step %scan3A_13 iter_args(%scan3A_28 = %scan3A_9) -> (i32)  : i32 {
      %mul3A_29 = arith.constant 2 : i32
      %mul3A_30 = arith.muli %mul3A_29, %scan3A_27 : i32
      %add3A_31 = arith.constant 0 : i32
      %add3A_32 = arith.addi %mul3A_30, %add3A_31 : i32
      %add3A_33 = arith.constant 1 : i32
      %add3A_34 = arith.addi %add3A_32, %add3A_33 : i32
      %lt3A = arith.constant 32 : i32
      %lt3A_35 = arith.cmpi slt, %add3A_34, %lt3A : i32
      %convert_element_type3A = arith.extui %lt3A_35 : i1 to i32
      %cond3A = arith.constant 0 : i32
      %cond3A_36 = arith.cmpi ne, %convert_element_type3A, %cond3A : i32
      scf.if %cond3A_36 {
        %add3A_90 = arith.constant 1 : i32
        %add3A_91 = arith.addi %add3A_32, %add3A_90 : i32
        %scan3A_92 = arith.constant 0 : i32
        %scan3A_93 = arith.constant 0 : i32
        %scan3A_94 = arith.constant 20 : i32
        %scan3A_95 = arith.addi %scan3A_93, %scan3A_94 : i32
        %scan3A_96 = arith.constant 1 : i32
        %scan3A_97 = scf.for %scan3A_99 = %scan3A_93 to %scan3A_95 step %scan3A_96 iter_args(%scan3A_100 = %scan3A_92) -> (i32)  : i32 {
          %mul3A_101 = arith.constant 20 : i32
          %mul3A_102 = arith.muli %add3A_91, %mul3A_101 : i32
          %add3A_103 = arith.addi %mul3A_102, %scan3A_99 : i32
          %shift_right_arithmetic3A = arith.constant 3 : i32
          %shift_right_arithmetic3A_104 = arith.shrsi %add3A_103, %shift_right_arithmetic3A : i32
          %and3A = arith.constant 7 : i32
          %and3A_105 = arith.andi %add3A_103, %and3A : i32
          %mul3A_106 = arith.constant 16 : i32
          %mul3A_107 = arith.muli %and3A_105, %mul3A_106 : i32
          %get3A = arith.index_cast %shift_right_arithmetic3A_104 : i32 to index
          %get3A_108 = arith.index_cast %mul3A_107 : i32 to index
          %get3A_109 = tpu.vector_load %arg5[%get3A, %get3A_108] {strides = array<i32>} : memref<80x128xi32, #tpu.memory_space<vmem>>, vector<1x16xi32>,
          %get3A_110 = vector.shape_cast %get3A_109 : vector<1x16xi32> to vector<16xi32>
          %slice3A = vector.extract_strided_slice %get3A_110 {offsets = [0], sizes = [1], strides = [1]} : vector<16xi32> to vector<1xi32>
          %squeeze3A = vector.extract %slice3A[0] : i32 from vector<1xi32>
          %mul3A_111 = arith.constant 16 : i32
          %mul3A_112 = arith.muli %scan3A_99, %mul3A_111 : i32
          %add3A_113 = arith.constant 0 : i32
          %add3A_114 = arith.addi %mul3A_112, %add3A_113 : i32
          %dma_start3A_115 = arith.constant 0 : i32
          %dma_start3A_116 = tpu.memref_slice %arg7[%add3A_114, %dma_start3A_115] : memref<320x32xf32, #tpu.memory_space<vmem>> -> memref<1x32xf32, #tpu.memory_space<vmem>>
          %dma_start3A_117 = tpu.memref_squeeze %dma_start3A_116 : memref<1x32xf32, #tpu.memory_space<vmem>> -> memref<32xf32, #tpu.memory_space<vmem>>
          %dma_start3A_118 = arith.constant 0 : i32
          %dma_start3A_119 = tpu.memref_slice %arg3[%squeeze3A, %dma_start3A_118] : memref<1000000x32xf32, #tpu.memory_space<hbm>> -> memref<1x32xf32, #tpu.memory_space<hbm>>
          %dma_start3A_120 = tpu.memref_squeeze %dma_start3A_119 : memref<1x32xf32, #tpu.memory_space<hbm>> -> memref<32xf32, #tpu.memory_space<hbm>>
          %dma_start3A_121 = arith.constant 0 : i32
          %dma_start3A_122 = tpu.memref_slice %arg7[%add3A_114, %dma_start3A_121] : memref<320x32xf32, #tpu.memory_space<vmem>> -> memref<1x32xf32, #tpu.memory_space<vmem>>
          %dma_start3A_123 = tpu.memref_squeeze %dma_start3A_122 : memref<1x32xf32, #tpu.memory_space<vmem>> -> memref<32xf32, #tpu.memory_space<vmem>>
          %dma_start3A_124 = arith.constant 0 : i32
          %dma_start3A_125 = tpu.memref_slice %arg3[%squeeze3A, %dma_start3A_124] : memref<1000000x32xf32, #tpu.memory_space<hbm>> -> memref<1x32xf32, #tpu.memory_space<hbm>>
          %dma_start3A_126 = tpu.memref_squeeze %dma_start3A_125 : memref<1x32xf32, #tpu.memory_space<hbm>> -> memref<32xf32, #tpu.memory_space<hbm>>
          tpu.enqueue_dma source(%dma_start3A_126 : memref<32xf32, #tpu.memory_space<hbm>>) target(%dma_start3A_123 : memref<32xf32, #tpu.memory_space<vmem>>) target_semaphore(%arg11 : memref<!tpu.dma_semaphore, #tpu.memory_space<semaphore_mem>>)
          %slice3A_127 = vector.extract_strided_slice %get3A_110 {offsets = [1], sizes = [1], strides = [1]} : vector<16xi32> to vector<1xi32>
          %squeeze3A_128 = vector.extract %slice3A_127[0] : i32 from vector<1xi32>
          %mul3A_129 = arith.constant 16 : i32
          %mul3A_130 = arith.muli %scan3A_99, %mul3A_129 : i32
          %add3A_131 = arith.constant 1 : i32
          %add3A_132 = arith.addi %mul3A_130, %add3A_131 : i32
          %dma_start3A_133 = arith.constant 0 : i32
          %dma_start3A_134 = tpu.memref_slice %arg7[%add3A_132, %dma_start3A_133] : memref<320x32xf32, #tpu.memory_space<vmem>> -> memref<1x32xf32, #tpu.memory_space<vmem>>
          %dma_start3A_135 = tpu.memref_squeeze %dma_start3A_134 : memref<1x32xf32, #tpu.memory_space<vmem>> -> memref<32xf32, #tpu.memory_space<vmem>>
          %dma_start3A_136 = arith.constant 0 : i32
          %dma_start3A_137 = tpu.memref_slice %arg3[%squeeze3A_128, %dma_start3A_136] : memref<1000000x32xf32, #tpu.memory_space<hbm>> -> memref<1x32xf32, #tpu.memory_space<hbm>>
          %dma_start3A_138 = tpu.memref_squeeze %dma_start3A_137 : memref<1x32xf32, #tpu.memory_space<hbm>> -> memref<32xf32, #tpu.memory_space<hbm>>
          %dma_start3A_139 = arith.constant 0 : i32
          %dma_start3A_140 = tpu.memref_slice %arg7[%add3A_132, %dma_start3A_139] : memref<320x32xf32, #tpu.memory_space<vmem>> -> memref<1x32xf32, #tpu.memory_space<vmem>>
          %dma_start3A_141 = tpu.memref_squeeze %dma_start3A_140 : memref<1x32xf32, #tpu.memory_space<vmem>> -> memref<32xf32, #tpu.memory_space<vmem>>
          %dma_start3A_142 = arith.constant 0 : i32
          %dma_start3A_143 = tpu.memref_slice %arg3[%squeeze3A_128, %dma_start3A_142] : memref<1000000x32xf32, #tpu.memory_space<hbm>> -> memref<1x32xf32, #tpu.memory_space<hbm>>
          %dma_start3A_144 = tpu.memref_squeeze %dma_start3A_143 : memref<1x32xf32, #tpu.memory_space<hbm>> -> memref<32xf32, #tpu.memory_space<hbm>>
          tpu.enqueue_dma source(%dma_start3A_144 : memref<32xf32, #tpu.memory_space<hbm>>) target(%dma_start3A_141 : memref<32xf32, #tpu.memory_space<vmem>>) target_semaphore(%arg11 : memref<!tpu.dma_semaphore, #tpu.memory_space<semaphore_mem>>)
          %slice3A_145 = vector.extract_strided_slice %get3A_110 {offsets = [2], sizes = [1], strides = [1]} : vector<16xi32> to vector<1xi32>
          %squeeze3A_146 = vector.extract %slice3A_145[0] : i32 from vector<1xi32>
          %mul3A_147 = arith.constant 16 : i32
          %mul3A_148 = arith.muli %scan3A_99, %mul3A_147 : i32
          %add3A_149 = arith.constant 2 : i32
          %add3A_150 = arith.addi %mul3A_148, %add3A_149 : i32
          %dma_start3A_151 = arith.constant 0 : i32
          %dma_start3A_152 = tpu.memref_slice %arg7[%add3A_150, %dma_start3A_151] : memref<320x32xf32, #tpu.memory_space<vmem>> -> memref<1x32xf32, #tpu.memory_space<vmem>>
          %dma_start3A_153 = tpu.memref_squeeze %dma_start3A_152 : memref<1x32xf32, #tpu.memory_space<vmem>> -> memref<32xf32, #tpu.memory_space<vmem>>
          %dma_start3A_154 = arith.constant 0 : i32
          %dma_start3A_155 = tpu.memref_slice %arg3[%squeeze3A_146, %dma_start3A_154] : memref<1000000x32xf32, #tpu.memory_space<hbm>> -> memref<1x32xf32, #tpu.memory_space<hbm>>
          %dma_start3A_156 = tpu.memref_squeeze %dma_start3A_155 : memref<1x32xf32, #tpu.memory_space<hbm>> -> memref<32xf32, #tpu.memory_space<hbm>>
          %dma_start3A_157 = arith.constant 0 : i32
          %dma_start3A_158 = tpu.memref_slice %arg7[%add3A_150, %dma_start3A_157] : memref<320x32xf32, #tpu.memory_space<vmem>> -> memref<1x32xf32, #tpu.memory_space<vmem>>
          %dma_start3A_159 = tpu.memref_squeeze %dma_start3A_158 : memref<1x32xf32, #tpu.memory_space<vmem>> -> memref<32xf32, #tpu.memory_space<vmem>>
          %dma_start3A_160 = arith.constant 0 : i32
          %dma_start3A_161 = tpu.memref_slice %arg3[%squeeze3A_146, %dma_start3A_160] : memref<1000000x32xf32, #tpu.memory_space<hbm>> -> memref<1x32xf32, #tpu.memory_space<hbm>>
          %dma_start3A_162 = tpu.memref_squeeze %dma_start3A_161 : memref<1x32xf32, #tpu.memory_space<hbm>> -> memref<32xf32, #tpu.memory_space<hbm>>
          tpu.enqueue_dma source(%dma_start3A_162 : memref<32xf32, #tpu.memory_space<hbm>>) target(%dma_start3A_159 : memref<32xf32, #tpu.memory_space<vmem>>) target_semaphore(%arg11 : memref<!tpu.dma_semaphore, #tpu.memory_space<semaphore_mem>>)
          %slice3A_163 = vector.extract_strided_slice %get3A_110 {offsets = [3], sizes = [1], strides = [1]} : vector<16xi32> to vector<1xi32>
          %squeeze3A_164 = vector.extract %slice3A_163[0] : i32 from vector<1xi32>
          %mul3A_165 = arith.constant 16 : i32
          %mul3A_166 = arith.muli %scan3A_99, %mul3A_165 : i32
          %add3A_167 = arith.constant 3 : i32
          %add3A_168 = arith.addi %mul3A_166, %add3A_167 : i32
          %dma_start3A_169 = arith.constant 0 : i32
          %dma_start3A_170 = tpu.memref_slice %arg7[%add3A_168, %dma_start3A_169] : memref<320x32xf32, #tpu.memory_space<vmem>> -> memref<1x32xf32, #tpu.memory_space<vmem>>
          %dma_start3A_171 = tpu.memref_squeeze %dma_start3A_170 : memref<1x32xf32, #tpu.memory_space<vmem>> -> memref<32xf32, #tpu.memory_space<vmem>>
          %dma_start3A_172 = arith.constant 0 : i32
          %dma_start3A_173 = tpu.memref_slice %arg3[%squeeze3A_164, %dma_start3A_172] : memref<1000000x32xf32, #tpu.memory_space<hbm>> -> memref<1x32xf32, #tpu.memory_space<hbm>>
          %dma_start3A_174 = tpu.memref_squeeze %dma_start3A_173 : memref<1x32xf32, #tpu.memory_space<hbm>> -> memref<32xf32, #tpu.memory_space<hbm>>
          %dma_start3A_175 = arith.constant 0 : i32
          %dma_start3A_176 = tpu.memref_slice %arg7[%add3A_168, %dma_start3A_175] : memref<320x32xf32, #tpu.memory_space<vmem>> -> memref<1x32xf32, #tpu.memory_space<vmem>>
          %dma_start3A_177 = tpu.memref_squeeze %dma_start3A_176 : memref<1x32xf32, #tpu.memory_space<vmem>> -> memref<32xf32, #tpu.memory_space<vmem>>
          %dma_start3A_178 = arith.constant 0 : i32
          %dma_start3A_179 = tpu.memref_slice %arg3[%squeeze3A_164, %dma_start3A_178] : memref<1000000x32xf32, #tpu.memory_space<hbm>> -> memref<1x32xf32, #tpu.memory_space<hbm>>
          %dma_start3A_180 = tpu.memref_squeeze %dma_start3A_179 : memref<1x32xf32, #tpu.memory_space<hbm>> -> memref<32xf32, #tpu.memory_space<hbm>>
          tpu.enqueue_dma source(%dma_start3A_180 : memref<32xf32, #tpu.memory_space<hbm>>) target(%dma_start3A_177 : memref<32xf32, #tpu.memory_space<vmem>>) target_semaphore(%arg11 : memref<!tpu.dma_semaphore, #tpu.memory_space<semaphore_mem>>)
          %slice3A_181 = vector.extract_strided_slice %get3A_110 {offsets = [4], sizes = [1], strides = [1]} : vector<16xi32> to vector<1xi32>
          %squeeze3A_182 = vector.extract %slice3A_181[0] : i32 from vector<1xi32>
          %mul3A_183 = arith.constant 16 : i32
          %mul3A_184 = arith.muli %scan3A_99, %mul3A_183 : i32
          %add3A_185 = arith.constant 4 : i32
          %add3A_186 = arith.addi %mul3A_184, %add3A_185 : i32
          %dma_start3A_187 = arith.constant 0 : i32
          %dma_start3A_188 = tpu.memref_slice %arg7[%add3A_186, %dma_start3A_187] : memref<320x32xf32, #tpu.memory_space<vmem>> -> memref<1x32xf32, #tpu.memory_space<vmem>>
          %dma_start3A_189 = tpu.memref_squeeze %dma_start3A_188 : memref<1x32xf32, #tpu.memory_space<vmem>> -> memref<32xf32, #tpu.memory_space<vmem>>
          %dma_start3A_190 = arith.constant 0 : i32
          %dma_start3A_191 = tpu.memref_slice %arg3[%squeeze3A_182, %dma_start3A_190] : memref<1000000x32xf32, #tpu.memory_space<hbm>> -> memref<1x32xf32, #tpu.memory_space<hbm>>
          %dma_start3A_192 = tpu.memref_squeeze %dma_start3A_191 : memref<1x32xf32, #tpu.memory_space<hbm>> -> memref<32xf32, #tpu.memory_space<hbm>>
          %dma_start3A_193 = arith.constant 0 : i32
          %dma_start3A_194 = tpu.memref_slice %arg7[%add3A_186, %dma_start3A_193] : memref<320x32xf32, #tpu.memory_space<vmem>> -> memref<1x32xf32, #tpu.memory_space<vmem>>
          %dma_start3A_195 = tpu.memref_squeeze %dma_start3A_194 : memref<1x32xf32, #tpu.memory_space<vmem>> -> memref<32xf32, #tpu.memory_space<vmem>>
          %dma_start3A_196 = arith.constant 0 : i32
          %dma_start3A_197 = tpu.memref_slice %arg3[%squeeze3A_182, %dma_start3A_196] : memref<1000000x32xf32, #tpu.memory_space<hbm>> -> memref<1x32xf32, #tpu.memory_space<hbm>>
          %dma_start3A_198 = tpu.memref_squeeze %dma_start3A_197 : memref<1x32xf32, #tpu.memory_space<hbm>> -> memref<32xf32, #tpu.memory_space<hbm>>
          tpu.enqueue_dma source(%dma_start3A_198 : memref<32xf32, #tpu.memory_space<hbm>>) target(%dma_start3A_195 : memref<32xf32, #tpu.memory_space<vmem>>) target_semaphore(%arg11 : memref<!tpu.dma_semaphore, #tpu.memory_space<semaphore_mem>>)
          %slice3A_199 = vector.extract_strided_slice %get3A_110 {offsets = [5], sizes = [1], strides = [1]} : vector<16xi32> to vector<1xi32>
          %squeeze3A_200 = vector.extract %slice3A_199[0] : i32 from vector<1xi32>
          %mul3A_201 = arith.constant 16 : i32
          %mul3A_202 = arith.muli %scan3A_99, %mul3A_201 : i32
          %add3A_203 = arith.constant 5 : i32
          %add3A_204 = arith.addi %mul3A_202, %add3A_203 : i32
          %dma_start3A_205 = arith.constant 0 : i32
          %dma_start3A_206 = tpu.memref_slice %arg7[%add3A_204, %dma_start3A_205] : memref<320x32xf32, #tpu.memory_space<vmem>> -> memref<1x32xf32, #tpu.memory_space<vmem>>
          %dma_start3A_207 = tpu.memref_squeeze %dma_start3A_206 : memref<1x32xf32, #tpu.memory_space<vmem>> -> memref<32xf32, #tpu.memory_space<vmem>>
          %dma_start3A_208 = arith.constant 0 : i32
          %dma_start3A_209 = tpu.memref_slice %arg3[%squeeze3A_200, %dma_start3A_208] : memref<1000000x32xf32, #tpu.memory_space<hbm>> -> memref<1x32xf32, #tpu.memory_space<hbm>>
          %dma_start3A_210 = tpu.memref_squeeze %dma_start3A_209 : memref<1x32xf32, #tpu.memory_space<hbm>> -> memref<32xf32, #tpu.memory_space<hbm>>
          %dma_start3A_211 = arith.constant 0 : i32
          %dma_start3A_212 = tpu.memref_slice %arg7[%add3A_204, %dma_start3A_211] : memref<320x32xf32, #tpu.memory_space<vmem>> -> memref<1x32xf32, #tpu.memory_space<vmem>>
          %dma_start3A_213 = tpu.memref_squeeze %dma_start3A_212 : memref<1x32xf32, #tpu.memory_space<vmem>> -> memref<32xf32, #tpu.memory_space<vmem>>
          %dma_start3A_214 = arith.constant 0 : i32
          %dma_start3A_215 = tpu.memref_slice %arg3[%squeeze3A_200, %dma_start3A_214] : memref<1000000x32xf32, #tpu.memory_space<hbm>> -> memref<1x32xf32, #tpu.memory_space<hbm>>
          %dma_start3A_216 = tpu.memref_squeeze %dma_start3A_215 : memref<1x32xf32, #tpu.memory_space<hbm>> -> memref<32xf32, #tpu.memory_space<hbm>>
          tpu.enqueue_dma source(%dma_start3A_216 : memref<32xf32, #tpu.memory_space<hbm>>) target(%dma_start3A_213 : memref<32xf32, #tpu.memory_space<vmem>>) target_semaphore(%arg11 : memref<!tpu.dma_semaphore, #tpu.memory_space<semaphore_mem>>)
          %slice3A_217 = vector.extract_strided_slice %get3A_110 {offsets = [6], sizes = [1], strides = [1]} : vector<16xi32> to vector<1xi32>
          %squeeze3A_218 = vector.extract %slice3A_217[0] : i32 from vector<1xi32>
          %mul3A_219 = arith.constant 16 : i32
          %mul3A_220 = arith.muli %scan3A_99, %mul3A_219 : i32
          %add3A_221 = arith.constant 6 : i32
          %add3A_222 = arith.addi %mul3A_220, %add3A_221 : i32
          %dma_start3A_223 = arith.constant 0 : i32
          %dma_start3A_224 = tpu.memref_slice %arg7[%add3A_222, %dma_start3A_223] : memref<320x32xf32, #tpu.memory_space<vmem>> -> memref<1x32xf32, #tpu.memory_space<vmem>>
          %dma_start3A_225 = tpu.memref_squeeze %dma_start3A_224 : memref<1x32xf32, #tpu.memory_space<vmem>> -> memref<32xf32, #tpu.memory_space<vmem>>
          %dma_start3A_226 = arith.constant 0 : i32
          %dma_start3A_227 = tpu.memref_slice %arg3[%squeeze3A_218, %dma_start3A_226] : memref<1000000x32xf32, #tpu.memory_space<hbm>> -> memref<1x32xf32, #tpu.memory_space<hbm>>
          %dma_start3A_228 = tpu.memref_squeeze %dma_start3A_227 : memref<1x32xf32, #tpu.memory_space<hbm>> -> memref<32xf32, #tpu.memory_space<hbm>>
          %dma_start3A_229 = arith.constant 0 : i32
          %dma_start3A_230 = tpu.memref_slice %arg7[%add3A_222, %dma_start3A_229] : memref<320x32xf32, #tpu.memory_space<vmem>> -> memref<1x32xf32, #tpu.memory_space<vmem>>
          %dma_start3A_231 = tpu.memref_squeeze %dma_start3A_230 : memref<1x32xf32, #tpu.memory_space<vmem>> -> memref<32xf32, #tpu.memory_space<vmem>>
          %dma_start3A_232 = arith.constant 0 : i32
          %dma_start3A_233 = tpu.memref_slice %arg3[%squeeze3A_218, %dma_start3A_232] : memref<1000000x32xf32, #tpu.memory_space<hbm>> -> memref<1x32xf32, #tpu.memory_space<hbm>>
          %dma_start3A_234 = tpu.memref_squeeze %dma_start3A_233 : memref<1x32xf32, #tpu.memory_space<hbm>> -> memref<32xf32, #tpu.memory_space<hbm>>
          tpu.enqueue_dma source(%dma_start3A_234 : memref<32xf32, #tpu.memory_space<hbm>>) target(%dma_start3A_231 : memref<32xf32, #tpu.memory_space<vmem>>) target_semaphore(%arg11 : memref<!tpu.dma_semaphore, #tpu.memory_space<semaphore_mem>>)
          %slice3A_235 = vector.extract_strided_slice %get3A_110 {offsets = [7], sizes = [1], strides = [1]} : vector<16xi32> to vector<1xi32>
          %squeeze3A_236 = vector.extract %slice3A_235[0] : i32 from vector<1xi32>
          %mul3A_237 = arith.constant 16 : i32
          %mul3A_238 = arith.muli %scan3A_99, %mul3A_237 : i32
          %add3A_239 = arith.constant 7 : i32
          %add3A_240 = arith.addi %mul3A_238, %add3A_239 : i32
          %dma_start3A_241 = arith.constant 0 : i32
          %dma_start3A_242 = tpu.memref_slice %arg7[%add3A_240, %dma_start3A_241] : memref<320x32xf32, #tpu.memory_space<vmem>> -> memref<1x32xf32, #tpu.memory_space<vmem>>
          %dma_start3A_243 = tpu.memref_squeeze %dma_start3A_242 : memref<1x32xf32, #tpu.memory_space<vmem>> -> memref<32xf32, #tpu.memory_space<vmem>>
          %dma_start3A_244 = arith.constant 0 : i32
          %dma_start3A_245 = tpu.memref_slice %arg3[%squeeze3A_236, %dma_start3A_244] : memref<1000000x32xf32, #tpu.memory_space<hbm>> -> memref<1x32xf32, #tpu.memory_space<hbm>>
          %dma_start3A_246 = tpu.memref_squeeze %dma_start3A_245 : memref<1x32xf32, #tpu.memory_space<hbm>> -> memref<32xf32, #tpu.memory_space<hbm>>
          %dma_start3A_247 = arith.constant 0 : i32
          %dma_start3A_248 = tpu.memref_slice %arg7[%add3A_240, %dma_start3A_247] : memref<320x32xf32, #tpu.memory_space<vmem>> -> memref<1x32xf32, #tpu.memory_space<vmem>>
          %dma_start3A_249 = tpu.memref_squeeze %dma_start3A_248 : memref<1x32xf32, #tpu.memory_space<vmem>> -> memref<32xf32, #tpu.memory_space<vmem>>
          %dma_start3A_250 = arith.constant 0 : i32
          %dma_start3A_251 = tpu.memref_slice %arg3[%squeeze3A_236, %dma_start3A_250] : memref<1000000x32xf32, #tpu.memory_space<hbm>> -> memref<1x32xf32, #tpu.memory_space<hbm>>
          %dma_start3A_252 = tpu.memref_squeeze %dma_start3A_251 : memref<1x32xf32, #tpu.memory_space<hbm>> -> memref<32xf32, #tpu.memory_space<hbm>>
          tpu.enqueue_dma source(%dma_start3A_252 : memref<32xf32, #tpu.memory_space<hbm>>) target(%dma_start3A_249 : memref<32xf32, #tpu.memory_space<vmem>>) target_semaphore(%arg11 : memref<!tpu.dma_semaphore, #tpu.memory_space<semaphore_mem>>)
          %slice3A_253 = vector.extract_strided_slice %get3A_110 {offsets = [8], sizes = [1], strides = [1]} : vector<16xi32> to vector<1xi32>
          %squeeze3A_254 = vector.extract %slice3A_253[0] : i32 from vector<1xi32>
          %mul3A_255 = arith.constant 16 : i32
          %mul3A_256 = arith.muli %scan3A_99, %mul3A_255 : i32
          %add3A_257 = arith.constant 8 : i32
          %add3A_258 = arith.addi %mul3A_256, %add3A_257 : i32
          %dma_start3A_259 = arith.constant 0 : i32
          %dma_start3A_260 = tpu.memref_slice %arg7[%add3A_258, %dma_start3A_259] : memref<320x32xf32, #tpu.memory_space<vmem>> -> memref<1x32xf32, #tpu.memory_space<vmem>>
          %dma_start3A_261 = tpu.memref_squeeze %dma_start3A_260 : memref<1x32xf32, #tpu.memory_space<vmem>> -> memref<32xf32, #tpu.memory_space<vmem>>
          %dma_start3A_262 = arith.constant 0 : i32
          %dma_start3A_263 = tpu.memref_slice %arg3[%squeeze3A_254, %dma_start3A_262] : memref<1000000x32xf32, #tpu.memory_space<hbm>> -> memref<1x32xf32, #tpu.memory_space<hbm>>
          %dma_start3A_264 = tpu.memref_squeeze %dma_start3A_263 : memref<1x32xf32, #tpu.memory_space<hbm>> -> memref<32xf32, #tpu.memory_space<hbm>>
          %dma_start3A_265 = arith.constant 0 : i32
          %dma_start3A_266 = tpu.memref_slice %arg7[%add3A_258, %dma_start3A_265] : memref<320x32xf32, #tpu.memory_space<vmem>> -> memref<1x32xf32, #tpu.memory_space<vmem>>
          %dma_start3A_267 = tpu.memref_squeeze %dma_start3A_266 : memref<1x32xf32, #tpu.memory_space<vmem>> -> memref<32xf32, #tpu.memory_space<vmem>>
          %dma_start3A_268 = arith.constant 0 : i32
          %dma_start3A_269 = tpu.memref_slice %arg3[%squeeze3A_254, %dma_start3A_268] : memref<1000000x32xf32, #tpu.memory_space<hbm>> -> memref<1x32xf32, #tpu.memory_space<hbm>>
          %dma_start3A_270 = tpu.memref_squeeze %dma_start3A_269 : memref<1x32xf32, #tpu.memory_space<hbm>> -> memref<32xf32, #tpu.memory_space<hbm>>
          tpu.enqueue_dma source(%dma_start3A_270 : memref<32xf32, #tpu.memory_space<hbm>>) target(%dma_start3A_267 : memref<32xf32, #tpu.memory_space<vmem>>) target_semaphore(%arg11 : memref<!tpu.dma_semaphore, #tpu.memory_space<semaphore_mem>>)
          %slice3A_271 = vector.extract_strided_slice %get3A_110 {offsets = [9], sizes = [1], strides = [1]} : vector<16xi32> to vector<1xi32>
          %squeeze3A_272 = vector.extract %slice3A_271[0] : i32 from vector<1xi32>
          %mul3A_273 = arith.constant 16 : i32
          %mul3A_274 = arith.muli %scan3A_99, %mul3A_273 : i32
          %add3A_275 = arith.constant 9 : i32
          %add3A_276 = arith.addi %mul3A_274, %add3A_275 : i32
          %dma_start3A_277 = arith.constant 0 : i32
          %dma_start3A_278 = tpu.memref_slice %arg7[%add3A_276, %dma_start3A_277] : memref<320x32xf32, #tpu.memory_space<vmem>> -> memref<1x32xf32, #tpu.memory_space<vmem>>
          %dma_start3A_279 = tpu.memref_squeeze %dma_start3A_278 : memref<1x32xf32, #tpu.memory_space<vmem>> -> memref<32xf32, #tpu.memory_space<vmem>>
          %dma_start3A_280 = arith.constant 0 : i32
          %dma_start3A_281 = tpu.memref_slice %arg3[%squeeze3A_272, %dma_start3A_280] : memref<1000000x32xf32, #tpu.memory_space<hbm>> -> memref<1x32xf32, #tpu.memory_space<hbm>>
          %dma_start3A_282 = tpu.memref_squeeze %dma_start3A_281 : memref<1x32xf32, #tpu.memory_space<hbm>> -> memref<32xf32, #tpu.memory_space<hbm>>
          %dma_start3A_283 = arith.constant 0 : i32
          %dma_start3A_284 = tpu.memref_slice %arg7[%add3A_276, %dma_start3A_283] : memref<320x32xf32, #tpu.memory_space<vmem>> -> memref<1x32xf32, #tpu.memory_space<vmem>>
          %dma_start3A_285 = tpu.memref_squeeze %dma_start3A_284 : memref<1x32xf32, #tpu.memory_space<vmem>> -> memref<32xf32, #tpu.memory_space<vmem>>
          %dma_start3A_286 = arith.constant 0 : i32
          %dma_start3A_287 = tpu.memref_slice %arg3[%squeeze3A_272, %dma_start3A_286] : memref<1000000x32xf32, #tpu.memory_space<hbm>> -> memref<1x32xf32, #tpu.memory_space<hbm>>
          %dma_start3A_288 = tpu.memref_squeeze %dma_start3A_287 : memref<1x32xf32, #tpu.memory_space<hbm>> -> memref<32xf32, #tpu.memory_space<hbm>>
          tpu.enqueue_dma source(%dma_start3A_288 : memref<32xf32, #tpu.memory_space<hbm>>) target(%dma_start3A_285 : memref<32xf32, #tpu.memory_space<vmem>>) target_semaphore(%arg11 : memref<!tpu.dma_semaphore, #tpu.memory_space<semaphore_mem>>)
          %slice3A_289 = vector.extract_strided_slice %get3A_110 {offsets = [10], sizes = [1], strides = [1]} : vector<16xi32> to vector<1xi32>
          %squeeze3A_290 = vector.extract %slice3A_289[0] : i32 from vector<1xi32>
          %mul3A_291 = arith.constant 16 : i32
          %mul3A_292 = arith.muli %scan3A_99, %mul3A_291 : i32
          %add3A_293 = arith.constant 10 : i32
          %add3A_294 = arith.addi %mul3A_292, %add3A_293 : i32
          %dma_start3A_295 = arith.constant 0 : i32
          %dma_start3A_296 = tpu.memref_slice %arg7[%add3A_294, %dma_start3A_295] : memref<320x32xf32, #tpu.memory_space<vmem>> -> memref<1x32xf32, #tpu.memory_space<vmem>>
          %dma_start3A_297 = tpu.memref_squeeze %dma_start3A_296 : memref<1x32xf32, #tpu.memory_space<vmem>> -> memref<32xf32, #tpu.memory_space<vmem>>
          %dma_start3A_298 = arith.constant 0 : i32
          %dma_start3A_299 = tpu.memref_slice %arg3[%squeeze3A_290, %dma_start3A_298] : memref<1000000x32xf32, #tpu.memory_space<hbm>> -> memref<1x32xf32, #tpu.memory_space<hbm>>
          %dma_start3A_300 = tpu.memref_squeeze %dma_start3A_299 : memref<1x32xf32, #tpu.memory_space<hbm>> -> memref<32xf32, #tpu.memory_space<hbm>>
          %dma_start3A_301 = arith.constant 0 : i32
          %dma_start3A_302 = tpu.memref_slice %arg7[%add3A_294, %dma_start3A_301] : memref<320x32xf32, #tpu.memory_space<vmem>> -> memref<1x32xf32, #tpu.memory_space<vmem>>
          %dma_start3A_303 = tpu.memref_squeeze %dma_start3A_302 : memref<1x32xf32, #tpu.memory_space<vmem>> -> memref<32xf32, #tpu.memory_space<vmem>>
          %dma_start3A_304 = arith.constant 0 : i32
          %dma_start3A_305 = tpu.memref_slice %arg3[%squeeze3A_290, %dma_start3A_304] : memref<1000000x32xf32, #tpu.memory_space<hbm>> -> memref<1x32xf32, #tpu.memory_space<hbm>>
          %dma_start3A_306 = tpu.memref_squeeze %dma_start3A_305 : memref<1x32xf32, #tpu.memory_space<hbm>> -> memref<32xf32, #tpu.memory_space<hbm>>
          tpu.enqueue_dma source(%dma_start3A_306 : memref<32xf32, #tpu.memory_space<hbm>>) target(%dma_start3A_303 : memref<32xf32, #tpu.memory_space<vmem>>) target_semaphore(%arg11 : memref<!tpu.dma_semaphore, #tpu.memory_space<semaphore_mem>>)
          %slice3A_307 = vector.extract_strided_slice %get3A_110 {offsets = [11], sizes = [1], strides = [1]} : vector<16xi32> to vector<1xi32>
          %squeeze3A_308 = vector.extract %slice3A_307[0] : i32 from vector<1xi32>
          %mul3A_309 = arith.constant 16 : i32
          %mul3A_310 = arith.muli %scan3A_99, %mul3A_309 : i32
          %add3A_311 = arith.constant 11 : i32
          %add3A_312 = arith.addi %mul3A_310, %add3A_311 : i32
          %dma_start3A_313 = arith.constant 0 : i32
          %dma_start3A_314 = tpu.memref_slice %arg7[%add3A_312, %dma_start3A_313] : memref<320x32xf32, #tpu.memory_space<vmem>> -> memref<1x32xf32, #tpu.memory_space<vmem>>
          %dma_start3A_315 = tpu.memref_squeeze %dma_start3A_314 : memref<1x32xf32, #tpu.memory_space<vmem>> -> memref<32xf32, #tpu.memory_space<vmem>>
          %dma_start3A_316 = arith.constant 0 : i32
          %dma_start3A_317 = tpu.memref_slice %arg3[%squeeze3A_308, %dma_start3A_316] : memref<1000000x32xf32, #tpu.memory_space<hbm>> -> memref<1x32xf32, #tpu.memory_space<hbm>>
          %dma_start3A_318 = tpu.memref_squeeze %dma_start3A_317 : memref<1x32xf32, #tpu.memory_space<hbm>> -> memref<32xf32, #tpu.memory_space<hbm>>
          %dma_start3A_319 = arith.constant 0 : i32
          %dma_start3A_320 = tpu.memref_slice %arg7[%add3A_312, %dma_start3A_319] : memref<320x32xf32, #tpu.memory_space<vmem>> -> memref<1x32xf32, #tpu.memory_space<vmem>>
          %dma_start3A_321 = tpu.memref_squeeze %dma_start3A_320 : memref<1x32xf32, #tpu.memory_space<vmem>> -> memref<32xf32, #tpu.memory_space<vmem>>
          %dma_start3A_322 = arith.constant 0 : i32
          %dma_start3A_323 = tpu.memref_slice %arg3[%squeeze3A_308, %dma_start3A_322] : memref<1000000x32xf32, #tpu.memory_space<hbm>> -> memref<1x32xf32, #tpu.memory_space<hbm>>
          %dma_start3A_324 = tpu.memref_squeeze %dma_start3A_323 : memref<1x32xf32, #tpu.memory_space<hbm>> -> memref<32xf32, #tpu.memory_space<hbm>>
          tpu.enqueue_dma source(%dma_start3A_324 : memref<32xf32, #tpu.memory_space<hbm>>) target(%dma_start3A_321 : memref<32xf32, #tpu.memory_space<vmem>>) target_semaphore(%arg11 : memref<!tpu.dma_semaphore, #tpu.memory_space<semaphore_mem>>)
          %slice3A_325 = vector.extract_strided_slice %get3A_110 {offsets = [12], sizes = [1], strides = [1]} : vector<16xi32> to vector<1xi32>
          %squeeze3A_326 = vector.extract %slice3A_325[0] : i32 from vector<1xi32>
          %mul3A_327 = arith.constant 16 : i32
          %mul3A_328 = arith.muli %scan3A_99, %mul3A_327 : i32
          %add3A_329 = arith.constant 12 : i32
          %add3A_330 = arith.addi %mul3A_328, %add3A_329 : i32
          %dma_start3A_331 = arith.constant 0 : i32
          %dma_start3A_332 = tpu.memref_slice %arg7[%add3A_330, %dma_start3A_331] : memref<320x32xf32, #tpu.memory_space<vmem>> -> memref<1x32xf32, #tpu.memory_space<vmem>>
          %dma_start3A_333 = tpu.memref_squeeze %dma_start3A_332 : memref<1x32xf32, #tpu.memory_space<vmem>> -> memref<32xf32, #tpu.memory_space<vmem>>
          %dma_start3A_334 = arith.constant 0 : i32
          %dma_start3A_335 = tpu.memref_slice %arg3[%squeeze3A_326, %dma_start3A_334] : memref<1000000x32xf32, #tpu.memory_space<hbm>> -> memref<1x32xf32, #tpu.memory_space<hbm>>
          %dma_start3A_336 = tpu.memref_squeeze %dma_start3A_335 : memref<1x32xf32, #tpu.memory_space<hbm>> -> memref<32xf32, #tpu.memory_space<hbm>>
          %dma_start3A_337 = arith.constant 0 : i32
          %dma_start3A_338 = tpu.memref_slice %arg7[%add3A_330, %dma_start3A_337] : memref<320x32xf32, #tpu.memory_space<vmem>> -> memref<1x32xf32, #tpu.memory_space<vmem>>
          %dma_start3A_339 = tpu.memref_squeeze %dma_start3A_338 : memref<1x32xf32, #tpu.memory_space<vmem>> -> memref<32xf32, #tpu.memory_space<vmem>>
          %dma_start3A_340 = arith.constant 0 : i32
          %dma_start3A_341 = tpu.memref_slice %arg3[%squeeze3A_326, %dma_start3A_340] : memref<1000000x32xf32, #tpu.memory_space<hbm>> -> memref<1x32xf32, #tpu.memory_space<hbm>>
          %dma_start3A_342 = tpu.memref_squeeze %dma_start3A_341 : memref<1x32xf32, #tpu.memory_space<hbm>> -> memref<32xf32, #tpu.memory_space<hbm>>
          tpu.enqueue_dma source(%dma_start3A_342 : memref<32xf32, #tpu.memory_space<hbm>>) target(%dma_start3A_339 : memref<32xf32, #tpu.memory_space<vmem>>) target_semaphore(%arg11 : memref<!tpu.dma_semaphore, #tpu.memory_space<semaphore_mem>>)
          %slice3A_343 = vector.extract_strided_slice %get3A_110 {offsets = [13], sizes = [1], strides = [1]} : vector<16xi32> to vector<1xi32>
          %squeeze3A_344 = vector.extract %slice3A_343[0] : i32 from vector<1xi32>
          %mul3A_345 = arith.constant 16 : i32
          %mul3A_346 = arith.muli %scan3A_99, %mul3A_345 : i32
          %add3A_347 = arith.constant 13 : i32
          %add3A_348 = arith.addi %mul3A_346, %add3A_347 : i32
          %dma_start3A_349 = arith.constant 0 : i32
          %dma_start3A_350 = tpu.memref_slice %arg7[%add3A_348, %dma_start3A_349] : memref<320x32xf32, #tpu.memory_space<vmem>> -> memref<1x32xf32, #tpu.memory_space<vmem>>
          %dma_start3A_351 = tpu.memref_squeeze %dma_start3A_350 : memref<1x32xf32, #tpu.memory_space<vmem>> -> memref<32xf32, #tpu.memory_space<vmem>>
          %dma_start3A_352 = arith.constant 0 : i32
          %dma_start3A_353 = tpu.memref_slice %arg3[%squeeze3A_344, %dma_start3A_352] : memref<1000000x32xf32, #tpu.memory_space<hbm>> -> memref<1x32xf32, #tpu.memory_space<hbm>>
          %dma_start3A_354 = tpu.memref_squeeze %dma_start3A_353 : memref<1x32xf32, #tpu.memory_space<hbm>> -> memref<32xf32, #tpu.memory_space<hbm>>
          %dma_start3A_355 = arith.constant 0 : i32
          %dma_start3A_356 = tpu.memref_slice %arg7[%add3A_348, %dma_start3A_355] : memref<320x32xf32, #tpu.memory_space<vmem>> -> memref<1x32xf32, #tpu.memory_space<vmem>>
          %dma_start3A_357 = tpu.memref_squeeze %dma_start3A_356 : memref<1x32xf32, #tpu.memory_space<vmem>> -> memref<32xf32, #tpu.memory_space<vmem>>
          %dma_start3A_358 = arith.constant 0 : i32
          %dma_start3A_359 = tpu.memref_slice %arg3[%squeeze3A_344, %dma_start3A_358] : memref<1000000x32xf32, #tpu.memory_space<hbm>> -> memref<1x32xf32, #tpu.memory_space<hbm>>
          %dma_start3A_360 = tpu.memref_squeeze %dma_start3A_359 : memref<1x32xf32, #tpu.memory_space<hbm>> -> memref<32xf32, #tpu.memory_space<hbm>>
          tpu.enqueue_dma source(%dma_start3A_360 : memref<32xf32, #tpu.memory_space<hbm>>) target(%dma_start3A_357 : memref<32xf32, #tpu.memory_space<vmem>>) target_semaphore(%arg11 : memref<!tpu.dma_semaphore, #tpu.memory_space<semaphore_mem>>)
          %slice3A_361 = vector.extract_strided_slice %get3A_110 {offsets = [14], sizes = [1], strides = [1]} : vector<16xi32> to vector<1xi32>
          %squeeze3A_362 = vector.extract %slice3A_361[0] : i32 from vector<1xi32>
          %mul3A_363 = arith.constant 16 : i32
          %mul3A_364 = arith.muli %scan3A_99, %mul3A_363 : i32
          %add3A_365 = arith.constant 14 : i32
          %add3A_366 = arith.addi %mul3A_364, %add3A_365 : i32
          %dma_start3A_367 = arith.constant 0 : i32
          %dma_start3A_368 = tpu.memref_slice %arg7[%add3A_366, %dma_start3A_367] : memref<320x32xf32, #tpu.memory_space<vmem>> -> memref<1x32xf32, #tpu.memory_space<vmem>>
          %dma_start3A_369 = tpu.memref_squeeze %dma_start3A_368 : memref<1x32xf32, #tpu.memory_space<vmem>> -> memref<32xf32, #tpu.memory_space<vmem>>
          %dma_start3A_370 = arith.constant 0 : i32
          %dma_start3A_371 = tpu.memref_slice %arg3[%squeeze3A_362, %dma_start3A_370] : memref<1000000x32xf32, #tpu.memory_space<hbm>> -> memref<1x32xf32, #tpu.memory_space<hbm>>
          %dma_start3A_372 = tpu.memref_squeeze %dma_start3A_371 : memref<1x32xf32, #tpu.memory_space<hbm>> -> memref<32xf32, #tpu.memory_space<hbm>>
          %dma_start3A_373 = arith.constant 0 : i32
          %dma_start3A_374 = tpu.memref_slice %arg7[%add3A_366, %dma_start3A_373] : memref<320x32xf32, #tpu.memory_space<vmem>> -> memref<1x32xf32, #tpu.memory_space<vmem>>
          %dma_start3A_375 = tpu.memref_squeeze %dma_start3A_374 : memref<1x32xf32, #tpu.memory_space<vmem>> -> memref<32xf32, #tpu.memory_space<vmem>>
          %dma_start3A_376 = arith.constant 0 : i32
          %dma_start3A_377 = tpu.memref_slice %arg3[%squeeze3A_362, %dma_start3A_376] : memref<1000000x32xf32, #tpu.memory_space<hbm>> -> memref<1x32xf32, #tpu.memory_space<hbm>>
          %dma_start3A_378 = tpu.memref_squeeze %dma_start3A_377 : memref<1x32xf32, #tpu.memory_space<hbm>> -> memref<32xf32, #tpu.memory_space<hbm>>
          tpu.enqueue_dma source(%dma_start3A_378 : memref<32xf32, #tpu.memory_space<hbm>>) target(%dma_start3A_375 : memref<32xf32, #tpu.memory_space<vmem>>) target_semaphore(%arg11 : memref<!tpu.dma_semaphore, #tpu.memory_space<semaphore_mem>>)
          %slice3A_379 = vector.extract_strided_slice %get3A_110 {offsets = [15], sizes = [1], strides = [1]} : vector<16xi32> to vector<1xi32>
          %squeeze3A_380 = vector.extract %slice3A_379[0] : i32 from vector<1xi32>
          %mul3A_381 = arith.constant 16 : i32
          %mul3A_382 = arith.muli %scan3A_99, %mul3A_381 : i32
          %add3A_383 = arith.constant 15 : i32
          %add3A_384 = arith.addi %mul3A_382, %add3A_383 : i32
          %dma_start3A_385 = arith.constant 0 : i32
          %dma_start3A_386 = tpu.memref_slice %arg7[%add3A_384, %dma_start3A_385] : memref<320x32xf32, #tpu.memory_space<vmem>> -> memref<1x32xf32, #tpu.memory_space<vmem>>
          %dma_start3A_387 = tpu.memref_squeeze %dma_start3A_386 : memref<1x32xf32, #tpu.memory_space<vmem>> -> memref<32xf32, #tpu.memory_space<vmem>>
          %dma_start3A_388 = arith.constant 0 : i32
          %dma_start3A_389 = tpu.memref_slice %arg3[%squeeze3A_380, %dma_start3A_388] : memref<1000000x32xf32, #tpu.memory_space<hbm>> -> memref<1x32xf32, #tpu.memory_space<hbm>>
          %dma_start3A_390 = tpu.memref_squeeze %dma_start3A_389 : memref<1x32xf32, #tpu.memory_space<hbm>> -> memref<32xf32, #tpu.memory_space<hbm>>
          %dma_start3A_391 = arith.constant 0 : i32
          %dma_start3A_392 = tpu.memref_slice %arg7[%add3A_384, %dma_start3A_391] : memref<320x32xf32, #tpu.memory_space<vmem>> -> memref<1x32xf32, #tpu.memory_space<vmem>>
          %dma_start3A_393 = tpu.memref_squeeze %dma_start3A_392 : memref<1x32xf32, #tpu.memory_space<vmem>> -> memref<32xf32, #tpu.memory_space<vmem>>
          %dma_start3A_394 = arith.constant 0 : i32
          %dma_start3A_395 = tpu.memref_slice %arg3[%squeeze3A_380, %dma_start3A_394] : memref<1000000x32xf32, #tpu.memory_space<hbm>> -> memref<1x32xf32, #tpu.memory_space<hbm>>
          %dma_start3A_396 = tpu.memref_squeeze %dma_start3A_395 : memref<1x32xf32, #tpu.memory_space<hbm>> -> memref<32xf32, #tpu.memory_space<hbm>>
          tpu.enqueue_dma source(%dma_start3A_396 : memref<32xf32, #tpu.memory_space<hbm>>) target(%dma_start3A_393 : memref<32xf32, #tpu.memory_space<vmem>>) target_semaphore(%arg11 : memref<!tpu.dma_semaphore, #tpu.memory_space<semaphore_mem>>)
          %scan3A_397 = arith.constant 0 : i32
          scf.yield %scan3A_397 : i32
        }
        %scan3A_98 = arith.constant 20 : i32
      } else {
      }
      %scan3A_37 = arith.constant 0 : i32
      %scan3A_38 = arith.constant 0 : i32
      %scan3A_39 = arith.constant 20 : i32
      %scan3A_40 = arith.addi %scan3A_38, %scan3A_39 : i32
      %scan3A_41 = arith.constant 1 : i32
      %scan3A_42 = scf.for %scan3A_90 = %scan3A_38 to %scan3A_40 step %scan3A_41 iter_args(%scan3A_91 = %scan3A_37) -> (i32)  : i32 {
        %mul3A_92 = arith.constant 16 : i32
        %mul3A_93 = arith.muli %scan3A_90, %mul3A_92 : i32
        %dma_wait3A_94 = arith.constant 0 : i32
        %dma_wait3A_95 = tpu.memref_slice %arg6[%mul3A_93, %dma_wait3A_94] : memref<320x32xf32, #tpu.memory_space<vmem>> -> memref<16x32xf32, #tpu.memory_space<vmem>>
        %dma_wait3A_96 = arith.constant 0 : i32
        %dma_wait3A_97 = arith.constant 0 : i32
        %dma_wait3A_98 = tpu.memref_slice %arg3[%dma_wait3A_96, %dma_wait3A_97] : memref<1000000x32xf32, #tpu.memory_space<hbm>> -> memref<16x32xf32, #tpu.memory_space<hbm>>
        %dma_wait3A_99 = arith.constant 0 : i32
        %dma_wait3A_100 = tpu.memref_slice %arg6[%mul3A_93, %dma_wait3A_99] : memref<320x32xf32, #tpu.memory_space<vmem>> -> memref<16x32xf32, #tpu.memory_space<vmem>>
        %dma_wait3A_101 = arith.constant 0 : i32
        %dma_wait3A_102 = arith.constant 0 : i32
        %dma_wait3A_103 = tpu.memref_slice %arg3[%dma_wait3A_101, %dma_wait3A_102] : memref<1000000x32xf32, #tpu.memory_space<hbm>> -> memref<16x32xf32, #tpu.memory_space<hbm>>
        tpu.wait_dma2 semaphore(%arg10 : memref<!tpu.dma_semaphore, #tpu.memory_space<semaphore_mem>>) src(%dma_wait3A_103 : memref<16x32xf32, #tpu.memory_space<hbm>>) dst(%dma_wait3A_100 : memref<16x32xf32, #tpu.memory_space<vmem>>)
        %scan3A_104 = arith.constant 0 : i32
        scf.yield %scan3A_104 : i32
      }
      %scan3A_43 = arith.constant 20 : i32
      %ge3A = arith.constant 2 : i32
      %ge3A_44 = arith.cmpi sge, %add3A_32, %ge3A : i32
      %convert_element_type3A_45 = arith.extui %ge3A_44 : i1 to i32
      %cond3A_46 = arith.constant 0 : i32
      %cond3A_47 = arith.cmpi ne, %convert_element_type3A_45, %cond3A_46 : i32
      scf.if %cond3A_47 {
        %sub3A = arith.constant 2 : i32
        %sub3A_90 = arith.subi %add3A_32, %sub3A : i32
        %mul3A_91 = arith.constant 16 : i32
        %mul3A_92 = arith.muli %sub3A_90, %mul3A_91 : i32
        %add3A_93 = arith.addi %mul3A_2, %mul3A_92 : i32
        %dma_wait3A_94 = arith.constant 0 : i32
        %dma_wait3A_95 = tpu.memref_slice %arg4[%add3A_93, %dma_wait3A_94] : memref<16384x32xf32, #tpu.memory_space<hbm>> -> memref<16x32xf32, #tpu.memory_space<hbm>>
        %dma_wait3A_96 = arith.constant 0 : i32
        %dma_wait3A_97 = tpu.memref_slice %arg4[%add3A_93, %dma_wait3A_96] : memref<16384x32xf32, #tpu.memory_space<hbm>> -> memref<16x32xf32, #tpu.memory_space<hbm>>
        tpu.wait_dma2 semaphore(%arg12 : memref<!tpu.dma_semaphore, #tpu.memory_space<semaphore_mem>>) src(%arg8 : memref<16x32xf32, #tpu.memory_space<vmem>>) dst(%dma_wait3A_97 : memref<16x32xf32, #tpu.memory_space<hbm>>)
      } else {
      }
      %parallel_loop3A = arith.constant 0 : i32
      %parallel_loop3A_48 = arith.constant 16 : i32
      %parallel_loop3A_49 = arith.constant 1 : i32
      scf.for %parallel_loop3A_90 = %parallel_loop3A to %parallel_loop3A_48 step %parallel_loop3A_49  : i32 {
        %parallel_loop3A_91 = arith.constant 20 : i32
        %parallel_loop3A_92 = arith.muli %parallel_loop3A_90, %parallel_loop3A_91 : i32
        %parallel_loop3A_93 = arith.constant 0 : i32
        %parallel_loop3A_94 = arith.addi %parallel_loop3A_92, %parallel_loop3A_93 : i32
        %parallel_loop3A_95 = arith.index_cast %parallel_loop3A_94 : i32 to index
        %parallel_loop3A_96 = arith.constant 0 : index
        %parallel_loop3A_97 = tpu.vector_load %arg6[%parallel_loop3A_95, %parallel_loop3A_96] {strides = array<i32>} : memref<320x32xf32, #tpu.memory_space<vmem>>, vector<1x16xf32>,
        %parallel_loop3A_98 = vector.shape_cast %parallel_loop3A_97 : vector<1x16xf32> to vector<16xf32>
        %parallel_loop3A_99 = arith.constant 1 : i32
        %parallel_loop3A_100 = arith.addi %parallel_loop3A_92, %parallel_loop3A_99 : i32
        %parallel_loop3A_101 = arith.index_cast %parallel_loop3A_100 : i32 to index
        %parallel_loop3A_102 = arith.constant 0 : index
        %parallel_loop3A_103 = tpu.vector_load %arg6[%parallel_loop3A_101, %parallel_loop3A_102] {strides = array<i32>} : memref<320x32xf32, #tpu.memory_space<vmem>>, vector<1x16xf32>,
        %parallel_loop3A_104 = vector.shape_cast %parallel_loop3A_103 : vector<1x16xf32> to vector<16xf32>
        %parallel_loop3A_105 = arith.constant 2 : i32
        %parallel_loop3A_106 = arith.addi %parallel_loop3A_92, %parallel_loop3A_105 : i32
        %parallel_loop3A_107 = arith.index_cast %parallel_loop3A_106 : i32 to index
        %parallel_loop3A_108 = arith.constant 0 : index
        %parallel_loop3A_109 = tpu.vector_load %arg6[%parallel_loop3A_107, %parallel_loop3A_108] {strides = array<i32>} : memref<320x32xf32, #tpu.memory_space<vmem>>, vector<1x16xf32>,
        %parallel_loop3A_110 = vector.shape_cast %parallel_loop3A_109 : vector<1x16xf32> to vector<16xf32>
        %parallel_loop3A_111 = arith.constant 3 : i32
        %parallel_loop3A_112 = arith.addi %parallel_loop3A_92, %parallel_loop3A_111 : i32
        %parallel_loop3A_113 = arith.index_cast %parallel_loop3A_112 : i32 to index
        %parallel_loop3A_114 = arith.constant 0 : index
        %parallel_loop3A_115 = tpu.vector_load %arg6[%parallel_loop3A_113, %parallel_loop3A_114] {strides = array<i32>} : memref<320x32xf32, #tpu.memory_space<vmem>>, vector<1x16xf32>,
        %parallel_loop3A_116 = vector.shape_cast %parallel_loop3A_115 : vector<1x16xf32> to vector<16xf32>
        %parallel_loop3A_117 = arith.constant 4 : i32
        %parallel_loop3A_118 = arith.addi %parallel_loop3A_92, %parallel_loop3A_117 : i32
        %parallel_loop3A_119 = arith.index_cast %parallel_loop3A_118 : i32 to index
        %parallel_loop3A_120 = arith.constant 0 : index
        %parallel_loop3A_121 = tpu.vector_load %arg6[%parallel_loop3A_119, %parallel_loop3A_120] {strides = array<i32>} : memref<320x32xf32, #tpu.memory_space<vmem>>, vector<1x16xf32>,
        %parallel_loop3A_122 = vector.shape_cast %parallel_loop3A_121 : vector<1x16xf32> to vector<16xf32>
        %parallel_loop3A_123 = arith.constant 5 : i32
        %parallel_loop3A_124 = arith.addi %parallel_loop3A_92, %parallel_loop3A_123 : i32
        %parallel_loop3A_125 = arith.index_cast %parallel_loop3A_124 : i32 to index
        %parallel_loop3A_126 = arith.constant 0 : index
        %parallel_loop3A_127 = tpu.vector_load %arg6[%parallel_loop3A_125, %parallel_loop3A_126] {strides = array<i32>} : memref<320x32xf32, #tpu.memory_space<vmem>>, vector<1x16xf32>,
        %parallel_loop3A_128 = vector.shape_cast %parallel_loop3A_127 : vector<1x16xf32> to vector<16xf32>
        %parallel_loop3A_129 = arith.constant 6 : i32
        %parallel_loop3A_130 = arith.addi %parallel_loop3A_92, %parallel_loop3A_129 : i32
        %parallel_loop3A_131 = arith.index_cast %parallel_loop3A_130 : i32 to index
        %parallel_loop3A_132 = arith.constant 0 : index
        %parallel_loop3A_133 = tpu.vector_load %arg6[%parallel_loop3A_131, %parallel_loop3A_132] {strides = array<i32>} : memref<320x32xf32, #tpu.memory_space<vmem>>, vector<1x16xf32>,
        %parallel_loop3A_134 = vector.shape_cast %parallel_loop3A_133 : vector<1x16xf32> to vector<16xf32>
        %parallel_loop3A_135 = arith.constant 7 : i32
        %parallel_loop3A_136 = arith.addi %parallel_loop3A_92, %parallel_loop3A_135 : i32
        %parallel_loop3A_137 = arith.index_cast %parallel_loop3A_136 : i32 to index
        %parallel_loop3A_138 = arith.constant 0 : index
        %parallel_loop3A_139 = tpu.vector_load %arg6[%parallel_loop3A_137, %parallel_loop3A_138] {strides = array<i32>} : memref<320x32xf32, #tpu.memory_space<vmem>>, vector<1x16xf32>,
        %parallel_loop3A_140 = vector.shape_cast %parallel_loop3A_139 : vector<1x16xf32> to vector<16xf32>
        %parallel_loop3A_141 = arith.constant 8 : i32
        %parallel_loop3A_142 = arith.addi %parallel_loop3A_92, %parallel_loop3A_141 : i32
        %parallel_loop3A_143 = arith.index_cast %parallel_loop3A_142 : i32 to index
        %parallel_loop3A_144 = arith.constant 0 : index
        %parallel_loop3A_145 = tpu.vector_load %arg6[%parallel_loop3A_143, %parallel_loop3A_144] {strides = array<i32>} : memref<320x32xf32, #tpu.memory_space<vmem>>, vector<1x16xf32>,
        %parallel_loop3A_146 = vector.shape_cast %parallel_loop3A_145 : vector<1x16xf32> to vector<16xf32>
        %parallel_loop3A_147 = arith.constant 9 : i32
        %parallel_loop3A_148 = arith.addi %parallel_loop3A_92, %parallel_loop3A_147 : i32
        %parallel_loop3A_149 = arith.index_cast %parallel_loop3A_148 : i32 to index
        %parallel_loop3A_150 = arith.constant 0 : index
        %parallel_loop3A_151 = tpu.vector_load %arg6[%parallel_loop3A_149, %parallel_loop3A_150] {strides = array<i32>} : memref<320x32xf32, #tpu.memory_space<vmem>>, vector<1x16xf32>,
        %parallel_loop3A_152 = vector.shape_cast %parallel_loop3A_151 : vector<1x16xf32> to vector<16xf32>
        %parallel_loop3A_153 = arith.constant 10 : i32
        %parallel_loop3A_154 = arith.addi %parallel_loop3A_92, %parallel_loop3A_153 : i32
        %parallel_loop3A_155 = arith.index_cast %parallel_loop3A_154 : i32 to index
        %parallel_loop3A_156 = arith.constant 0 : index
        %parallel_loop3A_157 = tpu.vector_load %arg6[%parallel_loop3A_155, %parallel_loop3A_156] {strides = array<i32>} : memref<320x32xf32, #tpu.memory_space<vmem>>, vector<1x16xf32>,
        %parallel_loop3A_158 = vector.shape_cast %parallel_loop3A_157 : vector<1x16xf32> to vector<16xf32>
        %parallel_loop3A_159 = arith.constant 11 : i32
        %parallel_loop3A_160 = arith.addi %parallel_loop3A_92, %parallel_loop3A_159 : i32
        %parallel_loop3A_161 = arith.index_cast %parallel_loop3A_160 : i32 to index
        %parallel_loop3A_162 = arith.constant 0 : index
        %parallel_loop3A_163 = tpu.vector_load %arg6[%parallel_loop3A_161, %parallel_loop3A_162] {strides = array<i32>} : memref<320x32xf32, #tpu.memory_space<vmem>>, vector<1x16xf32>,
        %parallel_loop3A_164 = vector.shape_cast %parallel_loop3A_163 : vector<1x16xf32> to vector<16xf32>
        %parallel_loop3A_165 = arith.constant 12 : i32
        %parallel_loop3A_166 = arith.addi %parallel_loop3A_92, %parallel_loop3A_165 : i32
        %parallel_loop3A_167 = arith.index_cast %parallel_loop3A_166 : i32 to index
        %parallel_loop3A_168 = arith.constant 0 : index
        %parallel_loop3A_169 = tpu.vector_load %arg6[%parallel_loop3A_167, %parallel_loop3A_168] {strides = array<i32>} : memref<320x32xf32, #tpu.memory_space<vmem>>, vector<1x16xf32>,
        %parallel_loop3A_170 = vector.shape_cast %parallel_loop3A_169 : vector<1x16xf32> to vector<16xf32>
        %parallel_loop3A_171 = arith.constant 13 : i32
        %parallel_loop3A_172 = arith.addi %parallel_loop3A_92, %parallel_loop3A_171 : i32
        %parallel_loop3A_173 = arith.index_cast %parallel_loop3A_172 : i32 to index
        %parallel_loop3A_174 = arith.constant 0 : index
        %parallel_loop3A_175 = tpu.vector_load %arg6[%parallel_loop3A_173, %parallel_loop3A_174] {strides = array<i32>} : memref<320x32xf32, #tpu.memory_space<vmem>>, vector<1x16xf32>,
        %parallel_loop3A_176 = vector.shape_cast %parallel_loop3A_175 : vector<1x16xf32> to vector<16xf32>
        %parallel_loop3A_177 = arith.constant 14 : i32
        %parallel_loop3A_178 = arith.addi %parallel_loop3A_92, %parallel_loop3A_177 : i32
        %parallel_loop3A_179 = arith.index_cast %parallel_loop3A_178 : i32 to index
        %parallel_loop3A_180 = arith.constant 0 : index
        %parallel_loop3A_181 = tpu.vector_load %arg6[%parallel_loop3A_179, %parallel_loop3A_180] {strides = array<i32>} : memref<320x32xf32, #tpu.memory_space<vmem>>, vector<1x16xf32>,
        %parallel_loop3A_182 = vector.shape_cast %parallel_loop3A_181 : vector<1x16xf32> to vector<16xf32>
        %parallel_loop3A_183 = arith.constant 15 : i32
        %parallel_loop3A_184 = arith.addi %parallel_loop3A_92, %parallel_loop3A_183 : i32
        %parallel_loop3A_185 = arith.index_cast %parallel_loop3A_184 : i32 to index
        %parallel_loop3A_186 = arith.constant 0 : index
        %parallel_loop3A_187 = tpu.vector_load %arg6[%parallel_loop3A_185, %parallel_loop3A_186] {strides = array<i32>} : memref<320x32xf32, #tpu.memory_space<vmem>>, vector<1x16xf32>,
        %parallel_loop3A_188 = vector.shape_cast %parallel_loop3A_187 : vector<1x16xf32> to vector<16xf32>
        %parallel_loop3A_189 = arith.constant 16 : i32
        %parallel_loop3A_190 = arith.addi %parallel_loop3A_92, %parallel_loop3A_189 : i32
        %parallel_loop3A_191 = arith.index_cast %parallel_loop3A_190 : i32 to index
        %parallel_loop3A_192 = arith.constant 0 : index
        %parallel_loop3A_193 = tpu.vector_load %arg6[%parallel_loop3A_191, %parallel_loop3A_192] {strides = array<i32>} : memref<320x32xf32, #tpu.memory_space<vmem>>, vector<1x16xf32>,
        %parallel_loop3A_194 = vector.shape_cast %parallel_loop3A_193 : vector<1x16xf32> to vector<16xf32>
        %parallel_loop3A_195 = arith.constant 17 : i32
        %parallel_loop3A_196 = arith.addi %parallel_loop3A_92, %parallel_loop3A_195 : i32
        %parallel_loop3A_197 = arith.index_cast %parallel_loop3A_196 : i32 to index
        %parallel_loop3A_198 = arith.constant 0 : index
        %parallel_loop3A_199 = tpu.vector_load %arg6[%parallel_loop3A_197, %parallel_loop3A_198] {strides = array<i32>} : memref<320x32xf32, #tpu.memory_space<vmem>>, vector<1x16xf32>,
        %parallel_loop3A_200 = vector.shape_cast %parallel_loop3A_199 : vector<1x16xf32> to vector<16xf32>
        %parallel_loop3A_201 = arith.constant 18 : i32
        %parallel_loop3A_202 = arith.addi %parallel_loop3A_92, %parallel_loop3A_201 : i32
        %parallel_loop3A_203 = arith.index_cast %parallel_loop3A_202 : i32 to index
        %parallel_loop3A_204 = arith.constant 0 : index
        %parallel_loop3A_205 = tpu.vector_load %arg6[%parallel_loop3A_203, %parallel_loop3A_204] {strides = array<i32>} : memref<320x32xf32, #tpu.memory_space<vmem>>, vector<1x16xf32>,
        %parallel_loop3A_206 = vector.shape_cast %parallel_loop3A_205 : vector<1x16xf32> to vector<16xf32>
        %parallel_loop3A_207 = arith.constant 19 : i32
        %parallel_loop3A_208 = arith.addi %parallel_loop3A_92, %parallel_loop3A_207 : i32
        %parallel_loop3A_209 = arith.index_cast %parallel_loop3A_208 : i32 to index
        %parallel_loop3A_210 = arith.constant 0 : index
        %parallel_loop3A_211 = tpu.vector_load %arg6[%parallel_loop3A_209, %parallel_loop3A_210] {strides = array<i32>} : memref<320x32xf32, #tpu.memory_space<vmem>>, vector<1x16xf32>,
        %parallel_loop3A_212 = vector.shape_cast %parallel_loop3A_211 : vector<1x16xf32> to vector<16xf32>
        %parallel_loop3A_213 = arith.addf %parallel_loop3A_98, %parallel_loop3A_104 : vector<16xf32>
        %parallel_loop3A_214 = arith.addf %parallel_loop3A_110, %parallel_loop3A_116 : vector<16xf32>
        %parallel_loop3A_215 = arith.addf %parallel_loop3A_122, %parallel_loop3A_128 : vector<16xf32>
        %parallel_loop3A_216 = arith.addf %parallel_loop3A_134, %parallel_loop3A_140 : vector<16xf32>
        %parallel_loop3A_217 = arith.addf %parallel_loop3A_146, %parallel_loop3A_152 : vector<16xf32>
        %parallel_loop3A_218 = arith.addf %parallel_loop3A_158, %parallel_loop3A_164 : vector<16xf32>
        %parallel_loop3A_219 = arith.addf %parallel_loop3A_170, %parallel_loop3A_176 : vector<16xf32>
        %parallel_loop3A_220 = arith.addf %parallel_loop3A_182, %parallel_loop3A_188 : vector<16xf32>
        %parallel_loop3A_221 = arith.addf %parallel_loop3A_194, %parallel_loop3A_200 : vector<16xf32>
        %parallel_loop3A_222 = arith.addf %parallel_loop3A_206, %parallel_loop3A_212 : vector<16xf32>
        %parallel_loop3A_223 = arith.addf %parallel_loop3A_213, %parallel_loop3A_214 : vector<16xf32>
        %parallel_loop3A_224 = arith.addf %parallel_loop3A_215, %parallel_loop3A_216 : vector<16xf32>
        %parallel_loop3A_225 = arith.addf %parallel_loop3A_217, %parallel_loop3A_218 : vector<16xf32>
        %parallel_loop3A_226 = arith.addf %parallel_loop3A_219, %parallel_loop3A_220 : vector<16xf32>
        %parallel_loop3A_227 = arith.addf %parallel_loop3A_221, %parallel_loop3A_222 : vector<16xf32>
        %parallel_loop3A_228 = arith.addf %parallel_loop3A_223, %parallel_loop3A_224 : vector<16xf32>
        %parallel_loop3A_229 = arith.addf %parallel_loop3A_225, %parallel_loop3A_226 : vector<16xf32>
        %parallel_loop3A_230 = arith.addf %parallel_loop3A_228, %parallel_loop3A_229 : vector<16xf32>
        %parallel_loop3A_231 = arith.addf %parallel_loop3A_230, %parallel_loop3A_227 : vector<16xf32>
        %parallel_loop3A_232 = arith.constant 0 : i32
        %parallel_loop3A_233 = arith.addi %parallel_loop3A_92, %parallel_loop3A_232 : i32
        %parallel_loop3A_234 = arith.index_cast %parallel_loop3A_233 : i32 to index
        %parallel_loop3A_235 = arith.constant 16 : index
        %parallel_loop3A_236 = tpu.vector_load %arg6[%parallel_loop3A_234, %parallel_loop3A_235] {strides = array<i32>} : memref<320x32xf32, #tpu.memory_space<vmem>>, vector<1x16xf32>,
        %parallel_loop3A_237 = vector.shape_cast %parallel_loop3A_236 : vector<1x16xf32> to vector<16xf32>
        %parallel_loop3A_238 = arith.constant 1 : i32
        %parallel_loop3A_239 = arith.addi %parallel_loop3A_92, %parallel_loop3A_238 : i32
        %parallel_loop3A_240 = arith.index_cast %parallel_loop3A_239 : i32 to index
        %parallel_loop3A_241 = arith.constant 16 : index
        %parallel_loop3A_242 = tpu.vector_load %arg6[%parallel_loop3A_240, %parallel_loop3A_241] {strides = array<i32>} : memref<320x32xf32, #tpu.memory_space<vmem>>, vector<1x16xf32>,
        %parallel_loop3A_243 = vector.shape_cast %parallel_loop3A_242 : vector<1x16xf32> to vector<16xf32>
        %parallel_loop3A_244 = arith.constant 2 : i32
        %parallel_loop3A_245 = arith.addi %parallel_loop3A_92, %parallel_loop3A_244 : i32
        %parallel_loop3A_246 = arith.index_cast %parallel_loop3A_245 : i32 to index
        %parallel_loop3A_247 = arith.constant 16 : index
        %parallel_loop3A_248 = tpu.vector_load %arg6[%parallel_loop3A_246, %parallel_loop3A_247] {strides = array<i32>} : memref<320x32xf32, #tpu.memory_space<vmem>>, vector<1x16xf32>,
        %parallel_loop3A_249 = vector.shape_cast %parallel_loop3A_248 : vector<1x16xf32> to vector<16xf32>
        %parallel_loop3A_250 = arith.constant 3 : i32
        %parallel_loop3A_251 = arith.addi %parallel_loop3A_92, %parallel_loop3A_250 : i32
        %parallel_loop3A_252 = arith.index_cast %parallel_loop3A_251 : i32 to index
        %parallel_loop3A_253 = arith.constant 16 : index
        %parallel_loop3A_254 = tpu.vector_load %arg6[%parallel_loop3A_252, %parallel_loop3A_253] {strides = array<i32>} : memref<320x32xf32, #tpu.memory_space<vmem>>, vector<1x16xf32>,
        %parallel_loop3A_255 = vector.shape_cast %parallel_loop3A_254 : vector<1x16xf32> to vector<16xf32>
        %parallel_loop3A_256 = arith.constant 4 : i32
        %parallel_loop3A_257 = arith.addi %parallel_loop3A_92, %parallel_loop3A_256 : i32
        %parallel_loop3A_258 = arith.index_cast %parallel_loop3A_257 : i32 to index
        %parallel_loop3A_259 = arith.constant 16 : index
        %parallel_loop3A_260 = tpu.vector_load %arg6[%parallel_loop3A_258, %parallel_loop3A_259] {strides = array<i32>} : memref<320x32xf32, #tpu.memory_space<vmem>>, vector<1x16xf32>,
        %parallel_loop3A_261 = vector.shape_cast %parallel_loop3A_260 : vector<1x16xf32> to vector<16xf32>
        %parallel_loop3A_262 = arith.constant 5 : i32
        %parallel_loop3A_263 = arith.addi %parallel_loop3A_92, %parallel_loop3A_262 : i32
        %parallel_loop3A_264 = arith.index_cast %parallel_loop3A_263 : i32 to index
        %parallel_loop3A_265 = arith.constant 16 : index
        %parallel_loop3A_266 = tpu.vector_load %arg6[%parallel_loop3A_264, %parallel_loop3A_265] {strides = array<i32>} : memref<320x32xf32, #tpu.memory_space<vmem>>, vector<1x16xf32>,
        %parallel_loop3A_267 = vector.shape_cast %parallel_loop3A_266 : vector<1x16xf32> to vector<16xf32>
        %parallel_loop3A_268 = arith.constant 6 : i32
        %parallel_loop3A_269 = arith.addi %parallel_loop3A_92, %parallel_loop3A_268 : i32
        %parallel_loop3A_270 = arith.index_cast %parallel_loop3A_269 : i32 to index
        %parallel_loop3A_271 = arith.constant 16 : index
        %parallel_loop3A_272 = tpu.vector_load %arg6[%parallel_loop3A_270, %parallel_loop3A_271] {strides = array<i32>} : memref<320x32xf32, #tpu.memory_space<vmem>>, vector<1x16xf32>,
        %parallel_loop3A_273 = vector.shape_cast %parallel_loop3A_272 : vector<1x16xf32> to vector<16xf32>
        %parallel_loop3A_274 = arith.constant 7 : i32
        %parallel_loop3A_275 = arith.addi %parallel_loop3A_92, %parallel_loop3A_274 : i32
        %parallel_loop3A_276 = arith.index_cast %parallel_loop3A_275 : i32 to index
        %parallel_loop3A_277 = arith.constant 16 : index
        %parallel_loop3A_278 = tpu.vector_load %arg6[%parallel_loop3A_276, %parallel_loop3A_277] {strides = array<i32>} : memref<320x32xf32, #tpu.memory_space<vmem>>, vector<1x16xf32>,
        %parallel_loop3A_279 = vector.shape_cast %parallel_loop3A_278 : vector<1x16xf32> to vector<16xf32>
        %parallel_loop3A_280 = arith.constant 8 : i32
        %parallel_loop3A_281 = arith.addi %parallel_loop3A_92, %parallel_loop3A_280 : i32
        %parallel_loop3A_282 = arith.index_cast %parallel_loop3A_281 : i32 to index
        %parallel_loop3A_283 = arith.constant 16 : index
        %parallel_loop3A_284 = tpu.vector_load %arg6[%parallel_loop3A_282, %parallel_loop3A_283] {strides = array<i32>} : memref<320x32xf32, #tpu.memory_space<vmem>>, vector<1x16xf32>,
        %parallel_loop3A_285 = vector.shape_cast %parallel_loop3A_284 : vector<1x16xf32> to vector<16xf32>
        %parallel_loop3A_286 = arith.constant 9 : i32
        %parallel_loop3A_287 = arith.addi %parallel_loop3A_92, %parallel_loop3A_286 : i32
        %parallel_loop3A_288 = arith.index_cast %parallel_loop3A_287 : i32 to index
        %parallel_loop3A_289 = arith.constant 16 : index
        %parallel_loop3A_290 = tpu.vector_load %arg6[%parallel_loop3A_288, %parallel_loop3A_289] {strides = array<i32>} : memref<320x32xf32, #tpu.memory_space<vmem>>, vector<1x16xf32>,
        %parallel_loop3A_291 = vector.shape_cast %parallel_loop3A_290 : vector<1x16xf32> to vector<16xf32>
        %parallel_loop3A_292 = arith.constant 10 : i32
        %parallel_loop3A_293 = arith.addi %parallel_loop3A_92, %parallel_loop3A_292 : i32
        %parallel_loop3A_294 = arith.index_cast %parallel_loop3A_293 : i32 to index
        %parallel_loop3A_295 = arith.constant 16 : index
        %parallel_loop3A_296 = tpu.vector_load %arg6[%parallel_loop3A_294, %parallel_loop3A_295] {strides = array<i32>} : memref<320x32xf32, #tpu.memory_space<vmem>>, vector<1x16xf32>,
        %parallel_loop3A_297 = vector.shape_cast %parallel_loop3A_296 : vector<1x16xf32> to vector<16xf32>
        %parallel_loop3A_298 = arith.constant 11 : i32
        %parallel_loop3A_299 = arith.addi %parallel_loop3A_92, %parallel_loop3A_298 : i32
        %parallel_loop3A_300 = arith.index_cast %parallel_loop3A_299 : i32 to index
        %parallel_loop3A_301 = arith.constant 16 : index
        %parallel_loop3A_302 = tpu.vector_load %arg6[%parallel_loop3A_300, %parallel_loop3A_301] {strides = array<i32>} : memref<320x32xf32, #tpu.memory_space<vmem>>, vector<1x16xf32>,
        %parallel_loop3A_303 = vector.shape_cast %parallel_loop3A_302 : vector<1x16xf32> to vector<16xf32>
        %parallel_loop3A_304 = arith.constant 12 : i32
        %parallel_loop3A_305 = arith.addi %parallel_loop3A_92, %parallel_loop3A_304 : i32
        %parallel_loop3A_306 = arith.index_cast %parallel_loop3A_305 : i32 to index
        %parallel_loop3A_307 = arith.constant 16 : index
        %parallel_loop3A_308 = tpu.vector_load %arg6[%parallel_loop3A_306, %parallel_loop3A_307] {strides = array<i32>} : memref<320x32xf32, #tpu.memory_space<vmem>>, vector<1x16xf32>,
        %parallel_loop3A_309 = vector.shape_cast %parallel_loop3A_308 : vector<1x16xf32> to vector<16xf32>
        %parallel_loop3A_310 = arith.constant 13 : i32
        %parallel_loop3A_311 = arith.addi %parallel_loop3A_92, %parallel_loop3A_310 : i32
        %parallel_loop3A_312 = arith.index_cast %parallel_loop3A_311 : i32 to index
        %parallel_loop3A_313 = arith.constant 16 : index
        %parallel_loop3A_314 = tpu.vector_load %arg6[%parallel_loop3A_312, %parallel_loop3A_313] {strides = array<i32>} : memref<320x32xf32, #tpu.memory_space<vmem>>, vector<1x16xf32>,
        %parallel_loop3A_315 = vector.shape_cast %parallel_loop3A_314 : vector<1x16xf32> to vector<16xf32>
        %parallel_loop3A_316 = arith.constant 14 : i32
        %parallel_loop3A_317 = arith.addi %parallel_loop3A_92, %parallel_loop3A_316 : i32
        %parallel_loop3A_318 = arith.index_cast %parallel_loop3A_317 : i32 to index
        %parallel_loop3A_319 = arith.constant 16 : index
        %parallel_loop3A_320 = tpu.vector_load %arg6[%parallel_loop3A_318, %parallel_loop3A_319] {strides = array<i32>} : memref<320x32xf32, #tpu.memory_space<vmem>>, vector<1x16xf32>,
        %parallel_loop3A_321 = vector.shape_cast %parallel_loop3A_320 : vector<1x16xf32> to vector<16xf32>
        %parallel_loop3A_322 = arith.constant 15 : i32
        %parallel_loop3A_323 = arith.addi %parallel_loop3A_92, %parallel_loop3A_322 : i32
        %parallel_loop3A_324 = arith.index_cast %parallel_loop3A_323 : i32 to index
        %parallel_loop3A_325 = arith.constant 16 : index
        %parallel_loop3A_326 = tpu.vector_load %arg6[%parallel_loop3A_324, %parallel_loop3A_325] {strides = array<i32>} : memref<320x32xf32, #tpu.memory_space<vmem>>, vector<1x16xf32>,
        %parallel_loop3A_327 = vector.shape_cast %parallel_loop3A_326 : vector<1x16xf32> to vector<16xf32>
        %parallel_loop3A_328 = arith.constant 16 : i32
        %parallel_loop3A_329 = arith.addi %parallel_loop3A_92, %parallel_loop3A_328 : i32
        %parallel_loop3A_330 = arith.index_cast %parallel_loop3A_329 : i32 to index
        %parallel_loop3A_331 = arith.constant 16 : index
        %parallel_loop3A_332 = tpu.vector_load %arg6[%parallel_loop3A_330, %parallel_loop3A_331] {strides = array<i32>} : memref<320x32xf32, #tpu.memory_space<vmem>>, vector<1x16xf32>,
        %parallel_loop3A_333 = vector.shape_cast %parallel_loop3A_332 : vector<1x16xf32> to vector<16xf32>
        %parallel_loop3A_334 = arith.constant 17 : i32
        %parallel_loop3A_335 = arith.addi %parallel_loop3A_92, %parallel_loop3A_334 : i32
        %parallel_loop3A_336 = arith.index_cast %parallel_loop3A_335 : i32 to index
        %parallel_loop3A_337 = arith.constant 16 : index
        %parallel_loop3A_338 = tpu.vector_load %arg6[%parallel_loop3A_336, %parallel_loop3A_337] {strides = array<i32>} : memref<320x32xf32, #tpu.memory_space<vmem>>, vector<1x16xf32>,
        %parallel_loop3A_339 = vector.shape_cast %parallel_loop3A_338 : vector<1x16xf32> to vector<16xf32>
        %parallel_loop3A_340 = arith.constant 18 : i32
        %parallel_loop3A_341 = arith.addi %parallel_loop3A_92, %parallel_loop3A_340 : i32
        %parallel_loop3A_342 = arith.index_cast %parallel_loop3A_341 : i32 to index
        %parallel_loop3A_343 = arith.constant 16 : index
        %parallel_loop3A_344 = tpu.vector_load %arg6[%parallel_loop3A_342, %parallel_loop3A_343] {strides = array<i32>} : memref<320x32xf32, #tpu.memory_space<vmem>>, vector<1x16xf32>,
        %parallel_loop3A_345 = vector.shape_cast %parallel_loop3A_344 : vector<1x16xf32> to vector<16xf32>
        %parallel_loop3A_346 = arith.constant 19 : i32
        %parallel_loop3A_347 = arith.addi %parallel_loop3A_92, %parallel_loop3A_346 : i32
        %parallel_loop3A_348 = arith.index_cast %parallel_loop3A_347 : i32 to index
        %parallel_loop3A_349 = arith.constant 16 : index
        %parallel_loop3A_350 = tpu.vector_load %arg6[%parallel_loop3A_348, %parallel_loop3A_349] {strides = array<i32>} : memref<320x32xf32, #tpu.memory_space<vmem>>, vector<1x16xf32>,
        %parallel_loop3A_351 = vector.shape_cast %parallel_loop3A_350 : vector<1x16xf32> to vector<16xf32>
        %parallel_loop3A_352 = arith.addf %parallel_loop3A_237, %parallel_loop3A_243 : vector<16xf32>
        %parallel_loop3A_353 = arith.addf %parallel_loop3A_249, %parallel_loop3A_255 : vector<16xf32>
        %parallel_loop3A_354 = arith.addf %parallel_loop3A_261, %parallel_loop3A_267 : vector<16xf32>
        %parallel_loop3A_355 = arith.addf %parallel_loop3A_273, %parallel_loop3A_279 : vector<16xf32>
        %parallel_loop3A_356 = arith.addf %parallel_loop3A_285, %parallel_loop3A_291 : vector<16xf32>
        %parallel_loop3A_357 = arith.addf %parallel_loop3A_297, %parallel_loop3A_303 : vector<16xf32>
        %parallel_loop3A_358 = arith.addf %parallel_loop3A_309, %parallel_loop3A_315 : vector<16xf32>
        %parallel_loop3A_359 = arith.addf %parallel_loop3A_321, %parallel_loop3A_327 : vector<16xf32>
        %parallel_loop3A_360 = arith.addf %parallel_loop3A_333, %parallel_loop3A_339 : vector<16xf32>
        %parallel_loop3A_361 = arith.addf %parallel_loop3A_345, %parallel_loop3A_351 : vector<16xf32>
        %parallel_loop3A_362 = arith.addf %parallel_loop3A_352, %parallel_loop3A_353 : vector<16xf32>
        %parallel_loop3A_363 = arith.addf %parallel_loop3A_354, %parallel_loop3A_355 : vector<16xf32>
        %parallel_loop3A_364 = arith.addf %parallel_loop3A_356, %parallel_loop3A_357 : vector<16xf32>
        %parallel_loop3A_365 = arith.addf %parallel_loop3A_358, %parallel_loop3A_359 : vector<16xf32>
        %parallel_loop3A_366 = arith.addf %parallel_loop3A_360, %parallel_loop3A_361 : vector<16xf32>
        %parallel_loop3A_367 = arith.addf %parallel_loop3A_362, %parallel_loop3A_363 : vector<16xf32>
        %parallel_loop3A_368 = arith.addf %parallel_loop3A_364, %parallel_loop3A_365 : vector<16xf32>
        %parallel_loop3A_369 = arith.addf %parallel_loop3A_367, %parallel_loop3A_368 : vector<16xf32>
        %parallel_loop3A_370 = arith.addf %parallel_loop3A_369, %parallel_loop3A_366 : vector<16xf32>
        %parallel_loop3A_371 = arith.constant 5.000000e-02 : f32
        %parallel_loop3A_372 = vector.broadcast %parallel_loop3A_371 : f32 to vector<16xf32>
        %parallel_loop3A_373 = arith.mulf %parallel_loop3A_231, %parallel_loop3A_372 : vector<16xf32>
        %parallel_loop3A_374 = arith.index_cast %parallel_loop3A_90 : i32 to index
        %parallel_loop3A_375 = arith.constant 0 : index
        %parallel_loop3A_376 = tpu.vector_load %arg8[%parallel_loop3A_374, %parallel_loop3A_375] {strides = array<i32>} : memref<16x32xf32, #tpu.memory_space<vmem>>, vector<1x16xf32>,
        %parallel_loop3A_377 = vector.shape_cast %parallel_loop3A_376 : vector<1x16xf32> to vector<16xf32>
        %parallel_loop3A_378 = vector.shape_cast %parallel_loop3A_373 : vector<16xf32> to vector<1x16xf32>
        tpu.vector_store %arg8[%parallel_loop3A_374, %parallel_loop3A_375], %parallel_loop3A_378 {strides = array<i32>} : memref<16x32xf32, #tpu.memory_space<vmem>>, vector<1x16xf32>,
        %parallel_loop3A_379 = arith.constant 5.000000e-02 : f32
        %parallel_loop3A_380 = vector.broadcast %parallel_loop3A_379 : f32 to vector<16xf32>
        %parallel_loop3A_381 = arith.mulf %parallel_loop3A_370, %parallel_loop3A_380 : vector<16xf32>
        %parallel_loop3A_382 = arith.index_cast %parallel_loop3A_90 : i32 to index
        %parallel_loop3A_383 = arith.constant 16 : index
        %parallel_loop3A_384 = tpu.vector_load %arg8[%parallel_loop3A_382, %parallel_loop3A_383] {strides = array<i32>} : memref<16x32xf32, #tpu.memory_space<vmem>>, vector<1x16xf32>,
        %parallel_loop3A_385 = vector.shape_cast %parallel_loop3A_384 : vector<1x16xf32> to vector<16xf32>
        %parallel_loop3A_386 = vector.shape_cast %parallel_loop3A_381 : vector<16xf32> to vector<1x16xf32>
        tpu.vector_store %arg8[%parallel_loop3A_382, %parallel_loop3A_383], %parallel_loop3A_386 {strides = array<i32>} : memref<16x32xf32, #tpu.memory_space<vmem>>, vector<1x16xf32>,
      } {sc.loop_unroll_factor = 2 : i64, sc.parallel_access}
      %mul3A_50 = arith.constant 16 : i32
      %mul3A_51 = arith.muli %add3A_32, %mul3A_50 : i32
      %add3A_52 = arith.addi %mul3A_2, %mul3A_51 : i32
      %dma_start3A = arith.constant 0 : i32
      %dma_start3A_53 = tpu.memref_slice %arg4[%add3A_52, %dma_start3A] : memref<16384x32xf32, #tpu.memory_space<hbm>> -> memref<16x32xf32, #tpu.memory_space<hbm>>
      %dma_start3A_54 = arith.constant 0 : i32
      %dma_start3A_55 = tpu.memref_slice %arg4[%add3A_52, %dma_start3A_54] : memref<16384x32xf32, #tpu.memory_space<hbm>> -> memref<16x32xf32, #tpu.memory_space<hbm>>
      tpu.enqueue_dma source(%arg8 : memref<16x32xf32, #tpu.memory_space<vmem>>) target(%dma_start3A_55 : memref<16x32xf32, #tpu.memory_space<hbm>>) target_semaphore(%arg12 : memref<!tpu.dma_semaphore, #tpu.memory_space<semaphore_mem>>)
      %mul3A_56 = arith.constant 2 : i32
      %mul3A_57 = arith.muli %mul3A_56, %scan3A_27 : i32
      %add3A_58 = arith.constant 1 : i32
      %add3A_59 = arith.addi %mul3A_57, %add3A_58 : i32
      %add3A_60 = arith.constant 1 : i32
      %add3A_61 = arith.addi %add3A_59, %add3A_60 : i32
      %lt3A_62 = arith.constant 32 : i32
      %lt3A_63 = arith.cmpi slt, %add3A_61, %lt3A_62 : i32
      %convert_element_type3A_64 = arith.extui %lt3A_63 : i1 to i32
      %cond3A_65 = arith.constant 0 : i32
      %cond3A_66 = arith.cmpi ne, %convert_element_type3A_64, %cond3A_65 : i32
      scf.if %cond3A_66 {
        %add3A_90 = arith.constant 1 : i32
        %add3A_91 = arith.addi %add3A_59, %add3A_90 : i32
        %scan3A_92 = arith.constant 0 : i32
        %scan3A_93 = arith.constant 0 : i32
        %scan3A_94 = arith.constant 20 : i32
        %scan3A_95 = arith.addi %scan3A_93, %scan3A_94 : i32
        %scan3A_96 = arith.constant 1 : i32
        %scan3A_97 = scf.for %scan3A_99 = %scan3A_93 to %scan3A_95 step %scan3A_96 iter_args(%scan3A_100 = %scan3A_92) -> (i32)  : i32 {
          %mul3A_101 = arith.constant 20 : i32
          %mul3A_102 = arith.muli %add3A_91, %mul3A_101 : i32
          %add3A_103 = arith.addi %mul3A_102, %scan3A_99 : i32
          %shift_right_arithmetic3A = arith.constant 3 : i32
          %shift_right_arithmetic3A_104 = arith.shrsi %add3A_103, %shift_right_arithmetic3A : i32
          %and3A = arith.constant 7 : i32
          %and3A_105 = arith.andi %add3A_103, %and3A : i32
          %mul3A_106 = arith.constant 16 : i32
          %mul3A_107 = arith.muli %and3A_105, %mul3A_106 : i32
          %get3A = arith.index_cast %shift_right_arithmetic3A_104 : i32 to index
          %get3A_108 = arith.index_cast %mul3A_107 : i32 to index
          %get3A_109 = tpu.vector_load %arg5[%get3A, %get3A_108] {strides = array<i32>} : memref<80x128xi32, #tpu.memory_space<vmem>>, vector<1x16xi32>,
          %get3A_110 = vector.shape_cast %get3A_109 : vector<1x16xi32> to vector<16xi32>
          %slice3A = vector.extract_strided_slice %get3A_110 {offsets = [0], sizes = [1], strides = [1]} : vector<16xi32> to vector<1xi32>
          %squeeze3A = vector.extract %slice3A[0] : i32 from vector<1xi32>
          %mul3A_111 = arith.constant 16 : i32
          %mul3A_112 = arith.muli %scan3A_99, %mul3A_111 : i32
          %add3A_113 = arith.constant 0 : i32
          %add3A_114 = arith.addi %mul3A_112, %add3A_113 : i32
          %dma_start3A_115 = arith.constant 0 : i32
          %dma_start3A_116 = tpu.memref_slice %arg6[%add3A_114, %dma_start3A_115] : memref<320x32xf32, #tpu.memory_space<vmem>> -> memref<1x32xf32, #tpu.memory_space<vmem>>
          %dma_start3A_117 = tpu.memref_squeeze %dma_start3A_116 : memref<1x32xf32, #tpu.memory_space<vmem>> -> memref<32xf32, #tpu.memory_space<vmem>>
          %dma_start3A_118 = arith.constant 0 : i32
          %dma_start3A_119 = tpu.memref_slice %arg3[%squeeze3A, %dma_start3A_118] : memref<1000000x32xf32, #tpu.memory_space<hbm>> -> memref<1x32xf32, #tpu.memory_space<hbm>>
          %dma_start3A_120 = tpu.memref_squeeze %dma_start3A_119 : memref<1x32xf32, #tpu.memory_space<hbm>> -> memref<32xf32, #tpu.memory_space<hbm>>
          %dma_start3A_121 = arith.constant 0 : i32
          %dma_start3A_122 = tpu.memref_slice %arg6[%add3A_114, %dma_start3A_121] : memref<320x32xf32, #tpu.memory_space<vmem>> -> memref<1x32xf32, #tpu.memory_space<vmem>>
          %dma_start3A_123 = tpu.memref_squeeze %dma_start3A_122 : memref<1x32xf32, #tpu.memory_space<vmem>> -> memref<32xf32, #tpu.memory_space<vmem>>
          %dma_start3A_124 = arith.constant 0 : i32
          %dma_start3A_125 = tpu.memref_slice %arg3[%squeeze3A, %dma_start3A_124] : memref<1000000x32xf32, #tpu.memory_space<hbm>> -> memref<1x32xf32, #tpu.memory_space<hbm>>
          %dma_start3A_126 = tpu.memref_squeeze %dma_start3A_125 : memref<1x32xf32, #tpu.memory_space<hbm>> -> memref<32xf32, #tpu.memory_space<hbm>>
          tpu.enqueue_dma source(%dma_start3A_126 : memref<32xf32, #tpu.memory_space<hbm>>) target(%dma_start3A_123 : memref<32xf32, #tpu.memory_space<vmem>>) target_semaphore(%arg10 : memref<!tpu.dma_semaphore, #tpu.memory_space<semaphore_mem>>)
          %slice3A_127 = vector.extract_strided_slice %get3A_110 {offsets = [1], sizes = [1], strides = [1]} : vector<16xi32> to vector<1xi32>
          %squeeze3A_128 = vector.extract %slice3A_127[0] : i32 from vector<1xi32>
          %mul3A_129 = arith.constant 16 : i32
          %mul3A_130 = arith.muli %scan3A_99, %mul3A_129 : i32
          %add3A_131 = arith.constant 1 : i32
          %add3A_132 = arith.addi %mul3A_130, %add3A_131 : i32
          %dma_start3A_133 = arith.constant 0 : i32
          %dma_start3A_134 = tpu.memref_slice %arg6[%add3A_132, %dma_start3A_133] : memref<320x32xf32, #tpu.memory_space<vmem>> -> memref<1x32xf32, #tpu.memory_space<vmem>>
          %dma_start3A_135 = tpu.memref_squeeze %dma_start3A_134 : memref<1x32xf32, #tpu.memory_space<vmem>> -> memref<32xf32, #tpu.memory_space<vmem>>
          %dma_start3A_136 = arith.constant 0 : i32
          %dma_start3A_137 = tpu.memref_slice %arg3[%squeeze3A_128, %dma_start3A_136] : memref<1000000x32xf32, #tpu.memory_space<hbm>> -> memref<1x32xf32, #tpu.memory_space<hbm>>
          %dma_start3A_138 = tpu.memref_squeeze %dma_start3A_137 : memref<1x32xf32, #tpu.memory_space<hbm>> -> memref<32xf32, #tpu.memory_space<hbm>>
          %dma_start3A_139 = arith.constant 0 : i32
          %dma_start3A_140 = tpu.memref_slice %arg6[%add3A_132, %dma_start3A_139] : memref<320x32xf32, #tpu.memory_space<vmem>> -> memref<1x32xf32, #tpu.memory_space<vmem>>
          %dma_start3A_141 = tpu.memref_squeeze %dma_start3A_140 : memref<1x32xf32, #tpu.memory_space<vmem>> -> memref<32xf32, #tpu.memory_space<vmem>>
          %dma_start3A_142 = arith.constant 0 : i32
          %dma_start3A_143 = tpu.memref_slice %arg3[%squeeze3A_128, %dma_start3A_142] : memref<1000000x32xf32, #tpu.memory_space<hbm>> -> memref<1x32xf32, #tpu.memory_space<hbm>>
          %dma_start3A_144 = tpu.memref_squeeze %dma_start3A_143 : memref<1x32xf32, #tpu.memory_space<hbm>> -> memref<32xf32, #tpu.memory_space<hbm>>
          tpu.enqueue_dma source(%dma_start3A_144 : memref<32xf32, #tpu.memory_space<hbm>>) target(%dma_start3A_141 : memref<32xf32, #tpu.memory_space<vmem>>) target_semaphore(%arg10 : memref<!tpu.dma_semaphore, #tpu.memory_space<semaphore_mem>>)
          %slice3A_145 = vector.extract_strided_slice %get3A_110 {offsets = [2], sizes = [1], strides = [1]} : vector<16xi32> to vector<1xi32>
          %squeeze3A_146 = vector.extract %slice3A_145[0] : i32 from vector<1xi32>
          %mul3A_147 = arith.constant 16 : i32
          %mul3A_148 = arith.muli %scan3A_99, %mul3A_147 : i32
          %add3A_149 = arith.constant 2 : i32
          %add3A_150 = arith.addi %mul3A_148, %add3A_149 : i32
          %dma_start3A_151 = arith.constant 0 : i32
          %dma_start3A_152 = tpu.memref_slice %arg6[%add3A_150, %dma_start3A_151] : memref<320x32xf32, #tpu.memory_space<vmem>> -> memref<1x32xf32, #tpu.memory_space<vmem>>
          %dma_start3A_153 = tpu.memref_squeeze %dma_start3A_152 : memref<1x32xf32, #tpu.memory_space<vmem>> -> memref<32xf32, #tpu.memory_space<vmem>>
          %dma_start3A_154 = arith.constant 0 : i32
          %dma_start3A_155 = tpu.memref_slice %arg3[%squeeze3A_146, %dma_start3A_154] : memref<1000000x32xf32, #tpu.memory_space<hbm>> -> memref<1x32xf32, #tpu.memory_space<hbm>>
          %dma_start3A_156 = tpu.memref_squeeze %dma_start3A_155 : memref<1x32xf32, #tpu.memory_space<hbm>> -> memref<32xf32, #tpu.memory_space<hbm>>
          %dma_start3A_157 = arith.constant 0 : i32
          %dma_start3A_158 = tpu.memref_slice %arg6[%add3A_150, %dma_start3A_157] : memref<320x32xf32, #tpu.memory_space<vmem>> -> memref<1x32xf32, #tpu.memory_space<vmem>>
          %dma_start3A_159 = tpu.memref_squeeze %dma_start3A_158 : memref<1x32xf32, #tpu.memory_space<vmem>> -> memref<32xf32, #tpu.memory_space<vmem>>
          %dma_start3A_160 = arith.constant 0 : i32
          %dma_start3A_161 = tpu.memref_slice %arg3[%squeeze3A_146, %dma_start3A_160] : memref<1000000x32xf32, #tpu.memory_space<hbm>> -> memref<1x32xf32, #tpu.memory_space<hbm>>
          %dma_start3A_162 = tpu.memref_squeeze %dma_start3A_161 : memref<1x32xf32, #tpu.memory_space<hbm>> -> memref<32xf32, #tpu.memory_space<hbm>>
          tpu.enqueue_dma source(%dma_start3A_162 : memref<32xf32, #tpu.memory_space<hbm>>) target(%dma_start3A_159 : memref<32xf32, #tpu.memory_space<vmem>>) target_semaphore(%arg10 : memref<!tpu.dma_semaphore, #tpu.memory_space<semaphore_mem>>)
          %slice3A_163 = vector.extract_strided_slice %get3A_110 {offsets = [3], sizes = [1], strides = [1]} : vector<16xi32> to vector<1xi32>
          %squeeze3A_164 = vector.extract %slice3A_163[0] : i32 from vector<1xi32>
          %mul3A_165 = arith.constant 16 : i32
          %mul3A_166 = arith.muli %scan3A_99, %mul3A_165 : i32
          %add3A_167 = arith.constant 3 : i32
          %add3A_168 = arith.addi %mul3A_166, %add3A_167 : i32
          %dma_start3A_169 = arith.constant 0 : i32
          %dma_start3A_170 = tpu.memref_slice %arg6[%add3A_168, %dma_start3A_169] : memref<320x32xf32, #tpu.memory_space<vmem>> -> memref<1x32xf32, #tpu.memory_space<vmem>>
          %dma_start3A_171 = tpu.memref_squeeze %dma_start3A_170 : memref<1x32xf32, #tpu.memory_space<vmem>> -> memref<32xf32, #tpu.memory_space<vmem>>
          %dma_start3A_172 = arith.constant 0 : i32
          %dma_start3A_173 = tpu.memref_slice %arg3[%squeeze3A_164, %dma_start3A_172] : memref<1000000x32xf32, #tpu.memory_space<hbm>> -> memref<1x32xf32, #tpu.memory_space<hbm>>
          %dma_start3A_174 = tpu.memref_squeeze %dma_start3A_173 : memref<1x32xf32, #tpu.memory_space<hbm>> -> memref<32xf32, #tpu.memory_space<hbm>>
          %dma_start3A_175 = arith.constant 0 : i32
          %dma_start3A_176 = tpu.memref_slice %arg6[%add3A_168, %dma_start3A_175] : memref<320x32xf32, #tpu.memory_space<vmem>> -> memref<1x32xf32, #tpu.memory_space<vmem>>
          %dma_start3A_177 = tpu.memref_squeeze %dma_start3A_176 : memref<1x32xf32, #tpu.memory_space<vmem>> -> memref<32xf32, #tpu.memory_space<vmem>>
          %dma_start3A_178 = arith.constant 0 : i32
          %dma_start3A_179 = tpu.memref_slice %arg3[%squeeze3A_164, %dma_start3A_178] : memref<1000000x32xf32, #tpu.memory_space<hbm>> -> memref<1x32xf32, #tpu.memory_space<hbm>>
          %dma_start3A_180 = tpu.memref_squeeze %dma_start3A_179 : memref<1x32xf32, #tpu.memory_space<hbm>> -> memref<32xf32, #tpu.memory_space<hbm>>
          tpu.enqueue_dma source(%dma_start3A_180 : memref<32xf32, #tpu.memory_space<hbm>>) target(%dma_start3A_177 : memref<32xf32, #tpu.memory_space<vmem>>) target_semaphore(%arg10 : memref<!tpu.dma_semaphore, #tpu.memory_space<semaphore_mem>>)
          %slice3A_181 = vector.extract_strided_slice %get3A_110 {offsets = [4], sizes = [1], strides = [1]} : vector<16xi32> to vector<1xi32>
          %squeeze3A_182 = vector.extract %slice3A_181[0] : i32 from vector<1xi32>
          %mul3A_183 = arith.constant 16 : i32
          %mul3A_184 = arith.muli %scan3A_99, %mul3A_183 : i32
          %add3A_185 = arith.constant 4 : i32
          %add3A_186 = arith.addi %mul3A_184, %add3A_185 : i32
          %dma_start3A_187 = arith.constant 0 : i32
          %dma_start3A_188 = tpu.memref_slice %arg6[%add3A_186, %dma_start3A_187] : memref<320x32xf32, #tpu.memory_space<vmem>> -> memref<1x32xf32, #tpu.memory_space<vmem>>
          %dma_start3A_189 = tpu.memref_squeeze %dma_start3A_188 : memref<1x32xf32, #tpu.memory_space<vmem>> -> memref<32xf32, #tpu.memory_space<vmem>>
          %dma_start3A_190 = arith.constant 0 : i32
          %dma_start3A_191 = tpu.memref_slice %arg3[%squeeze3A_182, %dma_start3A_190] : memref<1000000x32xf32, #tpu.memory_space<hbm>> -> memref<1x32xf32, #tpu.memory_space<hbm>>
          %dma_start3A_192 = tpu.memref_squeeze %dma_start3A_191 : memref<1x32xf32, #tpu.memory_space<hbm>> -> memref<32xf32, #tpu.memory_space<hbm>>
          %dma_start3A_193 = arith.constant 0 : i32
          %dma_start3A_194 = tpu.memref_slice %arg6[%add3A_186, %dma_start3A_193] : memref<320x32xf32, #tpu.memory_space<vmem>> -> memref<1x32xf32, #tpu.memory_space<vmem>>
          %dma_start3A_195 = tpu.memref_squeeze %dma_start3A_194 : memref<1x32xf32, #tpu.memory_space<vmem>> -> memref<32xf32, #tpu.memory_space<vmem>>
          %dma_start3A_196 = arith.constant 0 : i32
          %dma_start3A_197 = tpu.memref_slice %arg3[%squeeze3A_182, %dma_start3A_196] : memref<1000000x32xf32, #tpu.memory_space<hbm>> -> memref<1x32xf32, #tpu.memory_space<hbm>>
          %dma_start3A_198 = tpu.memref_squeeze %dma_start3A_197 : memref<1x32xf32, #tpu.memory_space<hbm>> -> memref<32xf32, #tpu.memory_space<hbm>>
          tpu.enqueue_dma source(%dma_start3A_198 : memref<32xf32, #tpu.memory_space<hbm>>) target(%dma_start3A_195 : memref<32xf32, #tpu.memory_space<vmem>>) target_semaphore(%arg10 : memref<!tpu.dma_semaphore, #tpu.memory_space<semaphore_mem>>)
          %slice3A_199 = vector.extract_strided_slice %get3A_110 {offsets = [5], sizes = [1], strides = [1]} : vector<16xi32> to vector<1xi32>
          %squeeze3A_200 = vector.extract %slice3A_199[0] : i32 from vector<1xi32>
          %mul3A_201 = arith.constant 16 : i32
          %mul3A_202 = arith.muli %scan3A_99, %mul3A_201 : i32
          %add3A_203 = arith.constant 5 : i32
          %add3A_204 = arith.addi %mul3A_202, %add3A_203 : i32
          %dma_start3A_205 = arith.constant 0 : i32
          %dma_start3A_206 = tpu.memref_slice %arg6[%add3A_204, %dma_start3A_205] : memref<320x32xf32, #tpu.memory_space<vmem>> -> memref<1x32xf32, #tpu.memory_space<vmem>>
          %dma_start3A_207 = tpu.memref_squeeze %dma_start3A_206 : memref<1x32xf32, #tpu.memory_space<vmem>> -> memref<32xf32, #tpu.memory_space<vmem>>
          %dma_start3A_208 = arith.constant 0 : i32
          %dma_start3A_209 = tpu.memref_slice %arg3[%squeeze3A_200, %dma_start3A_208] : memref<1000000x32xf32, #tpu.memory_space<hbm>> -> memref<1x32xf32, #tpu.memory_space<hbm>>
          %dma_start3A_210 = tpu.memref_squeeze %dma_start3A_209 : memref<1x32xf32, #tpu.memory_space<hbm>> -> memref<32xf32, #tpu.memory_space<hbm>>
          %dma_start3A_211 = arith.constant 0 : i32
          %dma_start3A_212 = tpu.memref_slice %arg6[%add3A_204, %dma_start3A_211] : memref<320x32xf32, #tpu.memory_space<vmem>> -> memref<1x32xf32, #tpu.memory_space<vmem>>
          %dma_start3A_213 = tpu.memref_squeeze %dma_start3A_212 : memref<1x32xf32, #tpu.memory_space<vmem>> -> memref<32xf32, #tpu.memory_space<vmem>>
          %dma_start3A_214 = arith.constant 0 : i32
          %dma_start3A_215 = tpu.memref_slice %arg3[%squeeze3A_200, %dma_start3A_214] : memref<1000000x32xf32, #tpu.memory_space<hbm>> -> memref<1x32xf32, #tpu.memory_space<hbm>>
          %dma_start3A_216 = tpu.memref_squeeze %dma_start3A_215 : memref<1x32xf32, #tpu.memory_space<hbm>> -> memref<32xf32, #tpu.memory_space<hbm>>
          tpu.enqueue_dma source(%dma_start3A_216 : memref<32xf32, #tpu.memory_space<hbm>>) target(%dma_start3A_213 : memref<32xf32, #tpu.memory_space<vmem>>) target_semaphore(%arg10 : memref<!tpu.dma_semaphore, #tpu.memory_space<semaphore_mem>>)
          %slice3A_217 = vector.extract_strided_slice %get3A_110 {offsets = [6], sizes = [1], strides = [1]} : vector<16xi32> to vector<1xi32>
          %squeeze3A_218 = vector.extract %slice3A_217[0] : i32 from vector<1xi32>
          %mul3A_219 = arith.constant 16 : i32
          %mul3A_220 = arith.muli %scan3A_99, %mul3A_219 : i32
          %add3A_221 = arith.constant 6 : i32
          %add3A_222 = arith.addi %mul3A_220, %add3A_221 : i32
          %dma_start3A_223 = arith.constant 0 : i32
          %dma_start3A_224 = tpu.memref_slice %arg6[%add3A_222, %dma_start3A_223] : memref<320x32xf32, #tpu.memory_space<vmem>> -> memref<1x32xf32, #tpu.memory_space<vmem>>
          %dma_start3A_225 = tpu.memref_squeeze %dma_start3A_224 : memref<1x32xf32, #tpu.memory_space<vmem>> -> memref<32xf32, #tpu.memory_space<vmem>>
          %dma_start3A_226 = arith.constant 0 : i32
          %dma_start3A_227 = tpu.memref_slice %arg3[%squeeze3A_218, %dma_start3A_226] : memref<1000000x32xf32, #tpu.memory_space<hbm>> -> memref<1x32xf32, #tpu.memory_space<hbm>>
          %dma_start3A_228 = tpu.memref_squeeze %dma_start3A_227 : memref<1x32xf32, #tpu.memory_space<hbm>> -> memref<32xf32, #tpu.memory_space<hbm>>
          %dma_start3A_229 = arith.constant 0 : i32
          %dma_start3A_230 = tpu.memref_slice %arg6[%add3A_222, %dma_start3A_229] : memref<320x32xf32, #tpu.memory_space<vmem>> -> memref<1x32xf32, #tpu.memory_space<vmem>>
          %dma_start3A_231 = tpu.memref_squeeze %dma_start3A_230 : memref<1x32xf32, #tpu.memory_space<vmem>> -> memref<32xf32, #tpu.memory_space<vmem>>
          %dma_start3A_232 = arith.constant 0 : i32
          %dma_start3A_233 = tpu.memref_slice %arg3[%squeeze3A_218, %dma_start3A_232] : memref<1000000x32xf32, #tpu.memory_space<hbm>> -> memref<1x32xf32, #tpu.memory_space<hbm>>
          %dma_start3A_234 = tpu.memref_squeeze %dma_start3A_233 : memref<1x32xf32, #tpu.memory_space<hbm>> -> memref<32xf32, #tpu.memory_space<hbm>>
          tpu.enqueue_dma source(%dma_start3A_234 : memref<32xf32, #tpu.memory_space<hbm>>) target(%dma_start3A_231 : memref<32xf32, #tpu.memory_space<vmem>>) target_semaphore(%arg10 : memref<!tpu.dma_semaphore, #tpu.memory_space<semaphore_mem>>)
          %slice3A_235 = vector.extract_strided_slice %get3A_110 {offsets = [7], sizes = [1], strides = [1]} : vector<16xi32> to vector<1xi32>
          %squeeze3A_236 = vector.extract %slice3A_235[0] : i32 from vector<1xi32>
          %mul3A_237 = arith.constant 16 : i32
          %mul3A_238 = arith.muli %scan3A_99, %mul3A_237 : i32
          %add3A_239 = arith.constant 7 : i32
          %add3A_240 = arith.addi %mul3A_238, %add3A_239 : i32
          %dma_start3A_241 = arith.constant 0 : i32
          %dma_start3A_242 = tpu.memref_slice %arg6[%add3A_240, %dma_start3A_241] : memref<320x32xf32, #tpu.memory_space<vmem>> -> memref<1x32xf32, #tpu.memory_space<vmem>>
          %dma_start3A_243 = tpu.memref_squeeze %dma_start3A_242 : memref<1x32xf32, #tpu.memory_space<vmem>> -> memref<32xf32, #tpu.memory_space<vmem>>
          %dma_start3A_244 = arith.constant 0 : i32
          %dma_start3A_245 = tpu.memref_slice %arg3[%squeeze3A_236, %dma_start3A_244] : memref<1000000x32xf32, #tpu.memory_space<hbm>> -> memref<1x32xf32, #tpu.memory_space<hbm>>
          %dma_start3A_246 = tpu.memref_squeeze %dma_start3A_245 : memref<1x32xf32, #tpu.memory_space<hbm>> -> memref<32xf32, #tpu.memory_space<hbm>>
          %dma_start3A_247 = arith.constant 0 : i32
          %dma_start3A_248 = tpu.memref_slice %arg6[%add3A_240, %dma_start3A_247] : memref<320x32xf32, #tpu.memory_space<vmem>> -> memref<1x32xf32, #tpu.memory_space<vmem>>
          %dma_start3A_249 = tpu.memref_squeeze %dma_start3A_248 : memref<1x32xf32, #tpu.memory_space<vmem>> -> memref<32xf32, #tpu.memory_space<vmem>>
          %dma_start3A_250 = arith.constant 0 : i32
          %dma_start3A_251 = tpu.memref_slice %arg3[%squeeze3A_236, %dma_start3A_250] : memref<1000000x32xf32, #tpu.memory_space<hbm>> -> memref<1x32xf32, #tpu.memory_space<hbm>>
          %dma_start3A_252 = tpu.memref_squeeze %dma_start3A_251 : memref<1x32xf32, #tpu.memory_space<hbm>> -> memref<32xf32, #tpu.memory_space<hbm>>
          tpu.enqueue_dma source(%dma_start3A_252 : memref<32xf32, #tpu.memory_space<hbm>>) target(%dma_start3A_249 : memref<32xf32, #tpu.memory_space<vmem>>) target_semaphore(%arg10 : memref<!tpu.dma_semaphore, #tpu.memory_space<semaphore_mem>>)
          %slice3A_253 = vector.extract_strided_slice %get3A_110 {offsets = [8], sizes = [1], strides = [1]} : vector<16xi32> to vector<1xi32>
          %squeeze3A_254 = vector.extract %slice3A_253[0] : i32 from vector<1xi32>
          %mul3A_255 = arith.constant 16 : i32
          %mul3A_256 = arith.muli %scan3A_99, %mul3A_255 : i32
          %add3A_257 = arith.constant 8 : i32
          %add3A_258 = arith.addi %mul3A_256, %add3A_257 : i32
          %dma_start3A_259 = arith.constant 0 : i32
          %dma_start3A_260 = tpu.memref_slice %arg6[%add3A_258, %dma_start3A_259] : memref<320x32xf32, #tpu.memory_space<vmem>> -> memref<1x32xf32, #tpu.memory_space<vmem>>
          %dma_start3A_261 = tpu.memref_squeeze %dma_start3A_260 : memref<1x32xf32, #tpu.memory_space<vmem>> -> memref<32xf32, #tpu.memory_space<vmem>>
          %dma_start3A_262 = arith.constant 0 : i32
          %dma_start3A_263 = tpu.memref_slice %arg3[%squeeze3A_254, %dma_start3A_262] : memref<1000000x32xf32, #tpu.memory_space<hbm>> -> memref<1x32xf32, #tpu.memory_space<hbm>>
          %dma_start3A_264 = tpu.memref_squeeze %dma_start3A_263 : memref<1x32xf32, #tpu.memory_space<hbm>> -> memref<32xf32, #tpu.memory_space<hbm>>
          %dma_start3A_265 = arith.constant 0 : i32
          %dma_start3A_266 = tpu.memref_slice %arg6[%add3A_258, %dma_start3A_265] : memref<320x32xf32, #tpu.memory_space<vmem>> -> memref<1x32xf32, #tpu.memory_space<vmem>>
          %dma_start3A_267 = tpu.memref_squeeze %dma_start3A_266 : memref<1x32xf32, #tpu.memory_space<vmem>> -> memref<32xf32, #tpu.memory_space<vmem>>
          %dma_start3A_268 = arith.constant 0 : i32
          %dma_start3A_269 = tpu.memref_slice %arg3[%squeeze3A_254, %dma_start3A_268] : memref<1000000x32xf32, #tpu.memory_space<hbm>> -> memref<1x32xf32, #tpu.memory_space<hbm>>
          %dma_start3A_270 = tpu.memref_squeeze %dma_start3A_269 : memref<1x32xf32, #tpu.memory_space<hbm>> -> memref<32xf32, #tpu.memory_space<hbm>>
          tpu.enqueue_dma source(%dma_start3A_270 : memref<32xf32, #tpu.memory_space<hbm>>) target(%dma_start3A_267 : memref<32xf32, #tpu.memory_space<vmem>>) target_semaphore(%arg10 : memref<!tpu.dma_semaphore, #tpu.memory_space<semaphore_mem>>)
          %slice3A_271 = vector.extract_strided_slice %get3A_110 {offsets = [9], sizes = [1], strides = [1]} : vector<16xi32> to vector<1xi32>
          %squeeze3A_272 = vector.extract %slice3A_271[0] : i32 from vector<1xi32>
          %mul3A_273 = arith.constant 16 : i32
          %mul3A_274 = arith.muli %scan3A_99, %mul3A_273 : i32
          %add3A_275 = arith.constant 9 : i32
          %add3A_276 = arith.addi %mul3A_274, %add3A_275 : i32
          %dma_start3A_277 = arith.constant 0 : i32
          %dma_start3A_278 = tpu.memref_slice %arg6[%add3A_276, %dma_start3A_277] : memref<320x32xf32, #tpu.memory_space<vmem>> -> memref<1x32xf32, #tpu.memory_space<vmem>>
          %dma_start3A_279 = tpu.memref_squeeze %dma_start3A_278 : memref<1x32xf32, #tpu.memory_space<vmem>> -> memref<32xf32, #tpu.memory_space<vmem>>
          %dma_start3A_280 = arith.constant 0 : i32
          %dma_start3A_281 = tpu.memref_slice %arg3[%squeeze3A_272, %dma_start3A_280] : memref<1000000x32xf32, #tpu.memory_space<hbm>> -> memref<1x32xf32, #tpu.memory_space<hbm>>
          %dma_start3A_282 = tpu.memref_squeeze %dma_start3A_281 : memref<1x32xf32, #tpu.memory_space<hbm>> -> memref<32xf32, #tpu.memory_space<hbm>>
          %dma_start3A_283 = arith.constant 0 : i32
          %dma_start3A_284 = tpu.memref_slice %arg6[%add3A_276, %dma_start3A_283] : memref<320x32xf32, #tpu.memory_space<vmem>> -> memref<1x32xf32, #tpu.memory_space<vmem>>
          %dma_start3A_285 = tpu.memref_squeeze %dma_start3A_284 : memref<1x32xf32, #tpu.memory_space<vmem>> -> memref<32xf32, #tpu.memory_space<vmem>>
          %dma_start3A_286 = arith.constant 0 : i32
          %dma_start3A_287 = tpu.memref_slice %arg3[%squeeze3A_272, %dma_start3A_286] : memref<1000000x32xf32, #tpu.memory_space<hbm>> -> memref<1x32xf32, #tpu.memory_space<hbm>>
          %dma_start3A_288 = tpu.memref_squeeze %dma_start3A_287 : memref<1x32xf32, #tpu.memory_space<hbm>> -> memref<32xf32, #tpu.memory_space<hbm>>
          tpu.enqueue_dma source(%dma_start3A_288 : memref<32xf32, #tpu.memory_space<hbm>>) target(%dma_start3A_285 : memref<32xf32, #tpu.memory_space<vmem>>) target_semaphore(%arg10 : memref<!tpu.dma_semaphore, #tpu.memory_space<semaphore_mem>>)
          %slice3A_289 = vector.extract_strided_slice %get3A_110 {offsets = [10], sizes = [1], strides = [1]} : vector<16xi32> to vector<1xi32>
          %squeeze3A_290 = vector.extract %slice3A_289[0] : i32 from vector<1xi32>
          %mul3A_291 = arith.constant 16 : i32
          %mul3A_292 = arith.muli %scan3A_99, %mul3A_291 : i32
          %add3A_293 = arith.constant 10 : i32
          %add3A_294 = arith.addi %mul3A_292, %add3A_293 : i32
          %dma_start3A_295 = arith.constant 0 : i32
          %dma_start3A_296 = tpu.memref_slice %arg6[%add3A_294, %dma_start3A_295] : memref<320x32xf32, #tpu.memory_space<vmem>> -> memref<1x32xf32, #tpu.memory_space<vmem>>
          %dma_start3A_297 = tpu.memref_squeeze %dma_start3A_296 : memref<1x32xf32, #tpu.memory_space<vmem>> -> memref<32xf32, #tpu.memory_space<vmem>>
          %dma_start3A_298 = arith.constant 0 : i32
          %dma_start3A_299 = tpu.memref_slice %arg3[%squeeze3A_290, %dma_start3A_298] : memref<1000000x32xf32, #tpu.memory_space<hbm>> -> memref<1x32xf32, #tpu.memory_space<hbm>>
          %dma_start3A_300 = tpu.memref_squeeze %dma_start3A_299 : memref<1x32xf32, #tpu.memory_space<hbm>> -> memref<32xf32, #tpu.memory_space<hbm>>
          %dma_start3A_301 = arith.constant 0 : i32
          %dma_start3A_302 = tpu.memref_slice %arg6[%add3A_294, %dma_start3A_301] : memref<320x32xf32, #tpu.memory_space<vmem>> -> memref<1x32xf32, #tpu.memory_space<vmem>>
          %dma_start3A_303 = tpu.memref_squeeze %dma_start3A_302 : memref<1x32xf32, #tpu.memory_space<vmem>> -> memref<32xf32, #tpu.memory_space<vmem>>
          %dma_start3A_304 = arith.constant 0 : i32
          %dma_start3A_305 = tpu.memref_slice %arg3[%squeeze3A_290, %dma_start3A_304] : memref<1000000x32xf32, #tpu.memory_space<hbm>> -> memref<1x32xf32, #tpu.memory_space<hbm>>
          %dma_start3A_306 = tpu.memref_squeeze %dma_start3A_305 : memref<1x32xf32, #tpu.memory_space<hbm>> -> memref<32xf32, #tpu.memory_space<hbm>>
          tpu.enqueue_dma source(%dma_start3A_306 : memref<32xf32, #tpu.memory_space<hbm>>) target(%dma_start3A_303 : memref<32xf32, #tpu.memory_space<vmem>>) target_semaphore(%arg10 : memref<!tpu.dma_semaphore, #tpu.memory_space<semaphore_mem>>)
          %slice3A_307 = vector.extract_strided_slice %get3A_110 {offsets = [11], sizes = [1], strides = [1]} : vector<16xi32> to vector<1xi32>
          %squeeze3A_308 = vector.extract %slice3A_307[0] : i32 from vector<1xi32>
          %mul3A_309 = arith.constant 16 : i32
          %mul3A_310 = arith.muli %scan3A_99, %mul3A_309 : i32
          %add3A_311 = arith.constant 11 : i32
          %add3A_312 = arith.addi %mul3A_310, %add3A_311 : i32
          %dma_start3A_313 = arith.constant 0 : i32
          %dma_start3A_314 = tpu.memref_slice %arg6[%add3A_312, %dma_start3A_313] : memref<320x32xf32, #tpu.memory_space<vmem>> -> memref<1x32xf32, #tpu.memory_space<vmem>>
          %dma_start3A_315 = tpu.memref_squeeze %dma_start3A_314 : memref<1x32xf32, #tpu.memory_space<vmem>> -> memref<32xf32, #tpu.memory_space<vmem>>
          %dma_start3A_316 = arith.constant 0 : i32
          %dma_start3A_317 = tpu.memref_slice %arg3[%squeeze3A_308, %dma_start3A_316] : memref<1000000x32xf32, #tpu.memory_space<hbm>> -> memref<1x32xf32, #tpu.memory_space<hbm>>
          %dma_start3A_318 = tpu.memref_squeeze %dma_start3A_317 : memref<1x32xf32, #tpu.memory_space<hbm>> -> memref<32xf32, #tpu.memory_space<hbm>>
          %dma_start3A_319 = arith.constant 0 : i32
          %dma_start3A_320 = tpu.memref_slice %arg6[%add3A_312, %dma_start3A_319] : memref<320x32xf32, #tpu.memory_space<vmem>> -> memref<1x32xf32, #tpu.memory_space<vmem>>
          %dma_start3A_321 = tpu.memref_squeeze %dma_start3A_320 : memref<1x32xf32, #tpu.memory_space<vmem>> -> memref<32xf32, #tpu.memory_space<vmem>>
          %dma_start3A_322 = arith.constant 0 : i32
          %dma_start3A_323 = tpu.memref_slice %arg3[%squeeze3A_308, %dma_start3A_322] : memref<1000000x32xf32, #tpu.memory_space<hbm>> -> memref<1x32xf32, #tpu.memory_space<hbm>>
          %dma_start3A_324 = tpu.memref_squeeze %dma_start3A_323 : memref<1x32xf32, #tpu.memory_space<hbm>> -> memref<32xf32, #tpu.memory_space<hbm>>
          tpu.enqueue_dma source(%dma_start3A_324 : memref<32xf32, #tpu.memory_space<hbm>>) target(%dma_start3A_321 : memref<32xf32, #tpu.memory_space<vmem>>) target_semaphore(%arg10 : memref<!tpu.dma_semaphore, #tpu.memory_space<semaphore_mem>>)
          %slice3A_325 = vector.extract_strided_slice %get3A_110 {offsets = [12], sizes = [1], strides = [1]} : vector<16xi32> to vector<1xi32>
          %squeeze3A_326 = vector.extract %slice3A_325[0] : i32 from vector<1xi32>
          %mul3A_327 = arith.constant 16 : i32
          %mul3A_328 = arith.muli %scan3A_99, %mul3A_327 : i32
          %add3A_329 = arith.constant 12 : i32
          %add3A_330 = arith.addi %mul3A_328, %add3A_329 : i32
          %dma_start3A_331 = arith.constant 0 : i32
          %dma_start3A_332 = tpu.memref_slice %arg6[%add3A_330, %dma_start3A_331] : memref<320x32xf32, #tpu.memory_space<vmem>> -> memref<1x32xf32, #tpu.memory_space<vmem>>
          %dma_start3A_333 = tpu.memref_squeeze %dma_start3A_332 : memref<1x32xf32, #tpu.memory_space<vmem>> -> memref<32xf32, #tpu.memory_space<vmem>>
          %dma_start3A_334 = arith.constant 0 : i32
          %dma_start3A_335 = tpu.memref_slice %arg3[%squeeze3A_326, %dma_start3A_334] : memref<1000000x32xf32, #tpu.memory_space<hbm>> -> memref<1x32xf32, #tpu.memory_space<hbm>>
          %dma_start3A_336 = tpu.memref_squeeze %dma_start3A_335 : memref<1x32xf32, #tpu.memory_space<hbm>> -> memref<32xf32, #tpu.memory_space<hbm>>
          %dma_start3A_337 = arith.constant 0 : i32
          %dma_start3A_338 = tpu.memref_slice %arg6[%add3A_330, %dma_start3A_337] : memref<320x32xf32, #tpu.memory_space<vmem>> -> memref<1x32xf32, #tpu.memory_space<vmem>>
          %dma_start3A_339 = tpu.memref_squeeze %dma_start3A_338 : memref<1x32xf32, #tpu.memory_space<vmem>> -> memref<32xf32, #tpu.memory_space<vmem>>
          %dma_start3A_340 = arith.constant 0 : i32
          %dma_start3A_341 = tpu.memref_slice %arg3[%squeeze3A_326, %dma_start3A_340] : memref<1000000x32xf32, #tpu.memory_space<hbm>> -> memref<1x32xf32, #tpu.memory_space<hbm>>
          %dma_start3A_342 = tpu.memref_squeeze %dma_start3A_341 : memref<1x32xf32, #tpu.memory_space<hbm>> -> memref<32xf32, #tpu.memory_space<hbm>>
          tpu.enqueue_dma source(%dma_start3A_342 : memref<32xf32, #tpu.memory_space<hbm>>) target(%dma_start3A_339 : memref<32xf32, #tpu.memory_space<vmem>>) target_semaphore(%arg10 : memref<!tpu.dma_semaphore, #tpu.memory_space<semaphore_mem>>)
          %slice3A_343 = vector.extract_strided_slice %get3A_110 {offsets = [13], sizes = [1], strides = [1]} : vector<16xi32> to vector<1xi32>
          %squeeze3A_344 = vector.extract %slice3A_343[0] : i32 from vector<1xi32>
          %mul3A_345 = arith.constant 16 : i32
          %mul3A_346 = arith.muli %scan3A_99, %mul3A_345 : i32
          %add3A_347 = arith.constant 13 : i32
          %add3A_348 = arith.addi %mul3A_346, %add3A_347 : i32
          %dma_start3A_349 = arith.constant 0 : i32
          %dma_start3A_350 = tpu.memref_slice %arg6[%add3A_348, %dma_start3A_349] : memref<320x32xf32, #tpu.memory_space<vmem>> -> memref<1x32xf32, #tpu.memory_space<vmem>>
          %dma_start3A_351 = tpu.memref_squeeze %dma_start3A_350 : memref<1x32xf32, #tpu.memory_space<vmem>> -> memref<32xf32, #tpu.memory_space<vmem>>
          %dma_start3A_352 = arith.constant 0 : i32
          %dma_start3A_353 = tpu.memref_slice %arg3[%squeeze3A_344, %dma_start3A_352] : memref<1000000x32xf32, #tpu.memory_space<hbm>> -> memref<1x32xf32, #tpu.memory_space<hbm>>
          %dma_start3A_354 = tpu.memref_squeeze %dma_start3A_353 : memref<1x32xf32, #tpu.memory_space<hbm>> -> memref<32xf32, #tpu.memory_space<hbm>>
          %dma_start3A_355 = arith.constant 0 : i32
          %dma_start3A_356 = tpu.memref_slice %arg6[%add3A_348, %dma_start3A_355] : memref<320x32xf32, #tpu.memory_space<vmem>> -> memref<1x32xf32, #tpu.memory_space<vmem>>
          %dma_start3A_357 = tpu.memref_squeeze %dma_start3A_356 : memref<1x32xf32, #tpu.memory_space<vmem>> -> memref<32xf32, #tpu.memory_space<vmem>>
          %dma_start3A_358 = arith.constant 0 : i32
          %dma_start3A_359 = tpu.memref_slice %arg3[%squeeze3A_344, %dma_start3A_358] : memref<1000000x32xf32, #tpu.memory_space<hbm>> -> memref<1x32xf32, #tpu.memory_space<hbm>>
          %dma_start3A_360 = tpu.memref_squeeze %dma_start3A_359 : memref<1x32xf32, #tpu.memory_space<hbm>> -> memref<32xf32, #tpu.memory_space<hbm>>
          tpu.enqueue_dma source(%dma_start3A_360 : memref<32xf32, #tpu.memory_space<hbm>>) target(%dma_start3A_357 : memref<32xf32, #tpu.memory_space<vmem>>) target_semaphore(%arg10 : memref<!tpu.dma_semaphore, #tpu.memory_space<semaphore_mem>>)
          %slice3A_361 = vector.extract_strided_slice %get3A_110 {offsets = [14], sizes = [1], strides = [1]} : vector<16xi32> to vector<1xi32>
          %squeeze3A_362 = vector.extract %slice3A_361[0] : i32 from vector<1xi32>
          %mul3A_363 = arith.constant 16 : i32
          %mul3A_364 = arith.muli %scan3A_99, %mul3A_363 : i32
          %add3A_365 = arith.constant 14 : i32
          %add3A_366 = arith.addi %mul3A_364, %add3A_365 : i32
          %dma_start3A_367 = arith.constant 0 : i32
          %dma_start3A_368 = tpu.memref_slice %arg6[%add3A_366, %dma_start3A_367] : memref<320x32xf32, #tpu.memory_space<vmem>> -> memref<1x32xf32, #tpu.memory_space<vmem>>
          %dma_start3A_369 = tpu.memref_squeeze %dma_start3A_368 : memref<1x32xf32, #tpu.memory_space<vmem>> -> memref<32xf32, #tpu.memory_space<vmem>>
          %dma_start3A_370 = arith.constant 0 : i32
          %dma_start3A_371 = tpu.memref_slice %arg3[%squeeze3A_362, %dma_start3A_370] : memref<1000000x32xf32, #tpu.memory_space<hbm>> -> memref<1x32xf32, #tpu.memory_space<hbm>>
          %dma_start3A_372 = tpu.memref_squeeze %dma_start3A_371 : memref<1x32xf32, #tpu.memory_space<hbm>> -> memref<32xf32, #tpu.memory_space<hbm>>
          %dma_start3A_373 = arith.constant 0 : i32
          %dma_start3A_374 = tpu.memref_slice %arg6[%add3A_366, %dma_start3A_373] : memref<320x32xf32, #tpu.memory_space<vmem>> -> memref<1x32xf32, #tpu.memory_space<vmem>>
          %dma_start3A_375 = tpu.memref_squeeze %dma_start3A_374 : memref<1x32xf32, #tpu.memory_space<vmem>> -> memref<32xf32, #tpu.memory_space<vmem>>
          %dma_start3A_376 = arith.constant 0 : i32
          %dma_start3A_377 = tpu.memref_slice %arg3[%squeeze3A_362, %dma_start3A_376] : memref<1000000x32xf32, #tpu.memory_space<hbm>> -> memref<1x32xf32, #tpu.memory_space<hbm>>
          %dma_start3A_378 = tpu.memref_squeeze %dma_start3A_377 : memref<1x32xf32, #tpu.memory_space<hbm>> -> memref<32xf32, #tpu.memory_space<hbm>>
          tpu.enqueue_dma source(%dma_start3A_378 : memref<32xf32, #tpu.memory_space<hbm>>) target(%dma_start3A_375 : memref<32xf32, #tpu.memory_space<vmem>>) target_semaphore(%arg10 : memref<!tpu.dma_semaphore, #tpu.memory_space<semaphore_mem>>)
          %slice3A_379 = vector.extract_strided_slice %get3A_110 {offsets = [15], sizes = [1], strides = [1]} : vector<16xi32> to vector<1xi32>
          %squeeze3A_380 = vector.extract %slice3A_379[0] : i32 from vector<1xi32>
          %mul3A_381 = arith.constant 16 : i32
          %mul3A_382 = arith.muli %scan3A_99, %mul3A_381 : i32
          %add3A_383 = arith.constant 15 : i32
          %add3A_384 = arith.addi %mul3A_382, %add3A_383 : i32
          %dma_start3A_385 = arith.constant 0 : i32
          %dma_start3A_386 = tpu.memref_slice %arg6[%add3A_384, %dma_start3A_385] : memref<320x32xf32, #tpu.memory_space<vmem>> -> memref<1x32xf32, #tpu.memory_space<vmem>>
          %dma_start3A_387 = tpu.memref_squeeze %dma_start3A_386 : memref<1x32xf32, #tpu.memory_space<vmem>> -> memref<32xf32, #tpu.memory_space<vmem>>
          %dma_start3A_388 = arith.constant 0 : i32
          %dma_start3A_389 = tpu.memref_slice %arg3[%squeeze3A_380, %dma_start3A_388] : memref<1000000x32xf32, #tpu.memory_space<hbm>> -> memref<1x32xf32, #tpu.memory_space<hbm>>
          %dma_start3A_390 = tpu.memref_squeeze %dma_start3A_389 : memref<1x32xf32, #tpu.memory_space<hbm>> -> memref<32xf32, #tpu.memory_space<hbm>>
          %dma_start3A_391 = arith.constant 0 : i32
          %dma_start3A_392 = tpu.memref_slice %arg6[%add3A_384, %dma_start3A_391] : memref<320x32xf32, #tpu.memory_space<vmem>> -> memref<1x32xf32, #tpu.memory_space<vmem>>
          %dma_start3A_393 = tpu.memref_squeeze %dma_start3A_392 : memref<1x32xf32, #tpu.memory_space<vmem>> -> memref<32xf32, #tpu.memory_space<vmem>>
          %dma_start3A_394 = arith.constant 0 : i32
          %dma_start3A_395 = tpu.memref_slice %arg3[%squeeze3A_380, %dma_start3A_394] : memref<1000000x32xf32, #tpu.memory_space<hbm>> -> memref<1x32xf32, #tpu.memory_space<hbm>>
          %dma_start3A_396 = tpu.memref_squeeze %dma_start3A_395 : memref<1x32xf32, #tpu.memory_space<hbm>> -> memref<32xf32, #tpu.memory_space<hbm>>
          tpu.enqueue_dma source(%dma_start3A_396 : memref<32xf32, #tpu.memory_space<hbm>>) target(%dma_start3A_393 : memref<32xf32, #tpu.memory_space<vmem>>) target_semaphore(%arg10 : memref<!tpu.dma_semaphore, #tpu.memory_space<semaphore_mem>>)
          %scan3A_397 = arith.constant 0 : i32
          scf.yield %scan3A_397 : i32
        }
        %scan3A_98 = arith.constant 20 : i32
      } else {
      }
      %scan3A_67 = arith.constant 0 : i32
      %scan3A_68 = arith.constant 0 : i32
      %scan3A_69 = arith.constant 20 : i32
      %scan3A_70 = arith.addi %scan3A_68, %scan3A_69 : i32
      %scan3A_71 = arith.constant 1 : i32
      %scan3A_72 = scf.for %scan3A_90 = %scan3A_68 to %scan3A_70 step %scan3A_71 iter_args(%scan3A_91 = %scan3A_67) -> (i32)  : i32 {
        %mul3A_92 = arith.constant 16 : i32
        %mul3A_93 = arith.muli %scan3A_90, %mul3A_92 : i32
        %dma_wait3A_94 = arith.constant 0 : i32
        %dma_wait3A_95 = tpu.memref_slice %arg7[%mul3A_93, %dma_wait3A_94] : memref<320x32xf32, #tpu.memory_space<vmem>> -> memref<16x32xf32, #tpu.memory_space<vmem>>
        %dma_wait3A_96 = arith.constant 0 : i32
        %dma_wait3A_97 = arith.constant 0 : i32
        %dma_wait3A_98 = tpu.memref_slice %arg3[%dma_wait3A_96, %dma_wait3A_97] : memref<1000000x32xf32, #tpu.memory_space<hbm>> -> memref<16x32xf32, #tpu.memory_space<hbm>>
        %dma_wait3A_99 = arith.constant 0 : i32
        %dma_wait3A_100 = tpu.memref_slice %arg7[%mul3A_93, %dma_wait3A_99] : memref<320x32xf32, #tpu.memory_space<vmem>> -> memref<16x32xf32, #tpu.memory_space<vmem>>
        %dma_wait3A_101 = arith.constant 0 : i32
        %dma_wait3A_102 = arith.constant 0 : i32
        %dma_wait3A_103 = tpu.memref_slice %arg3[%dma_wait3A_101, %dma_wait3A_102] : memref<1000000x32xf32, #tpu.memory_space<hbm>> -> memref<16x32xf32, #tpu.memory_space<hbm>>
        tpu.wait_dma2 semaphore(%arg11 : memref<!tpu.dma_semaphore, #tpu.memory_space<semaphore_mem>>) src(%dma_wait3A_103 : memref<16x32xf32, #tpu.memory_space<hbm>>) dst(%dma_wait3A_100 : memref<16x32xf32, #tpu.memory_space<vmem>>)
        %scan3A_104 = arith.constant 0 : i32
        scf.yield %scan3A_104 : i32
      }
      %scan3A_73 = arith.constant 20 : i32
      %ge3A_74 = arith.constant 2 : i32
      %ge3A_75 = arith.cmpi sge, %add3A_59, %ge3A_74 : i32
      %convert_element_type3A_76 = arith.extui %ge3A_75 : i1 to i32
      %cond3A_77 = arith.constant 0 : i32
      %cond3A_78 = arith.cmpi ne, %convert_element_type3A_76, %cond3A_77 : i32
      scf.if %cond3A_78 {
        %sub3A = arith.constant 2 : i32
        %sub3A_90 = arith.subi %add3A_59, %sub3A : i32
        %mul3A_91 = arith.constant 16 : i32
        %mul3A_92 = arith.muli %sub3A_90, %mul3A_91 : i32
        %add3A_93 = arith.addi %mul3A_2, %mul3A_92 : i32
        %dma_wait3A_94 = arith.constant 0 : i32
        %dma_wait3A_95 = tpu.memref_slice %arg4[%add3A_93, %dma_wait3A_94] : memref<16384x32xf32, #tpu.memory_space<hbm>> -> memref<16x32xf32, #tpu.memory_space<hbm>>
        %dma_wait3A_96 = arith.constant 0 : i32
        %dma_wait3A_97 = tpu.memref_slice %arg4[%add3A_93, %dma_wait3A_96] : memref<16384x32xf32, #tpu.memory_space<hbm>> -> memref<16x32xf32, #tpu.memory_space<hbm>>
        tpu.wait_dma2 semaphore(%arg13 : memref<!tpu.dma_semaphore, #tpu.memory_space<semaphore_mem>>) src(%arg9 : memref<16x32xf32, #tpu.memory_space<vmem>>) dst(%dma_wait3A_97 : memref<16x32xf32, #tpu.memory_space<hbm>>)
      } else {
      }
      %parallel_loop3A_79 = arith.constant 0 : i32
      %parallel_loop3A_80 = arith.constant 16 : i32
      %parallel_loop3A_81 = arith.constant 1 : i32
      scf.for %parallel_loop3A_90 = %parallel_loop3A_79 to %parallel_loop3A_80 step %parallel_loop3A_81  : i32 {
        %parallel_loop3A_91 = arith.constant 20 : i32
        %parallel_loop3A_92 = arith.muli %parallel_loop3A_90, %parallel_loop3A_91 : i32
        %parallel_loop3A_93 = arith.constant 0 : i32
        %parallel_loop3A_94 = arith.addi %parallel_loop3A_92, %parallel_loop3A_93 : i32
        %parallel_loop3A_95 = arith.index_cast %parallel_loop3A_94 : i32 to index
        %parallel_loop3A_96 = arith.constant 0 : index
        %parallel_loop3A_97 = tpu.vector_load %arg7[%parallel_loop3A_95, %parallel_loop3A_96] {strides = array<i32>} : memref<320x32xf32, #tpu.memory_space<vmem>>, vector<1x16xf32>,
        %parallel_loop3A_98 = vector.shape_cast %parallel_loop3A_97 : vector<1x16xf32> to vector<16xf32>
        %parallel_loop3A_99 = arith.constant 1 : i32
        %parallel_loop3A_100 = arith.addi %parallel_loop3A_92, %parallel_loop3A_99 : i32
        %parallel_loop3A_101 = arith.index_cast %parallel_loop3A_100 : i32 to index
        %parallel_loop3A_102 = arith.constant 0 : index
        %parallel_loop3A_103 = tpu.vector_load %arg7[%parallel_loop3A_101, %parallel_loop3A_102] {strides = array<i32>} : memref<320x32xf32, #tpu.memory_space<vmem>>, vector<1x16xf32>,
        %parallel_loop3A_104 = vector.shape_cast %parallel_loop3A_103 : vector<1x16xf32> to vector<16xf32>
        %parallel_loop3A_105 = arith.constant 2 : i32
        %parallel_loop3A_106 = arith.addi %parallel_loop3A_92, %parallel_loop3A_105 : i32
        %parallel_loop3A_107 = arith.index_cast %parallel_loop3A_106 : i32 to index
        %parallel_loop3A_108 = arith.constant 0 : index
        %parallel_loop3A_109 = tpu.vector_load %arg7[%parallel_loop3A_107, %parallel_loop3A_108] {strides = array<i32>} : memref<320x32xf32, #tpu.memory_space<vmem>>, vector<1x16xf32>,
        %parallel_loop3A_110 = vector.shape_cast %parallel_loop3A_109 : vector<1x16xf32> to vector<16xf32>
        %parallel_loop3A_111 = arith.constant 3 : i32
        %parallel_loop3A_112 = arith.addi %parallel_loop3A_92, %parallel_loop3A_111 : i32
        %parallel_loop3A_113 = arith.index_cast %parallel_loop3A_112 : i32 to index
        %parallel_loop3A_114 = arith.constant 0 : index
        %parallel_loop3A_115 = tpu.vector_load %arg7[%parallel_loop3A_113, %parallel_loop3A_114] {strides = array<i32>} : memref<320x32xf32, #tpu.memory_space<vmem>>, vector<1x16xf32>,
        %parallel_loop3A_116 = vector.shape_cast %parallel_loop3A_115 : vector<1x16xf32> to vector<16xf32>
        %parallel_loop3A_117 = arith.constant 4 : i32
        %parallel_loop3A_118 = arith.addi %parallel_loop3A_92, %parallel_loop3A_117 : i32
        %parallel_loop3A_119 = arith.index_cast %parallel_loop3A_118 : i32 to index
        %parallel_loop3A_120 = arith.constant 0 : index
        %parallel_loop3A_121 = tpu.vector_load %arg7[%parallel_loop3A_119, %parallel_loop3A_120] {strides = array<i32>} : memref<320x32xf32, #tpu.memory_space<vmem>>, vector<1x16xf32>,
        %parallel_loop3A_122 = vector.shape_cast %parallel_loop3A_121 : vector<1x16xf32> to vector<16xf32>
        %parallel_loop3A_123 = arith.constant 5 : i32
        %parallel_loop3A_124 = arith.addi %parallel_loop3A_92, %parallel_loop3A_123 : i32
        %parallel_loop3A_125 = arith.index_cast %parallel_loop3A_124 : i32 to index
        %parallel_loop3A_126 = arith.constant 0 : index
        %parallel_loop3A_127 = tpu.vector_load %arg7[%parallel_loop3A_125, %parallel_loop3A_126] {strides = array<i32>} : memref<320x32xf32, #tpu.memory_space<vmem>>, vector<1x16xf32>,
        %parallel_loop3A_128 = vector.shape_cast %parallel_loop3A_127 : vector<1x16xf32> to vector<16xf32>
        %parallel_loop3A_129 = arith.constant 6 : i32
        %parallel_loop3A_130 = arith.addi %parallel_loop3A_92, %parallel_loop3A_129 : i32
        %parallel_loop3A_131 = arith.index_cast %parallel_loop3A_130 : i32 to index
        %parallel_loop3A_132 = arith.constant 0 : index
        %parallel_loop3A_133 = tpu.vector_load %arg7[%parallel_loop3A_131, %parallel_loop3A_132] {strides = array<i32>} : memref<320x32xf32, #tpu.memory_space<vmem>>, vector<1x16xf32>,
        %parallel_loop3A_134 = vector.shape_cast %parallel_loop3A_133 : vector<1x16xf32> to vector<16xf32>
        %parallel_loop3A_135 = arith.constant 7 : i32
        %parallel_loop3A_136 = arith.addi %parallel_loop3A_92, %parallel_loop3A_135 : i32
        %parallel_loop3A_137 = arith.index_cast %parallel_loop3A_136 : i32 to index
        %parallel_loop3A_138 = arith.constant 0 : index
        %parallel_loop3A_139 = tpu.vector_load %arg7[%parallel_loop3A_137, %parallel_loop3A_138] {strides = array<i32>} : memref<320x32xf32, #tpu.memory_space<vmem>>, vector<1x16xf32>,
        %parallel_loop3A_140 = vector.shape_cast %parallel_loop3A_139 : vector<1x16xf32> to vector<16xf32>
        %parallel_loop3A_141 = arith.constant 8 : i32
        %parallel_loop3A_142 = arith.addi %parallel_loop3A_92, %parallel_loop3A_141 : i32
        %parallel_loop3A_143 = arith.index_cast %parallel_loop3A_142 : i32 to index
        %parallel_loop3A_144 = arith.constant 0 : index
        %parallel_loop3A_145 = tpu.vector_load %arg7[%parallel_loop3A_143, %parallel_loop3A_144] {strides = array<i32>} : memref<320x32xf32, #tpu.memory_space<vmem>>, vector<1x16xf32>,
        %parallel_loop3A_146 = vector.shape_cast %parallel_loop3A_145 : vector<1x16xf32> to vector<16xf32>
        %parallel_loop3A_147 = arith.constant 9 : i32
        %parallel_loop3A_148 = arith.addi %parallel_loop3A_92, %parallel_loop3A_147 : i32
        %parallel_loop3A_149 = arith.index_cast %parallel_loop3A_148 : i32 to index
        %parallel_loop3A_150 = arith.constant 0 : index
        %parallel_loop3A_151 = tpu.vector_load %arg7[%parallel_loop3A_149, %parallel_loop3A_150] {strides = array<i32>} : memref<320x32xf32, #tpu.memory_space<vmem>>, vector<1x16xf32>,
        %parallel_loop3A_152 = vector.shape_cast %parallel_loop3A_151 : vector<1x16xf32> to vector<16xf32>
        %parallel_loop3A_153 = arith.constant 10 : i32
        %parallel_loop3A_154 = arith.addi %parallel_loop3A_92, %parallel_loop3A_153 : i32
        %parallel_loop3A_155 = arith.index_cast %parallel_loop3A_154 : i32 to index
        %parallel_loop3A_156 = arith.constant 0 : index
        %parallel_loop3A_157 = tpu.vector_load %arg7[%parallel_loop3A_155, %parallel_loop3A_156] {strides = array<i32>} : memref<320x32xf32, #tpu.memory_space<vmem>>, vector<1x16xf32>,
        %parallel_loop3A_158 = vector.shape_cast %parallel_loop3A_157 : vector<1x16xf32> to vector<16xf32>
        %parallel_loop3A_159 = arith.constant 11 : i32
        %parallel_loop3A_160 = arith.addi %parallel_loop3A_92, %parallel_loop3A_159 : i32
        %parallel_loop3A_161 = arith.index_cast %parallel_loop3A_160 : i32 to index
        %parallel_loop3A_162 = arith.constant 0 : index
        %parallel_loop3A_163 = tpu.vector_load %arg7[%parallel_loop3A_161, %parallel_loop3A_162] {strides = array<i32>} : memref<320x32xf32, #tpu.memory_space<vmem>>, vector<1x16xf32>,
        %parallel_loop3A_164 = vector.shape_cast %parallel_loop3A_163 : vector<1x16xf32> to vector<16xf32>
        %parallel_loop3A_165 = arith.constant 12 : i32
        %parallel_loop3A_166 = arith.addi %parallel_loop3A_92, %parallel_loop3A_165 : i32
        %parallel_loop3A_167 = arith.index_cast %parallel_loop3A_166 : i32 to index
        %parallel_loop3A_168 = arith.constant 0 : index
        %parallel_loop3A_169 = tpu.vector_load %arg7[%parallel_loop3A_167, %parallel_loop3A_168] {strides = array<i32>} : memref<320x32xf32, #tpu.memory_space<vmem>>, vector<1x16xf32>,
        %parallel_loop3A_170 = vector.shape_cast %parallel_loop3A_169 : vector<1x16xf32> to vector<16xf32>
        %parallel_loop3A_171 = arith.constant 13 : i32
        %parallel_loop3A_172 = arith.addi %parallel_loop3A_92, %parallel_loop3A_171 : i32
        %parallel_loop3A_173 = arith.index_cast %parallel_loop3A_172 : i32 to index
        %parallel_loop3A_174 = arith.constant 0 : index
        %parallel_loop3A_175 = tpu.vector_load %arg7[%parallel_loop3A_173, %parallel_loop3A_174] {strides = array<i32>} : memref<320x32xf32, #tpu.memory_space<vmem>>, vector<1x16xf32>,
        %parallel_loop3A_176 = vector.shape_cast %parallel_loop3A_175 : vector<1x16xf32> to vector<16xf32>
        %parallel_loop3A_177 = arith.constant 14 : i32
        %parallel_loop3A_178 = arith.addi %parallel_loop3A_92, %parallel_loop3A_177 : i32
        %parallel_loop3A_179 = arith.index_cast %parallel_loop3A_178 : i32 to index
        %parallel_loop3A_180 = arith.constant 0 : index
        %parallel_loop3A_181 = tpu.vector_load %arg7[%parallel_loop3A_179, %parallel_loop3A_180] {strides = array<i32>} : memref<320x32xf32, #tpu.memory_space<vmem>>, vector<1x16xf32>,
        %parallel_loop3A_182 = vector.shape_cast %parallel_loop3A_181 : vector<1x16xf32> to vector<16xf32>
        %parallel_loop3A_183 = arith.constant 15 : i32
        %parallel_loop3A_184 = arith.addi %parallel_loop3A_92, %parallel_loop3A_183 : i32
        %parallel_loop3A_185 = arith.index_cast %parallel_loop3A_184 : i32 to index
        %parallel_loop3A_186 = arith.constant 0 : index
        %parallel_loop3A_187 = tpu.vector_load %arg7[%parallel_loop3A_185, %parallel_loop3A_186] {strides = array<i32>} : memref<320x32xf32, #tpu.memory_space<vmem>>, vector<1x16xf32>,
        %parallel_loop3A_188 = vector.shape_cast %parallel_loop3A_187 : vector<1x16xf32> to vector<16xf32>
        %parallel_loop3A_189 = arith.constant 16 : i32
        %parallel_loop3A_190 = arith.addi %parallel_loop3A_92, %parallel_loop3A_189 : i32
        %parallel_loop3A_191 = arith.index_cast %parallel_loop3A_190 : i32 to index
        %parallel_loop3A_192 = arith.constant 0 : index
        %parallel_loop3A_193 = tpu.vector_load %arg7[%parallel_loop3A_191, %parallel_loop3A_192] {strides = array<i32>} : memref<320x32xf32, #tpu.memory_space<vmem>>, vector<1x16xf32>,
        %parallel_loop3A_194 = vector.shape_cast %parallel_loop3A_193 : vector<1x16xf32> to vector<16xf32>
        %parallel_loop3A_195 = arith.constant 17 : i32
        %parallel_loop3A_196 = arith.addi %parallel_loop3A_92, %parallel_loop3A_195 : i32
        %parallel_loop3A_197 = arith.index_cast %parallel_loop3A_196 : i32 to index
        %parallel_loop3A_198 = arith.constant 0 : index
        %parallel_loop3A_199 = tpu.vector_load %arg7[%parallel_loop3A_197, %parallel_loop3A_198] {strides = array<i32>} : memref<320x32xf32, #tpu.memory_space<vmem>>, vector<1x16xf32>,
        %parallel_loop3A_200 = vector.shape_cast %parallel_loop3A_199 : vector<1x16xf32> to vector<16xf32>
        %parallel_loop3A_201 = arith.constant 18 : i32
        %parallel_loop3A_202 = arith.addi %parallel_loop3A_92, %parallel_loop3A_201 : i32
        %parallel_loop3A_203 = arith.index_cast %parallel_loop3A_202 : i32 to index
        %parallel_loop3A_204 = arith.constant 0 : index
        %parallel_loop3A_205 = tpu.vector_load %arg7[%parallel_loop3A_203, %parallel_loop3A_204] {strides = array<i32>} : memref<320x32xf32, #tpu.memory_space<vmem>>, vector<1x16xf32>,
        %parallel_loop3A_206 = vector.shape_cast %parallel_loop3A_205 : vector<1x16xf32> to vector<16xf32>
        %parallel_loop3A_207 = arith.constant 19 : i32
        %parallel_loop3A_208 = arith.addi %parallel_loop3A_92, %parallel_loop3A_207 : i32
        %parallel_loop3A_209 = arith.index_cast %parallel_loop3A_208 : i32 to index
        %parallel_loop3A_210 = arith.constant 0 : index
        %parallel_loop3A_211 = tpu.vector_load %arg7[%parallel_loop3A_209, %parallel_loop3A_210] {strides = array<i32>} : memref<320x32xf32, #tpu.memory_space<vmem>>, vector<1x16xf32>,
        %parallel_loop3A_212 = vector.shape_cast %parallel_loop3A_211 : vector<1x16xf32> to vector<16xf32>
        %parallel_loop3A_213 = arith.addf %parallel_loop3A_98, %parallel_loop3A_104 : vector<16xf32>
        %parallel_loop3A_214 = arith.addf %parallel_loop3A_110, %parallel_loop3A_116 : vector<16xf32>
        %parallel_loop3A_215 = arith.addf %parallel_loop3A_122, %parallel_loop3A_128 : vector<16xf32>
        %parallel_loop3A_216 = arith.addf %parallel_loop3A_134, %parallel_loop3A_140 : vector<16xf32>
        %parallel_loop3A_217 = arith.addf %parallel_loop3A_146, %parallel_loop3A_152 : vector<16xf32>
        %parallel_loop3A_218 = arith.addf %parallel_loop3A_158, %parallel_loop3A_164 : vector<16xf32>
        %parallel_loop3A_219 = arith.addf %parallel_loop3A_170, %parallel_loop3A_176 : vector<16xf32>
        %parallel_loop3A_220 = arith.addf %parallel_loop3A_182, %parallel_loop3A_188 : vector<16xf32>
        %parallel_loop3A_221 = arith.addf %parallel_loop3A_194, %parallel_loop3A_200 : vector<16xf32>
        %parallel_loop3A_222 = arith.addf %parallel_loop3A_206, %parallel_loop3A_212 : vector<16xf32>
        %parallel_loop3A_223 = arith.addf %parallel_loop3A_213, %parallel_loop3A_214 : vector<16xf32>
        %parallel_loop3A_224 = arith.addf %parallel_loop3A_215, %parallel_loop3A_216 : vector<16xf32>
        %parallel_loop3A_225 = arith.addf %parallel_loop3A_217, %parallel_loop3A_218 : vector<16xf32>
        %parallel_loop3A_226 = arith.addf %parallel_loop3A_219, %parallel_loop3A_220 : vector<16xf32>
        %parallel_loop3A_227 = arith.addf %parallel_loop3A_221, %parallel_loop3A_222 : vector<16xf32>
        %parallel_loop3A_228 = arith.addf %parallel_loop3A_223, %parallel_loop3A_224 : vector<16xf32>
        %parallel_loop3A_229 = arith.addf %parallel_loop3A_225, %parallel_loop3A_226 : vector<16xf32>
        %parallel_loop3A_230 = arith.addf %parallel_loop3A_228, %parallel_loop3A_229 : vector<16xf32>
        %parallel_loop3A_231 = arith.addf %parallel_loop3A_230, %parallel_loop3A_227 : vector<16xf32>
        %parallel_loop3A_232 = arith.constant 0 : i32
        %parallel_loop3A_233 = arith.addi %parallel_loop3A_92, %parallel_loop3A_232 : i32
        %parallel_loop3A_234 = arith.index_cast %parallel_loop3A_233 : i32 to index
        %parallel_loop3A_235 = arith.constant 16 : index
        %parallel_loop3A_236 = tpu.vector_load %arg7[%parallel_loop3A_234, %parallel_loop3A_235] {strides = array<i32>} : memref<320x32xf32, #tpu.memory_space<vmem>>, vector<1x16xf32>,
        %parallel_loop3A_237 = vector.shape_cast %parallel_loop3A_236 : vector<1x16xf32> to vector<16xf32>
        %parallel_loop3A_238 = arith.constant 1 : i32
        %parallel_loop3A_239 = arith.addi %parallel_loop3A_92, %parallel_loop3A_238 : i32
        %parallel_loop3A_240 = arith.index_cast %parallel_loop3A_239 : i32 to index
        %parallel_loop3A_241 = arith.constant 16 : index
        %parallel_loop3A_242 = tpu.vector_load %arg7[%parallel_loop3A_240, %parallel_loop3A_241] {strides = array<i32>} : memref<320x32xf32, #tpu.memory_space<vmem>>, vector<1x16xf32>,
        %parallel_loop3A_243 = vector.shape_cast %parallel_loop3A_242 : vector<1x16xf32> to vector<16xf32>
        %parallel_loop3A_244 = arith.constant 2 : i32
        %parallel_loop3A_245 = arith.addi %parallel_loop3A_92, %parallel_loop3A_244 : i32
        %parallel_loop3A_246 = arith.index_cast %parallel_loop3A_245 : i32 to index
        %parallel_loop3A_247 = arith.constant 16 : index
        %parallel_loop3A_248 = tpu.vector_load %arg7[%parallel_loop3A_246, %parallel_loop3A_247] {strides = array<i32>} : memref<320x32xf32, #tpu.memory_space<vmem>>, vector<1x16xf32>,
        %parallel_loop3A_249 = vector.shape_cast %parallel_loop3A_248 : vector<1x16xf32> to vector<16xf32>
        %parallel_loop3A_250 = arith.constant 3 : i32
        %parallel_loop3A_251 = arith.addi %parallel_loop3A_92, %parallel_loop3A_250 : i32
        %parallel_loop3A_252 = arith.index_cast %parallel_loop3A_251 : i32 to index
        %parallel_loop3A_253 = arith.constant 16 : index
        %parallel_loop3A_254 = tpu.vector_load %arg7[%parallel_loop3A_252, %parallel_loop3A_253] {strides = array<i32>} : memref<320x32xf32, #tpu.memory_space<vmem>>, vector<1x16xf32>,
        %parallel_loop3A_255 = vector.shape_cast %parallel_loop3A_254 : vector<1x16xf32> to vector<16xf32>
        %parallel_loop3A_256 = arith.constant 4 : i32
        %parallel_loop3A_257 = arith.addi %parallel_loop3A_92, %parallel_loop3A_256 : i32
        %parallel_loop3A_258 = arith.index_cast %parallel_loop3A_257 : i32 to index
        %parallel_loop3A_259 = arith.constant 16 : index
        %parallel_loop3A_260 = tpu.vector_load %arg7[%parallel_loop3A_258, %parallel_loop3A_259] {strides = array<i32>} : memref<320x32xf32, #tpu.memory_space<vmem>>, vector<1x16xf32>,
        %parallel_loop3A_261 = vector.shape_cast %parallel_loop3A_260 : vector<1x16xf32> to vector<16xf32>
        %parallel_loop3A_262 = arith.constant 5 : i32
        %parallel_loop3A_263 = arith.addi %parallel_loop3A_92, %parallel_loop3A_262 : i32
        %parallel_loop3A_264 = arith.index_cast %parallel_loop3A_263 : i32 to index
        %parallel_loop3A_265 = arith.constant 16 : index
        %parallel_loop3A_266 = tpu.vector_load %arg7[%parallel_loop3A_264, %parallel_loop3A_265] {strides = array<i32>} : memref<320x32xf32, #tpu.memory_space<vmem>>, vector<1x16xf32>,
        %parallel_loop3A_267 = vector.shape_cast %parallel_loop3A_266 : vector<1x16xf32> to vector<16xf32>
        %parallel_loop3A_268 = arith.constant 6 : i32
        %parallel_loop3A_269 = arith.addi %parallel_loop3A_92, %parallel_loop3A_268 : i32
        %parallel_loop3A_270 = arith.index_cast %parallel_loop3A_269 : i32 to index
        %parallel_loop3A_271 = arith.constant 16 : index
        %parallel_loop3A_272 = tpu.vector_load %arg7[%parallel_loop3A_270, %parallel_loop3A_271] {strides = array<i32>} : memref<320x32xf32, #tpu.memory_space<vmem>>, vector<1x16xf32>,
        %parallel_loop3A_273 = vector.shape_cast %parallel_loop3A_272 : vector<1x16xf32> to vector<16xf32>
        %parallel_loop3A_274 = arith.constant 7 : i32
        %parallel_loop3A_275 = arith.addi %parallel_loop3A_92, %parallel_loop3A_274 : i32
        %parallel_loop3A_276 = arith.index_cast %parallel_loop3A_275 : i32 to index
        %parallel_loop3A_277 = arith.constant 16 : index
        %parallel_loop3A_278 = tpu.vector_load %arg7[%parallel_loop3A_276, %parallel_loop3A_277] {strides = array<i32>} : memref<320x32xf32, #tpu.memory_space<vmem>>, vector<1x16xf32>,
        %parallel_loop3A_279 = vector.shape_cast %parallel_loop3A_278 : vector<1x16xf32> to vector<16xf32>
        %parallel_loop3A_280 = arith.constant 8 : i32
        %parallel_loop3A_281 = arith.addi %parallel_loop3A_92, %parallel_loop3A_280 : i32
        %parallel_loop3A_282 = arith.index_cast %parallel_loop3A_281 : i32 to index
        %parallel_loop3A_283 = arith.constant 16 : index
        %parallel_loop3A_284 = tpu.vector_load %arg7[%parallel_loop3A_282, %parallel_loop3A_283] {strides = array<i32>} : memref<320x32xf32, #tpu.memory_space<vmem>>, vector<1x16xf32>,
        %parallel_loop3A_285 = vector.shape_cast %parallel_loop3A_284 : vector<1x16xf32> to vector<16xf32>
        %parallel_loop3A_286 = arith.constant 9 : i32
        %parallel_loop3A_287 = arith.addi %parallel_loop3A_92, %parallel_loop3A_286 : i32
        %parallel_loop3A_288 = arith.index_cast %parallel_loop3A_287 : i32 to index
        %parallel_loop3A_289 = arith.constant 16 : index
        %parallel_loop3A_290 = tpu.vector_load %arg7[%parallel_loop3A_288, %parallel_loop3A_289] {strides = array<i32>} : memref<320x32xf32, #tpu.memory_space<vmem>>, vector<1x16xf32>,
        %parallel_loop3A_291 = vector.shape_cast %parallel_loop3A_290 : vector<1x16xf32> to vector<16xf32>
        %parallel_loop3A_292 = arith.constant 10 : i32
        %parallel_loop3A_293 = arith.addi %parallel_loop3A_92, %parallel_loop3A_292 : i32
        %parallel_loop3A_294 = arith.index_cast %parallel_loop3A_293 : i32 to index
        %parallel_loop3A_295 = arith.constant 16 : index
        %parallel_loop3A_296 = tpu.vector_load %arg7[%parallel_loop3A_294, %parallel_loop3A_295] {strides = array<i32>} : memref<320x32xf32, #tpu.memory_space<vmem>>, vector<1x16xf32>,
        %parallel_loop3A_297 = vector.shape_cast %parallel_loop3A_296 : vector<1x16xf32> to vector<16xf32>
        %parallel_loop3A_298 = arith.constant 11 : i32
        %parallel_loop3A_299 = arith.addi %parallel_loop3A_92, %parallel_loop3A_298 : i32
        %parallel_loop3A_300 = arith.index_cast %parallel_loop3A_299 : i32 to index
        %parallel_loop3A_301 = arith.constant 16 : index
        %parallel_loop3A_302 = tpu.vector_load %arg7[%parallel_loop3A_300, %parallel_loop3A_301] {strides = array<i32>} : memref<320x32xf32, #tpu.memory_space<vmem>>, vector<1x16xf32>,
        %parallel_loop3A_303 = vector.shape_cast %parallel_loop3A_302 : vector<1x16xf32> to vector<16xf32>
        %parallel_loop3A_304 = arith.constant 12 : i32
        %parallel_loop3A_305 = arith.addi %parallel_loop3A_92, %parallel_loop3A_304 : i32
        %parallel_loop3A_306 = arith.index_cast %parallel_loop3A_305 : i32 to index
        %parallel_loop3A_307 = arith.constant 16 : index
        %parallel_loop3A_308 = tpu.vector_load %arg7[%parallel_loop3A_306, %parallel_loop3A_307] {strides = array<i32>} : memref<320x32xf32, #tpu.memory_space<vmem>>, vector<1x16xf32>,
        %parallel_loop3A_309 = vector.shape_cast %parallel_loop3A_308 : vector<1x16xf32> to vector<16xf32>
        %parallel_loop3A_310 = arith.constant 13 : i32
        %parallel_loop3A_311 = arith.addi %parallel_loop3A_92, %parallel_loop3A_310 : i32
        %parallel_loop3A_312 = arith.index_cast %parallel_loop3A_311 : i32 to index
        %parallel_loop3A_313 = arith.constant 16 : index
        %parallel_loop3A_314 = tpu.vector_load %arg7[%parallel_loop3A_312, %parallel_loop3A_313] {strides = array<i32>} : memref<320x32xf32, #tpu.memory_space<vmem>>, vector<1x16xf32>,
        %parallel_loop3A_315 = vector.shape_cast %parallel_loop3A_314 : vector<1x16xf32> to vector<16xf32>
        %parallel_loop3A_316 = arith.constant 14 : i32
        %parallel_loop3A_317 = arith.addi %parallel_loop3A_92, %parallel_loop3A_316 : i32
        %parallel_loop3A_318 = arith.index_cast %parallel_loop3A_317 : i32 to index
        %parallel_loop3A_319 = arith.constant 16 : index
        %parallel_loop3A_320 = tpu.vector_load %arg7[%parallel_loop3A_318, %parallel_loop3A_319] {strides = array<i32>} : memref<320x32xf32, #tpu.memory_space<vmem>>, vector<1x16xf32>,
        %parallel_loop3A_321 = vector.shape_cast %parallel_loop3A_320 : vector<1x16xf32> to vector<16xf32>
        %parallel_loop3A_322 = arith.constant 15 : i32
        %parallel_loop3A_323 = arith.addi %parallel_loop3A_92, %parallel_loop3A_322 : i32
        %parallel_loop3A_324 = arith.index_cast %parallel_loop3A_323 : i32 to index
        %parallel_loop3A_325 = arith.constant 16 : index
        %parallel_loop3A_326 = tpu.vector_load %arg7[%parallel_loop3A_324, %parallel_loop3A_325] {strides = array<i32>} : memref<320x32xf32, #tpu.memory_space<vmem>>, vector<1x16xf32>,
        %parallel_loop3A_327 = vector.shape_cast %parallel_loop3A_326 : vector<1x16xf32> to vector<16xf32>
        %parallel_loop3A_328 = arith.constant 16 : i32
        %parallel_loop3A_329 = arith.addi %parallel_loop3A_92, %parallel_loop3A_328 : i32
        %parallel_loop3A_330 = arith.index_cast %parallel_loop3A_329 : i32 to index
        %parallel_loop3A_331 = arith.constant 16 : index
        %parallel_loop3A_332 = tpu.vector_load %arg7[%parallel_loop3A_330, %parallel_loop3A_331] {strides = array<i32>} : memref<320x32xf32, #tpu.memory_space<vmem>>, vector<1x16xf32>,
        %parallel_loop3A_333 = vector.shape_cast %parallel_loop3A_332 : vector<1x16xf32> to vector<16xf32>
        %parallel_loop3A_334 = arith.constant 17 : i32
        %parallel_loop3A_335 = arith.addi %parallel_loop3A_92, %parallel_loop3A_334 : i32
        %parallel_loop3A_336 = arith.index_cast %parallel_loop3A_335 : i32 to index
        %parallel_loop3A_337 = arith.constant 16 : index
        %parallel_loop3A_338 = tpu.vector_load %arg7[%parallel_loop3A_336, %parallel_loop3A_337] {strides = array<i32>} : memref<320x32xf32, #tpu.memory_space<vmem>>, vector<1x16xf32>,
        %parallel_loop3A_339 = vector.shape_cast %parallel_loop3A_338 : vector<1x16xf32> to vector<16xf32>
        %parallel_loop3A_340 = arith.constant 18 : i32
        %parallel_loop3A_341 = arith.addi %parallel_loop3A_92, %parallel_loop3A_340 : i32
        %parallel_loop3A_342 = arith.index_cast %parallel_loop3A_341 : i32 to index
        %parallel_loop3A_343 = arith.constant 16 : index
        %parallel_loop3A_344 = tpu.vector_load %arg7[%parallel_loop3A_342, %parallel_loop3A_343] {strides = array<i32>} : memref<320x32xf32, #tpu.memory_space<vmem>>, vector<1x16xf32>,
        %parallel_loop3A_345 = vector.shape_cast %parallel_loop3A_344 : vector<1x16xf32> to vector<16xf32>
        %parallel_loop3A_346 = arith.constant 19 : i32
        %parallel_loop3A_347 = arith.addi %parallel_loop3A_92, %parallel_loop3A_346 : i32
        %parallel_loop3A_348 = arith.index_cast %parallel_loop3A_347 : i32 to index
        %parallel_loop3A_349 = arith.constant 16 : index
        %parallel_loop3A_350 = tpu.vector_load %arg7[%parallel_loop3A_348, %parallel_loop3A_349] {strides = array<i32>} : memref<320x32xf32, #tpu.memory_space<vmem>>, vector<1x16xf32>,
        %parallel_loop3A_351 = vector.shape_cast %parallel_loop3A_350 : vector<1x16xf32> to vector<16xf32>
        %parallel_loop3A_352 = arith.addf %parallel_loop3A_237, %parallel_loop3A_243 : vector<16xf32>
        %parallel_loop3A_353 = arith.addf %parallel_loop3A_249, %parallel_loop3A_255 : vector<16xf32>
        %parallel_loop3A_354 = arith.addf %parallel_loop3A_261, %parallel_loop3A_267 : vector<16xf32>
        %parallel_loop3A_355 = arith.addf %parallel_loop3A_273, %parallel_loop3A_279 : vector<16xf32>
        %parallel_loop3A_356 = arith.addf %parallel_loop3A_285, %parallel_loop3A_291 : vector<16xf32>
        %parallel_loop3A_357 = arith.addf %parallel_loop3A_297, %parallel_loop3A_303 : vector<16xf32>
        %parallel_loop3A_358 = arith.addf %parallel_loop3A_309, %parallel_loop3A_315 : vector<16xf32>
        %parallel_loop3A_359 = arith.addf %parallel_loop3A_321, %parallel_loop3A_327 : vector<16xf32>
        %parallel_loop3A_360 = arith.addf %parallel_loop3A_333, %parallel_loop3A_339 : vector<16xf32>
        %parallel_loop3A_361 = arith.addf %parallel_loop3A_345, %parallel_loop3A_351 : vector<16xf32>
        %parallel_loop3A_362 = arith.addf %parallel_loop3A_352, %parallel_loop3A_353 : vector<16xf32>
        %parallel_loop3A_363 = arith.addf %parallel_loop3A_354, %parallel_loop3A_355 : vector<16xf32>
        %parallel_loop3A_364 = arith.addf %parallel_loop3A_356, %parallel_loop3A_357 : vector<16xf32>
        %parallel_loop3A_365 = arith.addf %parallel_loop3A_358, %parallel_loop3A_359 : vector<16xf32>
        %parallel_loop3A_366 = arith.addf %parallel_loop3A_360, %parallel_loop3A_361 : vector<16xf32>
        %parallel_loop3A_367 = arith.addf %parallel_loop3A_362, %parallel_loop3A_363 : vector<16xf32>
        %parallel_loop3A_368 = arith.addf %parallel_loop3A_364, %parallel_loop3A_365 : vector<16xf32>
        %parallel_loop3A_369 = arith.addf %parallel_loop3A_367, %parallel_loop3A_368 : vector<16xf32>
        %parallel_loop3A_370 = arith.addf %parallel_loop3A_369, %parallel_loop3A_366 : vector<16xf32>
        %parallel_loop3A_371 = arith.constant 5.000000e-02 : f32
        %parallel_loop3A_372 = vector.broadcast %parallel_loop3A_371 : f32 to vector<16xf32>
        %parallel_loop3A_373 = arith.mulf %parallel_loop3A_231, %parallel_loop3A_372 : vector<16xf32>
        %parallel_loop3A_374 = arith.index_cast %parallel_loop3A_90 : i32 to index
        %parallel_loop3A_375 = arith.constant 0 : index
        %parallel_loop3A_376 = tpu.vector_load %arg9[%parallel_loop3A_374, %parallel_loop3A_375] {strides = array<i32>} : memref<16x32xf32, #tpu.memory_space<vmem>>, vector<1x16xf32>,
        %parallel_loop3A_377 = vector.shape_cast %parallel_loop3A_376 : vector<1x16xf32> to vector<16xf32>
        %parallel_loop3A_378 = vector.shape_cast %parallel_loop3A_373 : vector<16xf32> to vector<1x16xf32>
        tpu.vector_store %arg9[%parallel_loop3A_374, %parallel_loop3A_375], %parallel_loop3A_378 {strides = array<i32>} : memref<16x32xf32, #tpu.memory_space<vmem>>, vector<1x16xf32>,
        %parallel_loop3A_379 = arith.constant 5.000000e-02 : f32
        %parallel_loop3A_380 = vector.broadcast %parallel_loop3A_379 : f32 to vector<16xf32>
        %parallel_loop3A_381 = arith.mulf %parallel_loop3A_370, %parallel_loop3A_380 : vector<16xf32>
        %parallel_loop3A_382 = arith.index_cast %parallel_loop3A_90 : i32 to index
        %parallel_loop3A_383 = arith.constant 16 : index
        %parallel_loop3A_384 = tpu.vector_load %arg9[%parallel_loop3A_382, %parallel_loop3A_383] {strides = array<i32>} : memref<16x32xf32, #tpu.memory_space<vmem>>, vector<1x16xf32>,
        %parallel_loop3A_385 = vector.shape_cast %parallel_loop3A_384 : vector<1x16xf32> to vector<16xf32>
        %parallel_loop3A_386 = vector.shape_cast %parallel_loop3A_381 : vector<16xf32> to vector<1x16xf32>
        tpu.vector_store %arg9[%parallel_loop3A_382, %parallel_loop3A_383], %parallel_loop3A_386 {strides = array<i32>} : memref<16x32xf32, #tpu.memory_space<vmem>>, vector<1x16xf32>,
      } {sc.loop_unroll_factor = 2 : i64, sc.parallel_access}
      %mul3A_82 = arith.constant 16 : i32
      %mul3A_83 = arith.muli %add3A_59, %mul3A_82 : i32
      %add3A_84 = arith.addi %mul3A_2, %mul3A_83 : i32
      %dma_start3A_85 = arith.constant 0 : i32
      %dma_start3A_86 = tpu.memref_slice %arg4[%add3A_84, %dma_start3A_85] : memref<16384x32xf32, #tpu.memory_space<hbm>> -> memref<16x32xf32, #tpu.memory_space<hbm>>
      %dma_start3A_87 = arith.constant 0 : i32
      %dma_start3A_88 = tpu.memref_slice %arg4[%add3A_84, %dma_start3A_87] : memref<16384x32xf32, #tpu.memory_space<hbm>> -> memref<16x32xf32, #tpu.memory_space<hbm>>
      tpu.enqueue_dma source(%arg9 : memref<16x32xf32, #tpu.memory_space<vmem>>) target(%dma_start3A_88 : memref<16x32xf32, #tpu.memory_space<hbm>>) target_semaphore(%arg13 : memref<!tpu.dma_semaphore, #tpu.memory_space<semaphore_mem>>)
      %scan3A_89 = arith.constant 0 : i32
      scf.yield %scan3A_89 : i32
    }
    %scan3A_15 = arith.constant 16 : i32
    %add3A_16 = arith.constant 480 : i32
    %add3A_17 = arith.addi %mul3A_2, %add3A_16 : i32
    %dma_wait3A = arith.constant 0 : i32
    %dma_wait3A_18 = tpu.memref_slice %arg4[%add3A_17, %dma_wait3A] : memref<16384x32xf32, #tpu.memory_space<hbm>> -> memref<16x32xf32, #tpu.memory_space<hbm>>
    %dma_wait3A_19 = arith.constant 0 : i32
    %dma_wait3A_20 = tpu.memref_slice %arg4[%add3A_17, %dma_wait3A_19] : memref<16384x32xf32, #tpu.memory_space<hbm>> -> memref<16x32xf32, #tpu.memory_space<hbm>>
    tpu.wait_dma2 semaphore(%arg12 : memref<!tpu.dma_semaphore, #tpu.memory_space<semaphore_mem>>) src(%arg8 : memref<16x32xf32, #tpu.memory_space<vmem>>) dst(%dma_wait3A_20 : memref<16x32xf32, #tpu.memory_space<hbm>>)
    %add3A_21 = arith.constant 496 : i32
    %add3A_22 = arith.addi %mul3A_2, %add3A_21 : i32
    %dma_wait3A_23 = arith.constant 0 : i32
    %dma_wait3A_24 = tpu.memref_slice %arg4[%add3A_22, %dma_wait3A_23] : memref<16384x32xf32, #tpu.memory_space<hbm>> -> memref<16x32xf32, #tpu.memory_space<hbm>>
    %dma_wait3A_25 = arith.constant 0 : i32
    %dma_wait3A_26 = tpu.memref_slice %arg4[%add3A_22, %dma_wait3A_25] : memref<16384x32xf32, #tpu.memory_space<hbm>> -> memref<16x32xf32, #tpu.memory_space<hbm>>
    tpu.wait_dma2 semaphore(%arg13 : memref<!tpu.dma_semaphore, #tpu.memory_space<semaphore_mem>>) src(%arg9 : memref<16x32xf32, #tpu.memory_space<vmem>>) dst(%dma_wait3A_26 : memref<16x32xf32, #tpu.memory_space<hbm>>)
    return
  }
}

</mosaic_0001>

<sc_bundles>
// kernel: kernel.3.cloned.1.call-start
scs
__scs_entry_jumppad:
0x0: {  	(pc) =	sbr.rel $0x88, $3  }
0x1: {  	(tag) =	ssettag $0x0;
	lr =	simm.s32 $0x1  }
0x2: {  	[smem:$0x3F9F] =	sst lr;
	_ =	strace $0xD0000000  }
0x3: {  	_ = 	snop  }
0x4: {  	_ = 	snop  }
0x5: {  	_ = 	snop  }
0x6: {  	_ = 	snop  }
0x7: {  	_ = 	snop  }
__scs_overlays_trampoline_lowered:
0x8: {  	[smem:$0x3FAE] =	sst s0  }
0x9: {  	[smem:$0x3FAF] =	sst s1  }
0xa: {  	[smem:$0x3FB0] =	sst s2  }
0xb: {  	[smem:$0x3FB1] =	sst s3  }
0xc: {  	[smem:$0x3FB2] =	sst s4  }
0xd: {  	[smem:$0x3FB3] =	sst s5  }
0xe: {  	[smem:$0x3FB4] =	sst s6  }
0xf: {  	[smem:$0x3FB5] =	sst s7  }
0x10: {  	[smem:$0x3FB6] =	sst s8  }
0x11: {  	[smem:$0x3FB7] =	sst s9;
	s0 =	simm.s32 @!p0 $0x0  }
0x12: {  	s1 =	sld [smem:$0x3F9D];
	s0 =	simm.s32 @p0 $0x1  }
0x13: {  	[smem:$0x3FB8] =	sst s0;
	s0 =	simm.s32 @!p1 $0x0  }
0x14: {  	s2 =	sld [smem:$0x3F9C];
	s0 =	simm.s32 @p1 $0x1  }
0x15: {  	[smem:$0x3FB9] =	sst s0;
	s0 =	simm.s32 @!p2 $0x0  }
0x16: {  	s3 =	sld [smem:$0x3FDB];
	s0 =	simm.s32 @p2 $0x1  }
0x17: {  	s4 =	simm.s32 $0x1BF5;
	[smem:$0x3FBB] =	sst s0  }
0x18: {  	s0 =	sld [smem:$0x3F9E];
	_ =	swait.ge [sflag:s4], $0x0  }
0x19: {  	s7 =	sld [smem:$0x3F9F]  }
0x1a: {  	s8 =	sadd.s32 $0xFFFFE003, lr  }
0x1b: {  	s9 =	sadd.s32 $0xFFFFFEF7, lr;
	s5 =	simm.s32 $0xFFFFFFFF;
	p2 =	slt.u32 s8, $0xFFFFF086  }
0x1c: {  	p1 =	slt.u32 s9, $0xF7A;
	s5 =	simm.s32 @!p2 $0x0  }
0x1d: {  	s5 =	simm.s32 @p1 $0x1;
	p0 =	seq.s32 s7, s2  }
0x1e: {  	s7 =	smul.u32 @!p0 $0xF7A, s2;
	p2 =	seq.s32 @!p0 s5, $0x0  }
0x1f: {  	s9 =	smul.u32 $0xF7A, s1;
	s8 =	simm.s32 @!p0 $0x1BF5;
	p2 =	por !p2, p0  }
0x20: {  	[sflag:s8] =	ssyncset.s32 @!p0 $0xFFFFF086;
	s6 =	sadd.s32 @!p0 s3, s7;
	s7 =	simm.s32 @!p0 $0x108  }
0x21: {  	s3 =	sadd.s32 s3, s9;
	s6 =	sadd.s32 @!p0 $0x88, s6;
	s7 =	simm.s32 @p2 $0x1082  }
0x22: {  	[simem:s7], [sflag:s8] =	dma.local @!p0 [hbm:s6], $0xF7A  }
0x23: {  	s9 =	sor.u32 $0xD0000000, s2;
	s6 =	simm.s32 $0x108;
	_ =	swait.ge @!p0 [sflag:s8], $0x0  }
0x24: {  	s3 =	sadd.s32 $0x88, s3;
	s6 =	simm.s32 @!p1 $0x1082;
	[sflag:s4] =	ssyncset.s32 $0xFFFFF086  }
0x25: {  	[simem:s6], [sflag:s4] =	dma.local [hbm:s3], $0xF7A  }
0x26: {  	[smem:$0x3F9F] =	sst s1;
	(tag) =	ssettag s2;
	_ =	strace s9  }
0x27: {  	s1 =	sld [smem:$0x3FAF]  }
0x28: {  	s2 =	sld [smem:$0x3FB0]  }
0x29: {  	s4 =	sld [smem:$0x3FB2]  }
0x2a: {  	p0 =	seq.s32 s5, $0x0;
	s5 =	sld [smem:$0x3FB3]  }
0x2b: {  	s6 =	sld [smem:$0x3FB4]  }
0x2c: {  	s7 =	sld [smem:$0x3FB5]  }
0x2d: {  	s3 =	simm.s32 $0x108;
	s8 =	sld [smem:$0x3FB6]  }
0x2e: {  	s3 =	simm.s32 @!p0 $0x1082;
	s9 =	sld [smem:$0x3FB7]  }
0x2f: {  	lr =	sadd.s32 s0, s3;
	s0 =	sld [smem:$0x3FAE]  }
0x30: {  	s3 =	sld [smem:$0x3FB1]  }
0x31: {  	[smem:$0x3FBA] =	sst s10  }
0x32: {  	s10 =	sld [smem:$0x3FB8];
	_ =	sdelay $0x3  }
0x33: {  	p0 =	seq.s32 s10, $0x1;
	s10 =	sld [smem:$0x3FBA];
	_ =	sdelay $0x3  }
0x34: {  	[smem:$0x3FBA] =	sst s10  }
0x35: {  	s10 =	sld [smem:$0x3FB9];
	_ =	sdelay $0x3  }
0x36: {  	p1 =	seq.s32 s10, $0x1;
	s10 =	sld [smem:$0x3FBA];
	_ =	sdelay $0x3  }
0x37: {  	[smem:$0x3FBA] =	sst s10  }
0x38: {  	s10 =	sld [smem:$0x3FBB]  }
0x39: {  	_ = 	snop;
	(pc) =	sbr.ind lr, $3  }
0x3a: {  	_ = 	snop  }
0x3b: {  	_ = 	snop  }
0x3c: {  	p2 =	seq.s32 s10, $0x1;
	s10 =	sld [smem:$0x3FBA]  }
0x3d: {  	_ =	shalt  }
0x3e: {  	_ =	shalt  }
0x3f: {  	_ =	shalt  }
0x40: {  	_ =	shalt  }
0x41: {  	_ =	shalt  }
0x42: {  	_ =	shalt  }
0x43: {  	_ =	shalt  }
0x44: {  	_ =	shalt  }
0x45: {  	_ =	shalt  }
0x46: {  	_ =	shalt  }
0x47: {  	_ =	shalt  }
0x48: {  	_ =	shalt  }
0x49: {  	_ =	shalt  }
0x4a: {  	_ =	shalt  }
0x4b: {  	_ =	shalt  }
0x4c: {  	_ =	shalt  }
0x4d: {  	_ =	shalt  }
0x4e: {  	_ =	shalt  }
0x4f: {  	_ =	shalt  }
0x50: {  	_ =	shalt  }
0x51: {  	_ =	shalt  }
0x52: {  	_ =	shalt  }
0x53: {  	_ =	shalt  }
0x54: {  	_ =	shalt  }
0x55: {  	_ =	shalt  }
0x56: {  	_ =	shalt  }
0x57: {  	_ =	shalt  }
0x58: {  	_ =	shalt  }
0x59: {  	_ =	shalt  }
0x5a: {  	_ =	shalt  }
0x5b: {  	_ =	shalt  }
0x5c: {  	_ =	shalt  }
0x5d: {  	_ =	shalt  }
0x5e: {  	_ =	shalt  }
0x5f: {  	_ =	shalt  }
0x60: {  	_ =	shalt  }
0x61: {  	_ =	shalt  }
0x62: {  	_ =	shalt  }
0x63: {  	_ =	shalt  }
0x64: {  	_ =	shalt  }
0x65: {  	_ =	shalt  }
0x66: {  	_ =	shalt  }
0x67: {  	_ =	shalt  }
0x68: {  	_ =	shalt  }
0x69: {  	_ =	shalt  }
0x6a: {  	_ =	shalt  }
0x6b: {  	_ =	shalt  }
0x6c: {  	_ =	shalt  }
0x6d: {  	_ =	shalt  }
0x6e: {  	_ =	shalt  }
0x6f: {  	_ =	shalt  }
0x70: {  	_ =	shalt  }
0x71: {  	_ =	shalt  }
0x72: {  	_ =	shalt  }
0x73: {  	_ =	shalt  }
0x74: {  	_ =	shalt  }
0x75: {  	_ =	shalt  }
0x76: {  	_ =	shalt  }
0x77: {  	_ =	shalt  }
0x78: {  	_ =	shalt  }
0x79: {  	_ =	shalt  }
0x7a: {  	_ =	shalt  }
0x7b: {  	_ =	shalt  }
0x7c: {  	_ =	shalt  }
0x7d: {  	_ =	shalt  }
0x7e: {  	_ =	shalt  }
0x7f: {  	_ =	shalt  }
0x80: {  	_ =	shalt  }
0x81: {  	_ =	shalt  }
0x82: {  	_ =	shalt  }
0x83: {  	_ =	shalt  }
0x84: {  	_ =	shalt  }
0x85: {  	_ =	shalt  }
0x86: {  	_ =	shalt  }
0x87: {  	_ =	shalt  }
.Lfunc_end0:
.L_simem_size_0:
called_computation_lowered:
.L_overlay_start_0:
0x88: {  	s2 =	sld [smem:$0x3FD9]  }
0x89: {  	s3 =	sld [smem:$0x3FFE];
	_ =	sdelay $0x1  }
0x8a: {  	s1 =	srdreg.scid  }
0x8b: {  	s0 =	sand.u32 $0x1, s1  }
0x8c: {  	s17 =	sshll.u32 s0, $0xA;
	s2 =	sadd.s32 s3, s2  }
0x8d: {  	s2 =	sadd.s32 s2, s17  }
0x8e: {  	[smem:$0x3FC6] =	sst s2  }
0x8f: {  	_ = 	snop  }
0x90: {  	s2 =	sld [smem:$0x3FD0];
	(tm) =	ssettm $0x1  }
0x91: {  	s18 =	sld [smem:$0x3FFB];
	_ =	sdelay $0x3  }
0x92: {  	_ =	strace s18  }
0x93: {  	s3 =	sld [smem:$0x3FFC];
	_ =	sdelay $0x3  }
0x94: {  	_ =	strace s3  }
0x95: {  	s3 =	sld [smem:$0x3FFD];
	_ =	sdelay $0x3  }
0x96: {  	_ =	strace s3  }
0x97: {  	_ =	strace $0x8FFFFFFF  }
0x98: {  	s19 =	sld [smem:$0x3FDB];
	_ =	sdelay $0x1  }
0x99: {  	s4 =	simm.s32 $_scs_section_size  }
0x9a: {  	s5 =	simm.s32 $_size__tile_overlayer_lowered;
	s6 =	simm.s32 $_tile_overlayer_lowered  }
0x9b: {  	s22 =	simm.s32 $0x1BFF;
	s21 =	sshll.u32 s6, $0x1;
	s3 =	sadd.s32 s4, s19  }
0x9c: {  	s7 =	simm.s32 $0x0;
	s20 =	sshll.u32 s5, $0x1;
	s5 =	sadd.s32 s21, s3  }
0x9d: {  	[timem:s7], [sflag:s22] =	dma.local [hbm:s5], s20  }
0x9e: {  	_ =	swait.ge [sflag:s22], s20  }
0x9f: {  	s4 =	ssub.s32 $0x0, s20;
	[sflag:s22] =	ssyncset.done $0x0  }
0xa0: {  	[sflag:s22] =	ssyncadd.s32 s4;
	_ =	sdelay $0x1  }
0xa1: {  	s23 =	simm.s32 $0x1B8B  }
0xa2: {  	_ =	swait.ge [sflag:s23], $0x1  }
0xa3: {  	[sflag:s23] =	ssyncset.done $0x0  }
0xa4: {  	s25 =	simm.s32 $0x1B8E;
	s24 =	sld [smem:$0x3FFE];
	[sflag:s23] =	ssyncadd.s32 $0xFFFFFFFF  }
0xa5: {  	s26 =	simm.s32 $execute0_lowered;
	[smem:$0x3FD2] =	sst s25  }
0xa6: {  	s5 =	sshll.u32 s26, $0x1;
	_ =	strace $0x80000046;
	[dreg:$0x1] =	wrdreg $0xFFFFFFFF  }
0xa7: {  	s28 =	simm.s32 $_size_execute0_lowered;
	s3 =	sadd.s32 s3, s5;
	[dreg:$0x0] =	wrdreg $0x0  }
0xa8: {  	s5 =	sshll.u32 s28, $0x1;
	[dreg:$0x2] =	wrdreg s3  }
0xa9: {  	[dreg:$0x3] =	wrdreg s5  }
0xaa: {  	[dreg:$0x4] =	wrdreg $0xC0  }
0xab: {  	_ =	task [dreg:s7], $0x5FFFF  }
0xac: {  	[dreg:$0x1] =	wrdreg $0xFFFFFFFF  }
0xad: {  	[dreg:$0x0] =	wrdreg $0x60  }
0xae: {  	[dreg:$0x2] =	wrdreg s2  }
0xaf: {  	[dreg:$0x3] =	wrdreg s24  }
0xb0: {  	[dreg:$0x4] =	wrdreg $0x9  }
0xb1: {  	_ =	task.clear_ibuf [dreg:s7], $0x5FFFF;
	_ =	strace $0x90000046  }
0xb2: {  	s29 =	simm.s32 $0x9;
	_ =	strace $0x80000048  }
0xb3: {  	_ =	swait.ge [sflag:s29], $0x1  }
0xb4: {  	[sflag:s29] =	ssyncadd.s32 $0xFFFFFFFF  }
0xb5: {  	_ =	strace $0x90000048  }
0xb6: {  	_ =	sfence  }
0xb7: {  	s30 =	sld [smem:$0x0];
	_ =	sdelay $0x2  }
0xb8: {  	s31 =	sshll.u32 s1, $0xD;
	s1 =	sshrl.u32 s1, $0x2  }
0xb9: {  	s3 =	sand.u32 $0x4000, s31;
	s1 =	sadd.s32 s1, s30  }
0xba: {  	s0 =	sor.u32 s3, s0;
	s1 =	sshll.u32 s1, $0x11  }
0xbb: {  	s0 =	sor.u32 s1, s0  }
0xbc: {  	s0 =	sadd.s32 $0x8F2B, s0  }
0xbd: {  	[sflag:s0] =	ssyncadd.remote.s32 $0x1  }
0xbe: {  	_ =	sfence.sel $0xFFFF  }
0xbf: {  	[dreg:$0x0] =	wrdreg $0xFFFFFFFF;
	(pc) =	sbr.abs _section_cstart, $3  }
0xc0: {  	[dreg:$0x1] =	wrdreg $0xFFFFFFFF  }
0xc1: {  	_ =	task.clear_ibuf [dreg:s7], $0x2FFFF;
	_ =	strace $0x9FFFFFFF  }
0xc2: {  	(tm) =	ssettm $0x7FFFFFFF  }
0xc3: {  	_ =	shalt  }
tec
execute0_lowered:
.L_overlay_start_1:
0x0: {  	(tag) =	ssettag $0x1  }
0x1: {  	s0 =	rddreg [dreg:$0x0]  }
0x2: {  	s1 =	rddreg [dreg:$0x1]  }
0x3: {  	s3 =	srdreg.scid;
	s4 =	stileid.u32  }
0x4: {  	s2 =	simm.s32 $0x0;
	s3 =	sand.u32 $0x1, s3;
	s4 =	sshll.u32 s4, $0x1  }
0x5: {  	s8 =	simm.s32 $0x1;
	[smem:$0x7FF] =	sst s2;
	s4 =	sor.u32 s3, s4  }
0x6: {  	s6 =	ssub.s32 $0x2, s3;
	s5 =	sshll.u32 s4, $0xD;
	s4 =	smul.u32 $0x500, s4  }
0x7: {  	s9 =	simm.s32 $0x16800;
	_ =	strace $0x80000047;
	s30 =	sshrl.u32 s6, $0x1  }
0x8: {  	s3 =	sadd.s32 $0x400, s1;
	s6 =	ssub.s32 s6, s30;
	s0 =	sadd.s32 s0, s4  }
0x9: {  	s1 =	sadd.s32 s5, s1;
	s31 =	smax.u32 s6, $0x1;
	[dreg:$0x3] =	wrdreg s0  }
0xa: {  	s10 =	simm.s32 $0x2;
	s5 =	sadd.s32 $0xF42800, s1;
	[dreg:$0x5] =	wrdreg s31  }
0xb: {  	s11 =	simm.s32 $0x17000;
	s4 =	simm.s32 $0x0;
	[dreg:$0x4] =	wrdreg s5  }
.LBB2_1:
0xc: {  	[dreg:$0x6] =	wrdreg s4  }
0xd: {  	s0 =	rddreg [dreg:$0x3];
	s30 =	simm.s32 $0x5  }
0xe: {  	[tilespmem:s2], [sflag:$0x5] =	stream.linear.gather [hbm4b:s0+s2], $0x2800, $0x38;
	[tilespmem:$0x17800] =	vst v63  }
0xf: {  	_ =	swait.ge [sflag:s30], $0x2800  }
0x10: {  	[sflag:s30] =	ssyncset.done $0x0  }
0x11: {  	s31 =	sand.u32 $0x1F0, s2;
	[sflag:s30] =	ssyncadd.s32 $0xFFFFD800  }
0x12: {  	v0 =	vld [tilespmem:s31+$0x0];
	_ =	sdelay $0x4  }
0x13: {  	v0 =	vshll.u32 v0, $0x4  }
0x14: {  	(v2sf) =	vpush v0, $0x0  }
0x15: {  	(v2sf) =	vpush v0, $0x2  }
0x16: {  	(v2sf) =	vpush v0, $0x1;
	_ =	sdelay $0x1  }
0x17: {  	(v2sf) =	vpush v0, $0x3  }
0x18: {  	(v2sf) =	vpush v0, $0x4;
	_ =	sdelay $0x2  }
0x19: {  	s16 =	simm.s32 $0x2000;
	s18 =	simm.s32 $0x10;
	s17 =	simm.s32 $0x0  }
.LBB2_2:
0x1a: {  	p0 =	sne.s32 s16, $0x26000;
	(v2sf) =	vpush v0, $0x5;
	s0 =	smov.u32 s16;
	s16 =	sadd.s32 $0x2000, s16  }
0x1b: {  	s19 =	sshra.s32 s17, $0x2;
	s17 =	smov.u32 s0  }
0x1c: {  	s4 =	sadd.s32 $0x2880, s19;
	(v2sf) =	vpush v0, $0x6  }
0x1d: {  	s15 =	simm.s32 $0x0;
	s25 =	sadd.s32 $0x2800, s19  }
0x1e: {  	s22 =	sadd.s32 $0x2D80, s19;
	s21 =	sadd.s32 $0x2E00, s19;
	s20 =	sadd.s32 $0x2E80, s19;
	(v2sf) =	vpush v0, $0x7  }
0x1f: {  	s0 =	sadd.s32 $0x2C00, s19;
	s24 =	sadd.s32 $0x2C80, s19;
	s23 =	sadd.s32 $0x2D00, s19  }
0x20: {  	s26 =	sadd.s32 $0x2B00, s19;
	s1 =	sadd.s32 $0x2B80, s19;
	s28 =	spop (v2sf);
	(v2sf) =	vpush v0, $0x8  }
0x21: {  	s29 =	sadd.s32 $0x2900, s19;
	s28 =	sand.u32 $0x1FFFFFF0, s28;
	s30 =	spop (v2sf)  }
0x22: {  	s31 =	sadd.s32 $0x2A80, s19;
	s28 =	sadd.s32 s3, s28;
	s6 =	spop (v2sf);
	(v2sf) =	vpush v0, $0x9  }
0x23: {  	[tilespmem:s25], [sflag:$0x1] =	stream.linear.gather [hbm4b:s28+s15], $0x80, $0x38;
	[tilespmem:$0x17800] =	vst v63  }
0x24: {  	s6 =	sand.u32 $0x1FFFFFF0, s6;
	s25 =	sand.u32 $0x1FFFFFF0, s30;
	s28 =	spop (v2sf);
	(v2sf) =	vpush v0, $0xA  }
0x25: {  	s30 =	sadd.s32 $0x2A00, s19;
	s6 =	sadd.s32 s3, s6;
	s7 =	spop (v2sf)  }
0x26: {  	[tilespmem:s4], [sflag:$0x1] =	stream.linear.gather [hbm4b:s6+s15], $0x80, $0x38;
	(v2sf) =	vpush v0, $0xB;
	[tilespmem:$0x17800] =	vst v63  }
0x27: {  	s4 =	sadd.s32 s3, s25;
	s6 =	sand.u32 $0x1FFFFFF0, s28;
	s7 =	sand.u32 $0x1FFFFFF0, s7  }
0x28: {  	[tilespmem:s29], [sflag:$0x1] =	stream.linear.gather [hbm4b:s4+s15], $0x80, $0x38;
	(v2sf) =	vpush v0, $0xC;
	[tilespmem:$0x17800] =	vst v63  }
0x29: {  	s6 =	sadd.s32 s3, s6;
	s4 =	sadd.s32 $0x2980, s19;
	s25 =	spop (v2sf)  }
0x2a: {  	[tilespmem:s4], [sflag:$0x1] =	stream.linear.gather [hbm4b:s6+s15], $0x80, $0x38;
	(v2sf) =	vpush v0, $0xD;
	[tilespmem:$0x17800] =	vst v63  }
0x2b: {  	s4 =	sadd.s32 s3, s7;
	s6 =	sand.u32 $0x1FFFFFF0, s25;
	s7 =	spop (v2sf)  }
0x2c: {  	[tilespmem:s30], [sflag:$0x1] =	stream.linear.gather [hbm4b:s4+s15], $0x80, $0x38;
	(v2sf) =	vpush v0, $0xE;
	[tilespmem:$0x17800] =	vst v63  }
0x2d: {  	s4 =	sadd.s32 s3, s6;
	s6 =	sand.u32 $0x1FFFFFF0, s7;
	s7 =	spop (v2sf)  }
0x2e: {  	[tilespmem:s31], [sflag:$0x1] =	stream.linear.gather [hbm4b:s4+s15], $0x80, $0x38;
	(v2sf) =	vpush v0, $0xF;
	[tilespmem:$0x17800] =	vst v63  }
0x2f: {  	s4 =	sadd.s32 s3, s6;
	s6 =	sand.u32 $0x1FFFFFF0, s7;
	s7 =	spop (v2sf)  }
0x30: {  	[tilespmem:s26], [sflag:$0x1] =	stream.linear.gather [hbm4b:s4+s15], $0x80, $0x38;
	[tilespmem:$0x17800] =	vst v63  }
0x31: {  	s4 =	sadd.s32 s3, s6;
	s6 =	sand.u32 $0x1FFFFFF0, s7;
	s7 =	spop (v2sf)  }
0x32: {  	[tilespmem:s1], [sflag:$0x1] =	stream.linear.gather [hbm4b:s4+s15], $0x80, $0x38;
	[tilespmem:$0x17800] =	vst v63  }
0x33: {  	s1 =	sadd.s32 s3, s6;
	s4 =	sand.u32 $0x1FFFFFF0, s7;
	s6 =	spop (v2sf)  }
0x34: {  	[tilespmem:s0], [sflag:$0x1] =	stream.linear.gather [hbm4b:s1+s15], $0x80, $0x38;
	[tilespmem:$0x17800] =	vst v63  }
0x35: {  	s0 =	sadd.s32 s3, s4;
	s1 =	sand.u32 $0x1FFFFFF0, s6;
	s4 =	spop (v2sf)  }
0x36: {  	[tilespmem:s24], [sflag:$0x1] =	stream.linear.gather [hbm4b:s0+s15], $0x80, $0x38;
	[tilespmem:$0x17800] =	vst v63  }
0x37: {  	s0 =	sadd.s32 s3, s1;
	s1 =	sand.u32 $0x1FFFFFF0, s4;
	s4 =	spop (v2sf)  }
0x38: {  	[tilespmem:s23], [sflag:$0x1] =	stream.linear.gather [hbm4b:s0+s15], $0x80, $0x38;
	[tilespmem:$0x17800] =	vst v63  }
0x39: {  	s0 =	sadd.s32 s3, s1;
	s1 =	sand.u32 $0x1FFFFFF0, s4;
	s4 =	spop (v2sf)  }
0x3a: {  	[tilespmem:s22], [sflag:$0x1] =	stream.linear.gather [hbm4b:s0+s15], $0x80, $0x38;
	[tilespmem:$0x17800] =	vst v63  }
0x3b: {  	s0 =	sadd.s32 s3, s1;
	s1 =	sand.u32 $0x1FFFFFF0, s4;
	s4 =	spop (v2sf)  }
0x3c: {  	[tilespmem:s21], [sflag:$0x1] =	stream.linear.gather [hbm4b:s0+s15], $0x80, $0x38;
	[tilespmem:$0x17800] =	vst v63  }
0x3d: {  	s0 =	sadd.s32 s3, s1;
	s1 =	sand.u32 $0x1FFFFFF0, s4;
	s4 =	spop (v2sf)  }
0x3e: {  	[tilespmem:s20], [sflag:$0x1] =	stream.linear.gather [hbm4b:s0+s15], $0x80, $0x38;
	[tilespmem:$0x17800] =	vst v63  }
0x3f: {  	s1 =	sadd.s32 s3, s1;
	s0 =	sadd.s32 $0x2F00, s19;
	s4 =	sand.u32 $0x1FFFFFF0, s4  }
0x40: {  	[tilespmem:s0], [sflag:$0x1] =	stream.linear.gather [hbm4b:s1+s15], $0x80, $0x38;
	[tilespmem:$0x17800] =	vst v63  }
0x41: {  	s4 =	sadd.s32 s3, s4;
	s0 =	sand.u32 $0x1F0, s18;
	s1 =	sadd.s32 $0x2F80, s19  }
0x42: {  	[tilespmem:s1], [sflag:$0x1] =	stream.linear.gather [hbm4b:s4+s15], $0x80, $0x38;
	[tilespmem:$0x17800] =	vst v63  }
0x43: {  	v0 =	vld [tilespmem:s0+$0x0];
	_ =	sdelay $0x4  }
0x44: {  	v0 =	vshll.u32 v0, $0x4  }
0x45: {  	(v2sf) =	vpush v0, $0x0  }
0x46: {  	(v2sf) =	vpush v0, $0x2  }
0x47: {  	(v2sf) =	vpush v0, $0x1;
	_ =	sdelay $0x1  }
.Ltmp0:
0x48: {  	(v2sf) =	vpush v0, $0x3;
	(pc) =	sbr.rel @p0 .LBB2_2-.Ltmp0, $2  }
0x49: {  	(v2sf) =	vpush v0, $0x4;
	_ =	sdelay $0x2  }
0x4a: {  	s18 =	sadd.s32 $0x10, s18  }
0x4b: {  	(v2sf) =	vpush v0, $0x5;
	_ =	sdelay $0x1  }
0x4c: {  	(v2sf) =	vpush v0, $0x6  }
0x4d: {  	s16 =	sshra.s32 s17, $0x2  }
0x4e: {  	s4 =	sadd.s32 $0x2880, s16;
	s6 =	sadd.s32 $0x2800, s16;
	s17 =	sadd.s32 $0x2D80, s16;
	(v2sf) =	vpush v0, $0x7  }
0x4f: {  	s1 =	sadd.s32 $0x2E00, s16;
	s0 =	sadd.s32 $0x2E80, s16;
	s7 =	sadd.s32 $0x2C00, s16  }
0x50: {  	s20 =	sadd.s32 $0x2B00, s16;
	s21 =	sadd.s32 $0x2B80, s16;
	s22 =	spop (v2sf);
	(v2sf) =	vpush v0, $0x8  }
0x51: {  	s23 =	sadd.s32 $0x2900, s16;
	s22 =	sand.u32 $0x1FFFFFF0, s22;
	s24 =	spop (v2sf)  }
0x52: {  	s25 =	sadd.s32 $0x2A80, s16;
	s22 =	sadd.s32 s3, s22;
	s26 =	spop (v2sf);
	(v2sf) =	vpush v0, $0x9  }
0x53: {  	[tilespmem:s6], [sflag:$0x1] =	stream.linear.gather [hbm4b:s22+s15], $0x80, $0x38;
	[tilespmem:$0x17800] =	vst v63  }
0x54: {  	s29 =	sadd.s32 $0x2A00, s16;
	s13 =	sadd.s32 $0x2980, s16;
	s22 =	sand.u32 $0x1FFFFFF0, s26  }
0x55: {  	s24 =	sand.u32 $0x1FFFFFF0, s24;
	s26 =	spop (v2sf);
	s6 =	sadd.s32 s3, s22  }
0x56: {  	(v2sf) =	vpush v0, $0xA;
	[tilespmem:s4], [sflag:$0x1] =	stream.linear.gather [hbm4b:s6+s15], $0x80, $0x38;
	[tilespmem:$0x17800] =	vst v63  }
0x57: {  	s30 =	sadd.s32 s3, s24;
	s28 =	spop (v2sf);
	(v2sf) =	vpush v0, $0xB;
	s31 =	sand.u32 $0x1FFFFFF0, s26  }
0x58: {  	[tilespmem:s23], [sflag:$0x1] =	stream.linear.gather [hbm4b:s30+s15], $0x80, $0x38;
	[tilespmem:$0x17800] =	vst v63  }
0x59: {  	s12 =	sand.u32 $0x1FFFFFF0, s28;
	(v2sf) =	vpush v0, $0xC;
	s6 =	sadd.s32 s3, s31;
	s14 =	spop (v2sf)  }
0x5a: {  	[tilespmem:s13], [sflag:$0x1] =	stream.linear.gather [hbm4b:s6+s15], $0x80, $0x38;
	[tilespmem:$0x17800] =	vst v63  }
0x5b: {  	s22 =	sadd.s32 s3, s12;
	(v2sf) =	vpush v0, $0xD;
	s24 =	sand.u32 $0x1FFFFFF0, s14;
	s28 =	spop (v2sf)  }
0x5c: {  	[tilespmem:s29], [sflag:$0x1] =	stream.linear.gather [hbm4b:s22+s15], $0x80, $0x38;
	[tilespmem:$0x17800] =	vst v63  }
0x5d: {  	(v2sf) =	vpush v0, $0xE;
	s29 =	sadd.s32 s3, s24;
	s30 =	sand.u32 $0x1FFFFFF0, s28;
	s31 =	spop (v2sf)  }
0x5e: {  	[tilespmem:s25], [sflag:$0x1] =	stream.linear.gather [hbm4b:s29+s15], $0x80, $0x38;
	[tilespmem:$0x17800] =	vst v63  }
0x5f: {  	(v2sf) =	vpush v0, $0xF;
	s12 =	sadd.s32 s3, s30;
	s13 =	sand.u32 $0x1FFFFFF0, s31;
	s14 =	spop (v2sf)  }
0x60: {  	[tilespmem:s20], [sflag:$0x1] =	stream.linear.gather [hbm4b:s12+s15], $0x80, $0x38;
	[tilespmem:$0x17800] =	vst v63  }
0x61: {  	s20 =	sadd.s32 s3, s13;
	s23 =	sand.u32 $0x1FFFFFF0, s14;
	s24 =	spop (v2sf)  }
0x62: {  	[tilespmem:s21], [sflag:$0x1] =	stream.linear.gather [hbm4b:s20+s15], $0x80, $0x38;
	[tilespmem:$0x17800] =	vst v63  }
0x63: {  	s18 =	sadd.s32 $0x2C80, s16;
	s25 =	sadd.s32 s3, s23;
	s26 =	sand.u32 $0x1FFFFFF0, s24  }
0x64: {  	[tilespmem:s7], [sflag:$0x1] =	stream.linear.gather [hbm4b:s25+s15], $0x80, $0x38;
	[tilespmem:$0x17800] =	vst v63  }
0x65: {  	s19 =	sadd.s32 $0x2D00, s16;
	s28 =	spop (v2sf);
	s29 =	sadd.s32 s3, s26  }
0x66: {  	s26 =	sadd.s32 $0x2F00, s16;
	s30 =	sand.u32 $0x1FFFFFF0, s28;
	s31 =	spop (v2sf)  }
0x67: {  	[tilespmem:s18], [sflag:$0x1] =	stream.linear.gather [hbm4b:s29+s15], $0x80, $0x38;
	[tilespmem:$0x17800] =	vst v63  }
0x68: {  	s6 =	sadd.s32 s3, s30;
	s12 =	sand.u32 $0x1FFFFFF0, s31;
	s13 =	spop (v2sf)  }
0x69: {  	[tilespmem:s19], [sflag:$0x1] =	stream.linear.gather [hbm4b:s6+s15], $0x80, $0x38;
	[tilespmem:$0x17800] =	vst v63  }
0x6a: {  	s14 =	sadd.s32 s3, s12;
	s18 =	sand.u32 $0x1FFFFFF0, s13;
	s19 =	spop (v2sf)  }
0x6b: {  	[tilespmem:s17], [sflag:$0x1] =	stream.linear.gather [hbm4b:s14+s15], $0x80, $0x38;
	[tilespmem:$0x17800] =	vst v63  }
0x6c: {  	s20 =	sadd.s32 s3, s18;
	s21 =	sand.u32 $0x1FFFFFF0, s19;
	s22 =	spop (v2sf)  }
0x6d: {  	[tilespmem:s1], [sflag:$0x1] =	stream.linear.gather [hbm4b:s20+s15], $0x80, $0x38;
	[tilespmem:$0x17800] =	vst v63  }
0x6e: {  	s23 =	sadd.s32 s3, s21;
	s24 =	sand.u32 $0x1FFFFFF0, s22;
	s25 =	spop (v2sf)  }
0x6f: {  	[tilespmem:s0], [sflag:$0x1] =	stream.linear.gather [hbm4b:s23+s15], $0x80, $0x38;
	[tilespmem:$0x17800] =	vst v63  }
0x70: {  	s30 =	sadd.s32 $0x2F80, s16;
	s28 =	sadd.s32 s3, s24;
	s29 =	sand.u32 $0x1FFFFFF0, s25  }
0x71: {  	[tilespmem:s26], [sflag:$0x1] =	stream.linear.gather [hbm4b:s28+s15], $0x80, $0x38;
	[tilespmem:$0x17800] =	vst v63  }
0x72: {  	s16 =	simm.s32 $0x140;
	s17 =	simm.s32 $0x280;
	s31 =	sadd.s32 s3, s29  }
0x73: {  	[tilespmem:s30], [sflag:$0x1] =	stream.linear.gather [hbm4b:s31+s15], $0x80, $0x38;
	[tilespmem:$0x17800] =	vst v63  }
.LBB2_4:
0x74: {  	s0 =	sand.u32 $0x7FFFFFF0, s16  }
0x75: {  	v0 =	vld [tilespmem:s0+$0x0];
	_ =	sdelay $0x4  }
0x76: {  	v0 =	vshll.u32 v0, $0x4  }
0x77: {  	(v2sf) =	vpush v0, $0x0  }
0x78: {  	(v2sf) =	vpush v0, $0x2  }
0x79: {  	(v2sf) =	vpush v0, $0x1;
	_ =	sdelay $0x1  }
0x7a: {  	(v2sf) =	vpush v0, $0x3  }
0x7b: {  	(v2sf) =	vpush v0, $0x4;
	_ =	sdelay $0x1  }
0x7c: {  	s18 =	sshllo.u32 s15, $0x1  }
0x7d: {  	s19 =	simm.s32 $0x2000;
	s21 =	sadd.s32 $0x10, s16;
	s20 =	simm.s32 $0x0  }
.LBB2_5:
0x7e: {  	p0 =	sne.s32 s19, $0x26000;
	(v2sf) =	vpush v0, $0x5;
	s0 =	smov.u32 s19;
	s19 =	sadd.s32 $0x2000, s19  }
0x7f: {  	s22 =	sshra.s32 s20, $0x2;
	s20 =	smov.u32 s0  }
0x80: {  	s4 =	sadd.s32 $0xC880, s22;
	(v2sf) =	vpush v0, $0x6  }
0x81: {  	s6 =	sadd.s32 $0xC800, s22  }
0x82: {  	s25 =	sadd.s32 $0xCD80, s22;
	s24 =	sadd.s32 $0xCE00, s22;
	s23 =	sadd.s32 $0xCE80, s22;
	(v2sf) =	vpush v0, $0x7  }
0x83: {  	s0 =	sadd.s32 $0xCC00, s22;
	s28 =	sadd.s32 $0xCC80, s22;
	s26 =	sadd.s32 $0xCD00, s22  }
0x84: {  	s7 =	sadd.s32 $0xCB00, s22;
	s1 =	sadd.s32 $0xCB80, s22;
	s29 =	spop (v2sf);
	(v2sf) =	vpush v0, $0x8  }
0x85: {  	s30 =	sadd.s32 $0xC900, s22;
	s29 =	sand.u32 $0x1FFFFFF0, s29;
	s31 =	spop (v2sf)  }
0x86: {  	s12 =	sadd.s32 $0xCA80, s22;
	s29 =	sadd.s32 s3, s29;
	s13 =	spop (v2sf);
	(v2sf) =	vpush v0, $0x9  }
0x87: {  	[tilespmem:s6], [sflag:$0x2] =	stream.linear.gather [hbm4b:s29+s2], $0x80, $0x38;
	[tilespmem:$0x17800] =	vst v63  }
0x88: {  	s6 =	sand.u32 $0x1FFFFFF0, s13;
	s13 =	sand.u32 $0x1FFFFFF0, s31;
	s29 =	spop (v2sf);
	(v2sf) =	vpush v0, $0xA  }
0x89: {  	s31 =	sadd.s32 $0xCA00, s22;
	s6 =	sadd.s32 s3, s6;
	s14 =	spop (v2sf)  }
0x8a: {  	[tilespmem:s4], [sflag:$0x2] =	stream.linear.gather [hbm4b:s6+s2], $0x80, $0x38;
	(v2sf) =	vpush v0, $0xB;
	[tilespmem:$0x17800] =	vst v63  }
0x8b: {  	s4 =	sadd.s32 s3, s13;
	s6 =	sand.u32 $0x1FFFFFF0, s29;
	s13 =	sand.u32 $0x1FFFFFF0, s14  }
0x8c: {  	[tilespmem:s30], [sflag:$0x2] =	stream.linear.gather [hbm4b:s4+s2], $0x80, $0x38;
	(v2sf) =	vpush v0, $0xC;
	[tilespmem:$0x17800] =	vst v63  }
0x8d: {  	s6 =	sadd.s32 s3, s6;
	s4 =	sadd.s32 $0xC980, s22;
	s14 =	spop (v2sf)  }
0x8e: {  	[tilespmem:s4], [sflag:$0x2] =	stream.linear.gather [hbm4b:s6+s2], $0x80, $0x38;
	(v2sf) =	vpush v0, $0xD;
	[tilespmem:$0x17800] =	vst v63  }
0x8f: {  	s4 =	sadd.s32 s3, s13;
	s6 =	sand.u32 $0x1FFFFFF0, s14;
	s13 =	spop (v2sf)  }
0x90: {  	[tilespmem:s31], [sflag:$0x2] =	stream.linear.gather [hbm4b:s4+s2], $0x80, $0x38;
	(v2sf) =	vpush v0, $0xE;
	[tilespmem:$0x17800] =	vst v63  }
0x91: {  	s4 =	sadd.s32 s3, s6;
	s6 =	sand.u32 $0x1FFFFFF0, s13;
	s13 =	spop (v2sf)  }
0x92: {  	[tilespmem:s12], [sflag:$0x2] =	stream.linear.gather [hbm4b:s4+s2], $0x80, $0x38;
	(v2sf) =	vpush v0, $0xF;
	[tilespmem:$0x17800] =	vst v63  }
0x93: {  	s4 =	sadd.s32 s3, s6;
	s6 =	sand.u32 $0x1FFFFFF0, s13;
	s12 =	spop (v2sf)  }
0x94: {  	[tilespmem:s7], [sflag:$0x2] =	stream.linear.gather [hbm4b:s4+s2], $0x80, $0x38;
	[tilespmem:$0x17800] =	vst v63  }
0x95: {  	s4 =	sadd.s32 s3, s6;
	s6 =	sand.u32 $0x1FFFFFF0, s12;
	s7 =	spop (v2sf)  }
0x96: {  	[tilespmem:s1], [sflag:$0x2] =	stream.linear.gather [hbm4b:s4+s2], $0x80, $0x38;
	[tilespmem:$0x17800] =	vst v63  }
0x97: {  	s1 =	sadd.s32 s3, s6;
	s4 =	sand.u32 $0x1FFFFFF0, s7;
	s6 =	spop (v2sf)  }
0x98: {  	[tilespmem:s0], [sflag:$0x2] =	stream.linear.gather [hbm4b:s1+s2], $0x80, $0x38;
	[tilespmem:$0x17800] =	vst v63  }
0x99: {  	s0 =	sadd.s32 s3, s4;
	s1 =	sand.u32 $0x1FFFFFF0, s6;
	s4 =	spop (v2sf)  }
0x9a: {  	[tilespmem:s28], [sflag:$0x2] =	stream.linear.gather [hbm4b:s0+s2], $0x80, $0x38;
	[tilespmem:$0x17800] =	vst v63  }
0x9b: {  	s0 =	sadd.s32 s3, s1;
	s1 =	sand.u32 $0x1FFFFFF0, s4;
	s4 =	spop (v2sf)  }
0x9c: {  	[tilespmem:s26], [sflag:$0x2] =	stream.linear.gather [hbm4b:s0+s2], $0x80, $0x38;
	[tilespmem:$0x17800] =	vst v63  }
0x9d: {  	s0 =	sadd.s32 s3, s1;
	s1 =	sand.u32 $0x1FFFFFF0, s4;
	s4 =	spop (v2sf)  }
0x9e: {  	[tilespmem:s25], [sflag:$0x2] =	stream.linear.gather [hbm4b:s0+s2], $0x80, $0x38;
	[tilespmem:$0x17800] =	vst v63  }
0x9f: {  	s0 =	sadd.s32 s3, s1;
	s1 =	sand.u32 $0x1FFFFFF0, s4;
	s4 =	spop (v2sf)  }
0xa0: {  	[tilespmem:s24], [sflag:$0x2] =	stream.linear.gather [hbm4b:s0+s2], $0x80, $0x38;
	[tilespmem:$0x17800] =	vst v63  }
0xa1: {  	s0 =	sadd.s32 s3, s1;
	s1 =	sand.u32 $0x1FFFFFF0, s4;
	s4 =	spop (v2sf)  }
0xa2: {  	[tilespmem:s23], [sflag:$0x2] =	stream.linear.gather [hbm4b:s0+s2], $0x80, $0x38;
	[tilespmem:$0x17800] =	vst v63  }
0xa3: {  	s1 =	sadd.s32 s3, s1;
	s0 =	sadd.s32 $0xCF00, s22;
	s4 =	sand.u32 $0x1FFFFFF0, s4  }
0xa4: {  	[tilespmem:s0], [sflag:$0x2] =	stream.linear.gather [hbm4b:s1+s2], $0x80, $0x38;
	[tilespmem:$0x17800] =	vst v63  }
0xa5: {  	s4 =	sadd.s32 s3, s4;
	s0 =	sand.u32 $0x7FFFFFF0, s21;
	s1 =	sadd.s32 $0xCF80, s22  }
0xa6: {  	[tilespmem:s1], [sflag:$0x2] =	stream.linear.gather [hbm4b:s4+s2], $0x80, $0x38;
	[tilespmem:$0x17800] =	vst v63  }
0xa7: {  	v0 =	vld [tilespmem:s0+$0x0];
	_ =	sdelay $0x4  }
0xa8: {  	v0 =	vshll.u32 v0, $0x4  }
0xa9: {  	(v2sf) =	vpush v0, $0x0  }
0xaa: {  	(v2sf) =	vpush v0, $0x2  }
0xab: {  	(v2sf) =	vpush v0, $0x1;
	_ =	sdelay $0x1  }
.Ltmp1:
0xac: {  	(v2sf) =	vpush v0, $0x3;
	(pc) =	sbr.rel @p0 .LBB2_5-.Ltmp1, $2  }
0xad: {  	(v2sf) =	vpush v0, $0x4;
	_ =	sdelay $0x2  }
0xae: {  	s21 =	sadd.s32 $0x10, s21  }
0xaf: {  	(v2sf) =	vpush v0, $0x5;
	_ =	sdelay $0x1  }
0xb0: {  	s19 =	sshra.s32 s20, $0x2;
	(v2sf) =	vpush v0, $0x6  }
0xb1: {  	s4 =	sadd.s32 $0xC880, s19;
	s6 =	sadd.s32 $0xC800, s19  }
0xb2: {  	s20 =	sadd.s32 $0xCD80, s19;
	s1 =	sadd.s32 $0xCE00, s19;
	s0 =	sadd.s32 $0xCE80, s19;
	(v2sf) =	vpush v0, $0x7  }
0xb3: {  	s7 =	sadd.s32 $0xCC00, s19;
	s12 =	sadd.s32 $0xCC80, s19;
	s13 =	sadd.s32 $0xCD00, s19  }
0xb4: {  	s14 =	sadd.s32 $0xCB00, s19;
	s21 =	sadd.s32 $0xCB80, s19;
	s22 =	spop (v2sf);
	(v2sf) =	vpush v0, $0x8  }
0xb5: {  	s23 =	sadd.s32 $0xC900, s19;
	s22 =	sand.u32 $0x1FFFFFF0, s22;
	s24 =	spop (v2sf)  }
0xb6: {  	s25 =	sadd.s32 $0xCA80, s19;
	s22 =	sadd.s32 s3, s22;
	s26 =	spop (v2sf);
	(v2sf) =	vpush v0, $0x9  }
0xb7: {  	[tilespmem:s6], [sflag:$0x2] =	stream.linear.gather [hbm4b:s22+s2], $0x80, $0x38;
	[tilespmem:$0x17800] =	vst v63  }
0xb8: {  	s30 =	sand.u32 $0x1FFFFFF0, s24;
	s29 =	sand.u32 $0x1FFFFFF0, s26;
	s31 =	spop (v2sf);
	(v2sf) =	vpush v0, $0xA  }
0xb9: {  	s24 =	sadd.s32 $0xC980, s19;
	s6 =	sadd.s32 s3, s29;
	s28 =	spop (v2sf)  }
0xba: {  	[tilespmem:s4], [sflag:$0x2] =	stream.linear.gather [hbm4b:s6+s2], $0x80, $0x38;
	(v2sf) =	vpush v0, $0xB;
	[tilespmem:$0x17800] =	vst v63  }
0xbb: {  	s26 =	sadd.s32 $0xCA00, s19;
	s29 =	sadd.s32 s3, s30;
	s30 =	sand.u32 $0x1FFFFFF0, s31  }
0xbc: {  	(v2sf) =	vpush v0, $0xC;
	[tilespmem:s23], [sflag:$0x2] =	stream.linear.gather [hbm4b:s29+s2], $0x80, $0x38;
	[tilespmem:$0x17800] =	vst v63  }
0xbd: {  	s31 =	sand.u32 $0x1FFFFFF0, s28;
	s6 =	sadd.s32 s3, s30;
	s28 =	spop (v2sf)  }
0xbe: {  	[tilespmem:s24], [sflag:$0x2] =	stream.linear.gather [hbm4b:s6+s2], $0x80, $0x38;
	(v2sf) =	vpush v0, $0xD;
	[tilespmem:$0x17800] =	vst v63  }
0xbf: {  	s29 =	sadd.s32 s3, s31;
	s30 =	sand.u32 $0x1FFFFFF0, s28;
	s31 =	spop (v2sf)  }
0xc0: {  	(v2sf) =	vpush v0, $0xE;
	[tilespmem:s26], [sflag:$0x2] =	stream.linear.gather [hbm4b:s29+s2], $0x80, $0x38;
	[tilespmem:$0x17800] =	vst v63  }
0xc1: {  	s6 =	sadd.s32 s3, s30;
	s23 =	sand.u32 $0x1FFFFFF0, s31;
	s24 =	spop (v2sf)  }
0xc2: {  	(v2sf) =	vpush v0, $0xF;
	[tilespmem:s25], [sflag:$0x2] =	stream.linear.gather [hbm4b:s6+s2], $0x80, $0x38;
	[tilespmem:$0x17800] =	vst v63  }
0xc3: {  	s26 =	sand.u32 $0x1FFFFFF0, s24;
	s25 =	sadd.s32 s3, s23;
	s28 =	spop (v2sf)  }
0xc4: {  	[tilespmem:s14], [sflag:$0x2] =	stream.linear.gather [hbm4b:s25+s2], $0x80, $0x38;
	[tilespmem:$0x17800] =	vst v63  }
0xc5: {  	s29 =	sadd.s32 s3, s26;
	s30 =	sand.u32 $0x1FFFFFF0, s28;
	s31 =	spop (v2sf)  }
0xc6: {  	[tilespmem:s21], [sflag:$0x2] =	stream.linear.gather [hbm4b:s29+s2], $0x80, $0x38;
	[tilespmem:$0x17800] =	vst v63  }
0xc7: {  	s22 =	sadd.s32 s3, s30;
	s23 =	sand.u32 $0x1FFFFFF0, s31;
	s24 =	spop (v2sf)  }
0xc8: {  	[tilespmem:s7], [sflag:$0x2] =	stream.linear.gather [hbm4b:s22+s2], $0x80, $0x38;
	[tilespmem:$0x17800] =	vst v63  }
0xc9: {  	s25 =	sadd.s32 s3, s23;
	s26 =	sand.u32 $0x1FFFFFF0, s24;
	s28 =	spop (v2sf)  }
0xca: {  	[tilespmem:s12], [sflag:$0x2] =	stream.linear.gather [hbm4b:s25+s2], $0x80, $0x38;
	[tilespmem:$0x17800] =	vst v63  }
0xcb: {  	s29 =	sadd.s32 s3, s26;
	s30 =	sand.u32 $0x1FFFFFF0, s28;
	s31 =	spop (v2sf)  }
0xcc: {  	[tilespmem:s13], [sflag:$0x2] =	stream.linear.gather [hbm4b:s29+s2], $0x80, $0x38;
	[tilespmem:$0x17800] =	vst v63  }
0xcd: {  	s6 =	sadd.s32 s3, s30;
	s12 =	sand.u32 $0x1FFFFFF0, s31;
	s13 =	spop (v2sf)  }
0xce: {  	[tilespmem:s20], [sflag:$0x2] =	stream.linear.gather [hbm4b:s6+s2], $0x80, $0x38;
	[tilespmem:$0x17800] =	vst v63  }
0xcf: {  	s14 =	sadd.s32 s3, s12;
	s20 =	sand.u32 $0x1FFFFFF0, s13;
	s21 =	spop (v2sf)  }
0xd0: {  	[tilespmem:s1], [sflag:$0x2] =	stream.linear.gather [hbm4b:s14+s2], $0x80, $0x38;
	[tilespmem:$0x17800] =	vst v63  }
0xd1: {  	s22 =	sadd.s32 s3, s20;
	s23 =	sand.u32 $0x1FFFFFF0, s21;
	s24 =	spop (v2sf)  }
0xd2: {  	[tilespmem:s0], [sflag:$0x2] =	stream.linear.gather [hbm4b:s22+s2], $0x80, $0x38;
	[tilespmem:$0x17800] =	vst v63  }
0xd3: {  	s25 =	sadd.s32 $0xCF00, s19;
	s26 =	sadd.s32 s3, s23;
	s28 =	sand.u32 $0x1FFFFFF0, s24  }
0xd4: {  	[tilespmem:s25], [sflag:$0x2] =	stream.linear.gather [hbm4b:s26+s2], $0x80, $0x38;
	[tilespmem:$0x17800] =	vst v63  }
0xd5: {  	s29 =	sadd.s32 $0xCF80, s19;
	s30 =	sadd.s32 s3, s28  }
0xd6: {  	[tilespmem:s29], [sflag:$0x2] =	stream.linear.gather [hbm4b:s30+s2], $0x80, $0x38;
	[tilespmem:$0x17800] =	vst v63  }
0xd7: {  	_ =	swait.ge [sflag:s8], $0x800  }
0xd8: {  	[sflag:s8] =	ssyncset.done $0x0  }
0xd9: {  	[sflag:s8] =	ssyncadd.s32 $0xFFFFF800  }
0xda: {  	_ =	swait.ge [sflag:s8], $0x800  }
0xdb: {  	[sflag:s8] =	ssyncset.done $0x0  }
0xdc: {  	[sflag:s8] =	ssyncadd.s32 $0xFFFFF800  }
0xdd: {  	_ =	swait.ge [sflag:s8], $0x800  }
0xde: {  	[sflag:s8] =	ssyncset.done $0x0  }
0xdf: {  	[sflag:s8] =	ssyncadd.s32 $0xFFFFF800  }
0xe0: {  	_ =	swait.ge [sflag:s8], $0x800  }
0xe1: {  	[sflag:s8] =	ssyncset.done $0x0  }
0xe2: {  	[sflag:s8] =	ssyncadd.s32 $0xFFFFF800  }
0xe3: {  	_ =	swait.ge [sflag:s8], $0x800  }
0xe4: {  	[sflag:s8] =	ssyncset.done $0x0  }
0xe5: {  	[sflag:s8] =	ssyncadd.s32 $0xFFFFF800  }
0xe6: {  	_ =	swait.ge [sflag:s8], $0x800  }
0xe7: {  	[sflag:s8] =	ssyncset.done $0x0  }
0xe8: {  	[sflag:s8] =	ssyncadd.s32 $0xFFFFF800  }
0xe9: {  	_ =	swait.ge [sflag:s8], $0x800  }
0xea: {  	[sflag:s8] =	ssyncset.done $0x0  }
0xeb: {  	[sflag:s8] =	ssyncadd.s32 $0xFFFFF800  }
0xec: {  	_ =	swait.ge [sflag:s8], $0x800  }
0xed: {  	[sflag:s8] =	ssyncset.done $0x0  }
0xee: {  	[sflag:s8] =	ssyncadd.s32 $0xFFFFF800  }
0xef: {  	_ =	swait.ge [sflag:s8], $0x800  }
0xf0: {  	[sflag:s8] =	ssyncset.done $0x0  }
0xf1: {  	[sflag:s8] =	ssyncadd.s32 $0xFFFFF800  }
0xf2: {  	_ =	swait.ge [sflag:s8], $0x800  }
0xf3: {  	[sflag:s8] =	ssyncset.done $0x0  }
0xf4: {  	[sflag:s8] =	ssyncadd.s32 $0xFFFFF800  }
0xf5: {  	_ =	swait.ge [sflag:s8], $0x800  }
0xf6: {  	[sflag:s8] =	ssyncset.done $0x0  }
0xf7: {  	[sflag:s8] =	ssyncadd.s32 $0xFFFFF800  }
0xf8: {  	_ =	swait.ge [sflag:s8], $0x800  }
0xf9: {  	[sflag:s8] =	ssyncset.done $0x0  }
0xfa: {  	[sflag:s8] =	ssyncadd.s32 $0xFFFFF800  }
0xfb: {  	_ =	swait.ge [sflag:s8], $0x800  }
0xfc: {  	[sflag:s8] =	ssyncset.done $0x0  }
0xfd: {  	[sflag:s8] =	ssyncadd.s32 $0xFFFFF800  }
0xfe: {  	_ =	swait.ge [sflag:s8], $0x800  }
0xff: {  	[sflag:s8] =	ssyncset.done $0x0  }
0x100: {  	[sflag:s8] =	ssyncadd.s32 $0xFFFFF800  }
0x101: {  	_ =	swait.ge [sflag:s8], $0x800  }
0x102: {  	[sflag:s8] =	ssyncset.done $0x0  }
0x103: {  	[sflag:s8] =	ssyncadd.s32 $0xFFFFF800  }
0x104: {  	_ =	swait.ge [sflag:s8], $0x800  }
0x105: {  	[sflag:s8] =	ssyncset.done $0x0  }
0x106: {  	[sflag:s8] =	ssyncadd.s32 $0xFFFFF800  }
0x107: {  	_ =	swait.ge [sflag:s8], $0x800  }
0x108: {  	[sflag:s8] =	ssyncset.done $0x0  }
0x109: {  	[sflag:s8] =	ssyncadd.s32 $0xFFFFF800  }
0x10a: {  	_ =	swait.ge [sflag:s8], $0x800  }
0x10b: {  	[sflag:s8] =	ssyncset.done $0x0  }
0x10c: {  	[sflag:s8] =	ssyncadd.s32 $0xFFFFF800  }
0x10d: {  	_ =	swait.ge [sflag:s8], $0x800  }
0x10e: {  	[sflag:s8] =	ssyncset.done $0x0  }
0x10f: {  	[sflag:s8] =	ssyncadd.s32 $0xFFFFF800  }
0x110: {  	_ =	swait.ge [sflag:s8], $0x800  }
0x111: {  	p0 =	seq.s32 s15, $0x0;
	[sflag:s8] =	ssyncset.done $0x0  }
0x112: {  	s0 =	simm.s32 @!p0 $0x3;
	[sflag:s8] =	ssyncadd.s32 $0xFFFFF800  }
0x113: {  	_ =	swait.ge @!p0 [sflag:s0], $0x800  }
0x114: {  	[sflag:s0] =	ssyncset.done @!p0 $0x0  }
0x115: {  	s31 =	simm.s32 $0x3200;
	[sflag:s0] =	ssyncadd.s32 @!p0 $0xFFFFF800  }
0x116: {  	v0 =	vld [tilespmem:s31+$0x800]  }
0x117: {  	v1 =	vld [tilespmem:s31+$0x880]  }
0x118: {  	v2 =	vld [tilespmem:s31+$0x900]  }
0x119: {  	v3 =	vld [tilespmem:s31+$0x980]  }
0x11a: {  	v4 =	vld [tilespmem:s31+$0x810]  }
0x11b: {  	v5 =	vld [tilespmem:s31+$0x890]  }
0x11c: {  	v6 =	vld [tilespmem:s31+$0x910]  }
0x11d: {  	v7 =	vld [tilespmem:s31+$0x10]  }
0x11e: {  	v8 =	vld [tilespmem:s31+$0x90]  }
0x11f: {  	v9 =	vld [tilespmem:s31+$0x110]  }
0x120: {  	v10 =	vld [tilespmem:s31+$0x190]  }
0x121: {  	v11 =	vld [tilespmem:s31+$0x210]  }
0x122: {  	v12 =	vld [tilespmem:s31+$0x290]  }
0x123: {  	v13 =	vld [tilespmem:s31+$0x310]  }
0x124: {  	v14 =	vld [tilespmem:s31+$0x390]  }
0x125: {  	v15 =	vld [tilespmem:s31+$0x410]  }
0x126: {  	v16 =	vld [tilespmem:s31+$0x490]  }
0x127: {  	v17 =	vld [tilespmem:s31+$0x510]  }
0x128: {  	v18 =	vld [tilespmem:s31+$0x590]  }
0x129: {  	v19 =	vld [tilespmem:s31+$0x610]  }
0x12a: {  	v20 =	vld [tilespmem:s31+$0x690]  }
0x12b: {  	v21 =	vld [tilespmem:s31+$0x710]  }
0x12c: {  	v22 =	vld [tilespmem:s31+$0x790]  }
0x12d: {  	v23 =	vld [tilespmem:s31+$0x990]  }
0x12e: {  	v24 =	vld [tilespmem:s31+$0x0]  }
0x12f: {  	v25 =	vld [tilespmem:s31+$0x80]  }
0x130: {  	v26 =	vld [tilespmem:s31+$0x100]  }
0x131: {  	v27 =	vld [tilespmem:s31+$0x180]  }
0x132: {  	v28 =	vld [tilespmem:s31+$0x200]  }
0x133: {  	v29 =	vld [tilespmem:s31+$0x280]  }
0x134: {  	v30 =	vld [tilespmem:s31+$0x300]  }
0x135: {  	v31 =	vld [tilespmem:s31+$0x380]  }
0x136: {  	v32 =	vld [tilespmem:s31+$0x400]  }
0x137: {  	v33 =	vld [tilespmem:s31+$0x480]  }
0x138: {  	v34 =	vld [tilespmem:s31+$0x500]  }
0x139: {  	v35 =	vld [tilespmem:s31+$0x580]  }
0x13a: {  	v36 =	vld [tilespmem:s31+$0x600]  }
0x13b: {  	v37 =	vld [tilespmem:s31+$0x680]  }
0x13c: {  	v38 =	vld [tilespmem:s31+$0x700]  }
0x13d: {  	v39 =	vld [tilespmem:s31+$0x780]  }
0x13e: {  	v40 =	vld [tilespmem:s31+$0xFFFFF680]  }
0x13f: {  	v41 =	vld [tilespmem:s31+$0xFFFFF700]  }
0x140: {  	v42 =	vld [tilespmem:s31+$0xFFFFF780]  }
0x141: {  	v43 =	vld [tilespmem:s31+$0xFFFFF800]  }
0x142: {  	v44 =	vld [tilespmem:s31+$0xFFFFF880]  }
0x143: {  	v45 =	vld [tilespmem:s31+$0xFFFFF900]  }
0x144: {  	v46 =	vld [tilespmem:s31+$0xFFFFF980]  }
0x145: {  	v58 =	vld [tilespmem:s31+$0xFFFFFC00];
	v0 =	vadd.f32 v1, v0;
	v1 =	vadd.f32 v3, v2  }
0x146: {  	v60 =	vld [tilespmem:s31+$0xFFFFFD00];
	v3 =	vadd.f32 v8, v7;
	v7 =	vadd.f32 v10, v9  }
0x147: {  	v63 =	vld [tilespmem:s31+$0xFFFFF690];
	v9 =	vadd.f32 v12, v11;
	v10 =	vadd.f32 v14, v13  }
0x148: {  	v48 =	vld [tilespmem:s31+$0xFFFFF890];
	v54 =	vadd.f32 v16, v15;
	v55 =	vadd.f32 v18, v17  }
0x149: {  	v49 =	vld [tilespmem:s31+$0xFFFFF910];
	v56 =	vadd.f32 v20, v19;
	v57 =	vadd.f32 v22, v21  }
0x14a: {  	v52 =	vld [tilespmem:s31+$0xFFFFF990];
	v4 =	vadd.f32 v5, v4;
	v5 =	vadd.f32 v23, v6  }
0x14b: {  	v53 =	vld [tilespmem:s31+$0xFFFFFA90];
	v61 =	vadd.f32 v25, v24;
	v62 =	vadd.f32 v27, v26  }
0x14c: {  	v2 =	vld [tilespmem:s31+$0xFFFFFA00];
	v30 =	vadd.f32 v31, v30;
	v33 =	vadd.f32 v33, v32  }
0x14d: {  	v8 =	vld [tilespmem:s31+$0xFFFFFA80];
	v34 =	vadd.f32 v35, v34;
	v37 =	vadd.f32 v37, v36  }
0x14e: {  	v11 =	vld [tilespmem:s31+$0xFFFFFB00];
	v3 =	vadd.f32 v7, v3;
	v7 =	vadd.f32 v10, v9  }
0x14f: {  	v14 =	vld [tilespmem:s31+$0xFFFFFB80];
	v10 =	vadd.f32 v55, v54;
	v59 =	vadd.f32 v57, v56  }
0x150: {  	v6 =	vld [tilespmem:s31+$0xFFFFFD80];
	v47 =	vadd.f32 v39, v38;
	v15 =	vadd.f32 v52, v49  }
0x151: {  	v31 =	vld [tilespmem:s31+$0xFFFFF790];
	v3 =	vadd.f32 v7, v3;
	v7 =	vadd.f32 v59, v10  }
0x152: {  	v35 =	vld [tilespmem:s31+$0xFFFFF810];
	v4 =	vadd.f32 v5, v4;
	v12 =	vadd.f32 v62, v61  }
0x153: {  	v9 =	vld [tilespmem:s31+$0xFFFFFC80];
	v3 =	vadd.f32 v7, v3;
	v7 =	vadd.f32 v29, v28  }
0x154: {  	v5 =	vld [tilespmem:s31+$0xFFFFF710];
	v50 =	vadd.f32 v34, v33;
	v51 =	vadd.f32 v47, v37  }
0x155: {  	v0 =	vadd.f32 v1, v0;
	v56 =	vld [tilespmem:s31+$0xFFFFFB10];
	v7 =	vadd.f32 v30, v7  }
0x156: {  	v55 =	vadd.f32 v44, v43;
	v57 =	vld [tilespmem:s31+$0xFFFFFB90];
	v2 =	vadd.f32 v8, v2  }
0x157: {  	v10 =	vld [tilespmem:s31+$0xFFFFF610];
	v1 =	vadd.f32 v7, v12;
	v7 =	vadd.f32 v51, v50  }
0x158: {  	v8 =	vadd.f32 v14, v11;
	v11 =	vld [tilespmem:s31+$0xFFFFFC10];
	v9 =	vadd.f32 v9, v58  }
0x159: {  	v58 =	vld [tilespmem:s31+$0xFFFFFC90];
	v1 =	vadd.f32 v7, v1;
	v7 =	vadd.f32 v46, v45  }
0x15a: {  	v6 =	vadd.f32 v6, v60;
	v4 =	vadd.f32 v4, v3;
	v3 =	vld [tilespmem:s31+$0xFFFFFA10]  }
0x15b: {  	v59 =	vadd.f32 v0, v1;
	v0 =	vadd.f32 v7, v55;
	v7 =	vld [tilespmem:s31+$0xFFFFFD10]  }
0x15c: {  	v1 =	vadd.f32 v8, v2;
	v2 =	vadd.f32 v6, v9;
	v6 =	vld [tilespmem:s31+$0xFFFFFD90]  }
0x15d: {  	v54 =	vadd.f32 v42, v41;
	v5 =	vadd.f32 v31, v5;
	v9 =	vld [tilespmem:s31+$0xFFFFF600]  }
0x15e: {  	v60 =	vld [tilespmem:s31+$0xFFFFFE80];
	v61 =	vadd.f32 v57, v56;
	v11 =	vadd.f32 v58, v11  }
0x15f: {  	v12 =	vadd.f32 v53, v3;
	v3 =	vld [tilespmem:s31+$0xFFFFFF00];
	v8 =	vadd.f32 v63, v10  }
0x160: {  	v10 =	vld [tilespmem:s31+$0xFFFFFE00];
	v1 =	vadd.f32 v2, v1;
	v2 =	vadd.f32 v48, v35  }
0x161: {  	v8 =	vadd.f32 v5, v8;
	v5 =	vld [tilespmem:s31+$0xFFFFFF80];
	v7 =	vadd.f32 v6, v7  }
0x162: {  	v62 =	vmul.f32 $5.000000070e-02, v4;
	v4 =	vld [tilespmem:s31+$0xFFFFFE10];
	v2 =	vadd.f32 v15, v2;
	v9 =	vadd.f32 v40, v9  }
0x163: {  	s19 =	simm.s32 $0x16890;
	v12 =	vadd.f32 v61, v12;
	v14 =	vmul.f32 $5.000000070e-02, v59;
	v6 =	vld [tilespmem:s31+$0xFFFFFE90];
	v63 =	vadd.f32 v7, v11  }
0x164: {  	[tilespmem:s19+$0x0] =	vst v62;
	v2 =	vadd.f32 v2, v8;
	v8 =	vld [tilespmem:s31+$0xFFFFFF10];
	v11 =	vadd.f32 v54, v9  }
0x165: {  	s20 =	simm.s32 $0x0;
	s21 =	simm.s32 $0x4600;
	[tilespmem:s19+$0xFFFFFFF0] =	vst v14;
	v7 =	vadd.f32 v60, v10;
	v9 =	vld [tilespmem:s31+$0xFFFFFF90];
	v10 =	vadd.f32 v63, v12  }
.LBB2_7:
0x166: {  	v12 =	vld [tilespmem:s21+$0x800];
	v3 =	vadd.f32 v5, v3;
	v0 =	vadd.f32 v0, v11  }
0x167: {  	v5 =	vld [tilespmem:s21+$0x880];
	v2 =	vadd.f32 v10, v2  }
0x168: {  	v10 =	vld [tilespmem:s21+$0x900];
	v0 =	vadd.f32 v1, v0;
	v1 =	vadd.f32 v6, v4  }
0x169: {  	v3 =	vadd.f32 v3, v7;
	v4 =	vld [tilespmem:s21+$0x980]  }
0x16a: {  	v6 =	vld [tilespmem:s21+$0x810];
	v7 =	vadd.f32 v9, v8  }
0x16b: {  	v0 =	vadd.f32 v3, v0;
	v8 =	vld [tilespmem:s21+$0x890]  }
0x16c: {  	v3 =	vadd.f32 v5, v12;
	v5 =	vld [tilespmem:s21+$0x910];
	v1 =	vadd.f32 v7, v1  }
0x16d: {  	v0 =	vmul.f32 $5.000000070e-02, v0;
	v7 =	vld [tilespmem:s21+$0x10]  }
0x16e: {  	v4 =	vadd.f32 v4, v10;
	v9 =	vld [tilespmem:s21+$0x90];
	v1 =	vadd.f32 v1, v2  }
0x16f: {  	v2 =	vld [tilespmem:s21+$0x110];
	[tilespmem:s19+$0xFFFFFF70] =	vst v0  }
0x170: {  	v0 =	vadd.f32 v4, v3;
	v3 =	vld [tilespmem:s21+$0x190];
	v1 =	vmul.f32 $5.000000070e-02, v1  }
0x171: {  	v4 =	vld [tilespmem:s21+$0x210]  }
0x172: {  	v10 =	vld [tilespmem:s21+$0x290];
	[tilespmem:s19+$0xFFFFFF80] =	vst v1  }
0x173: {  	v1 =	vld [tilespmem:s21+$0x310]  }
0x174: {  	v11 =	vld [tilespmem:s21+$0x390]  }
0x175: {  	v12 =	vld [tilespmem:s21+$0x410]  }
0x176: {  	v13 =	vld [tilespmem:s21+$0x490]  }
0x177: {  	v14 =	vld [tilespmem:s21+$0x510]  }
0x178: {  	v15 =	vld [tilespmem:s21+$0x590]  }
0x179: {  	v16 =	vld [tilespmem:s21+$0x610]  }
0x17a: {  	v17 =	vld [tilespmem:s21+$0x690]  }
0x17b: {  	v18 =	vld [tilespmem:s21+$0x710]  }
0x17c: {  	s20 =	sadd.s32 $0x2, s20;
	v19 =	vld [tilespmem:s21+$0x790]  }
0x17d: {  	p1 =	slt.u32 s20, $0xE;
	v20 =	vld [tilespmem:s21+$0x990]  }
0x17e: {  	v7 =	vadd.f32 v9, v7;
	v2 =	vadd.f32 v3, v2;
	v21 =	vld [tilespmem:s21+$0x0]  }
0x17f: {  	v4 =	vadd.f32 v10, v4;
	v1 =	vadd.f32 v11, v1;
	v3 =	vld [tilespmem:s21+$0x80]  }
0x180: {  	v10 =	vadd.f32 v13, v12;
	v11 =	vadd.f32 v15, v14;
	v9 =	vld [tilespmem:s21+$0x100]  }
0x181: {  	v13 =	vadd.f32 v17, v16;
	v12 =	vld [tilespmem:s21+$0x180];
	v14 =	vadd.f32 v19, v18  }
0x182: {  	v2 =	vadd.f32 v2, v7;
	v1 =	vadd.f32 v1, v4;
	v15 =	vld [tilespmem:s21+$0x200]  }
0x183: {  	v7 =	vadd.f32 v11, v10;
	v4 =	vld [tilespmem:s21+$0x280];
	v10 =	vadd.f32 v14, v13  }
0x184: {  	v6 =	vadd.f32 v8, v6;
	v5 =	vadd.f32 v20, v5;
	v11 =	vld [tilespmem:s21+$0x300]  }
0x185: {  	v1 =	vadd.f32 v1, v2;
	v8 =	vld [tilespmem:s21+$0x380];
	v2 =	vadd.f32 v10, v7  }
0x186: {  	v3 =	vadd.f32 v3, v21;
	v7 =	vld [tilespmem:s21+$0x400];
	v9 =	vadd.f32 v12, v9  }
0x187: {  	v5 =	vadd.f32 v5, v6;
	v10 =	vld [tilespmem:s21+$0x480];
	v1 =	vadd.f32 v2, v1  }
0x188: {  	v2 =	vld [tilespmem:s21+$0x500];
	v4 =	vadd.f32 v4, v15;
	v3 =	vadd.f32 v9, v3  }
0x189: {  	v6 =	vld [tilespmem:s21+$0x580];
	v1 =	vadd.f32 v5, v1  }
0x18a: {  	v5 =	vld [tilespmem:s21+$0x600];
	v8 =	vadd.f32 v8, v11  }
0x18b: {  	v9 =	vld [tilespmem:s21+$0x680];
	v1 =	vmul.f32 $5.000000070e-02, v1  }
0x18c: {  	s19 =	sadd.s32 $0x100, s19;
	v11 =	vld [tilespmem:s21+$0x700];
	v7 =	vadd.f32 v10, v7;
	v4 =	vadd.f32 v8, v4  }
0x18d: {  	v8 =	vld [tilespmem:s21+$0x780];
	[tilespmem:s19+$0x0] =	vst v1  }
0x18e: {  	v10 =	vld [tilespmem:s21+$0xFFFFF680];
	v1 =	vadd.f32 v6, v2;
	v2 =	vadd.f32 v4, v3  }
0x18f: {  	v3 =	vld [tilespmem:s21+$0xFFFFF700]  }
0x190: {  	v4 =	vld [tilespmem:s21+$0xFFFFF780];
	v5 =	vadd.f32 v9, v5;
	v1 =	vadd.f32 v1, v7  }
0x191: {  	v6 =	vld [tilespmem:s21+$0xFFFFF800]  }
0x192: {  	v7 =	vld [tilespmem:s21+$0xFFFFF880];
	v8 =	vadd.f32 v8, v11  }
0x193: {  	v9 =	vld [tilespmem:s21+$0xFFFFF900]  }
0x194: {  	v11 =	vld [tilespmem:s21+$0xFFFFF980];
	v5 =	vadd.f32 v8, v5  }
0x195: {  	v8 =	vld [tilespmem:s21+$0xFFFFFA00];
	v12 =	vadd.f32 v4, v3  }
0x196: {  	v3 =	vld [tilespmem:s21+$0xFFFFFA80];
	v1 =	vadd.f32 v5, v1  }
0x197: {  	v4 =	vld [tilespmem:s21+$0xFFFFFB00];
	v5 =	vadd.f32 v7, v6  }
0x198: {  	v6 =	vld [tilespmem:s21+$0xFFFFFB80];
	v1 =	vadd.f32 v1, v2  }
0x199: {  	v2 =	vld [tilespmem:s21+$0xFFFFFC00];
	v7 =	vadd.f32 v11, v9  }
0x19a: {  	v9 =	vld [tilespmem:s21+$0xFFFFFC80];
	v1 =	vadd.f32 v0, v1  }
0x19b: {  	v11 =	vld [tilespmem:s21+$0xFFFFFD00];
	v3 =	vadd.f32 v3, v8;
	v0 =	vadd.f32 v7, v5  }
0x19c: {  	v5 =	vld [tilespmem:s21+$0xFFFFFD80];
	v1 =	vmul.f32 $5.000000070e-02, v1  }
0x19d: {  	v4 =	vadd.f32 v6, v4;
	v6 =	vld [tilespmem:s21+$0xFFFFF610]  }
0x19e: {  	v7 =	vld [tilespmem:s21+$0xFFFFF690];
	[tilespmem:s19+$0xFFFFFFF0] =	vst v1  }
0x19f: {  	v1 =	vadd.f32 v9, v2;
	v2 =	vadd.f32 v4, v3;
	v3 =	vld [tilespmem:s21+$0xFFFFF710]  }
0x1a0: {  	v4 =	vld [tilespmem:s21+$0xFFFFF790]  }
0x1a1: {  	v5 =	vadd.f32 v5, v11;
	v8 =	vld [tilespmem:s21+$0xFFFFF810]  }
0x1a2: {  	v9 =	vld [tilespmem:s21+$0xFFFFF890]  }
0x1a3: {  	v1 =	vadd.f32 v5, v1;
	v5 =	vld [tilespmem:s21+$0xFFFFF910];
	v6 =	vadd.f32 v7, v6  }
0x1a4: {  	v7 =	vld [tilespmem:s21+$0xFFFFF990]  }
0x1a5: {  	v1 =	vadd.f32 v1, v2;
	v2 =	vld [tilespmem:s21+$0xFFFFFA10];
	v3 =	vadd.f32 v4, v3  }
0x1a6: {  	v4 =	vld [tilespmem:s21+$0xFFFFFA90]  }
0x1a7: {  	v11 =	vld [tilespmem:s21+$0xFFFFFB10];
	v8 =	vadd.f32 v9, v8;
	v3 =	vadd.f32 v3, v6  }
0x1a8: {  	v6 =	vld [tilespmem:s21+$0xFFFFFB90]  }
0x1a9: {  	v9 =	vld [tilespmem:s21+$0xFFFFFC10];
	v5 =	vadd.f32 v7, v5  }
0x1aa: {  	v7 =	vld [tilespmem:s21+$0xFFFFFC90]  }
0x1ab: {  	v13 =	vld [tilespmem:s21+$0xFFFFFD10];
	v4 =	vadd.f32 v4, v2;
	v2 =	vadd.f32 v5, v8  }
0x1ac: {  	v8 =	vld [tilespmem:s21+$0xFFFFFD90]  }
0x1ad: {  	v14 =	vld [tilespmem:s21+$0xFFFFF600];
	v5 =	vadd.f32 v6, v11;
	v2 =	vadd.f32 v2, v3  }
0x1ae: {  	v11 =	vld [tilespmem:s21+$0xFFFFFE00]  }
0x1af: {  	v15 =	vld [tilespmem:s21+$0xFFFFFE80];
	v7 =	vadd.f32 v7, v9;
	v16 =	vadd.f32 v5, v4  }
0x1b0: {  	v3 =	vld [tilespmem:s21+$0xFFFFFF00]  }
.Ltmp2:
0x1b1: {  	v5 =	vld [tilespmem:s21+$0xFFFFFF80];
	v8 =	vadd.f32 v8, v13;
	(pc) =	sbr.rel @p1 .LBB2_7-.Ltmp2, $4  }
0x1b2: {  	v9 =	vadd.f32 v10, v14;
	v4 =	vld [tilespmem:s21+$0xFFFFFE10]  }
0x1b3: {  	v6 =	vld [tilespmem:s21+$0xFFFFFE90];
	v10 =	vadd.f32 v8, v7  }
0x1b4: {  	v7 =	vadd.f32 v15, v11;
	v11 =	vadd.f32 v12, v9;
	v8 =	vld [tilespmem:s21+$0xFFFFFF10]  }
0x1b5: {  	v9 =	vld [tilespmem:s21+$0xFFFFFF90];
	v10 =	vadd.f32 v10, v16;
	s21 =	sadd.s32 $0x1400, s21  }
0x1b6: {  	_ =	sdelay $0x2  }
0x1b7: {  	v3 =	vadd.f32 v5, v3;
	v0 =	vadd.f32 v0, v11  }
0x1b8: {  	v4 =	vadd.f32 v6, v4;
	v60 =	vadd.f32 v9, v8  }
0x1b9: {  	v0 =	vadd.f32 v1, v0;
	v61 =	vadd.f32 v3, v7  }
0x1ba: {  	v2 =	vadd.f32 v10, v2;
	v62 =	vadd.f32 v60, v4  }
0x1bb: {  	v0 =	vadd.f32 v61, v0  }
0x1bc: {  	p1 =	seq.s32 s15, $0xF;
	v63 =	vadd.f32 v62, v2  }
.Ltmp3:
0x1bd: {  	v0 =	vmul.f32 $5.000000070e-02, v0;
	(pc) =	sbr.rel @p1 .LBB2_12-.Ltmp3, $4  }
0x1be: {  	v1 =	vmul.f32 $5.000000070e-02, v63  }
0x1bf: {  	s0 =	sshll.u32 s15, $0x9;
	[tilespmem:s19+$0xFFFFFF70] =	vst v0  }
0x1c0: {  	s1 =	sadd.s32 s0, s5;
	s0 =	simm.s32 $0x0;
	[tilespmem:s19+$0xFFFFFF80] =	vst v1  }
0x1c1: {  	[hbm4b:s1+s0] =	stream.linear.scatter [tilespmem:s9], [sflag:$0x3], $0x800, $0x38;
	[tilespmem:$0x17800] =	vst v63  }
0x1c2: {  	s1 =	sadd.s32 $0x0, s17  }
0x1c3: {  	s0 =	sand.u32 $0x70, s0;
	s1 =	sand.u32 $0xFF80, s1  }
0x1c4: {  	s0 =	sor.u32 s0, s1  }
0x1c5: {  	v0 =	vld [tilespmem:s0+$0x0];
	_ =	sdelay $0x4  }
0x1c6: {  	v0 =	vshll.u32 v0, $0x4  }
0x1c7: {  	(v2sf) =	vpush v0, $0x0  }
0x1c8: {  	(v2sf) =	vpush v0, $0x1  }
0x1c9: {  	(v2sf) =	vpush v0, $0x2;
	_ =	sdelay $0x1  }
0x1ca: {  	(v2sf) =	vpush v0, $0x3;
	_ =	sdelay $0x1  }
0x1cb: {  	(v2sf) =	vpush v0, $0x4;
	_ =	sdelay $0x3  }
0x1cc: {  	(v2sf) =	vpush v0, $0x5;
	_ =	sdelay $0x1  }
0x1cd: {  	(v2sf) =	vpush v0, $0x6  }
0x1ce: {  	[dreg:$0x7] =	wrdreg s18;
	s19 =	simm.s32 $0x2000;
	s20 =	simm.s32 $0x4000  }
0x1cf: {  	s21 =	simm.s32 $0x10;
	s22 =	simm.s32 $0x0;
	s26 =	simm.s32 $0x2880  }
0x1d0: {  	s4 =	simm.s32 $0x2B00;
	s13 =	simm.s32 $0x2800;
	s6 =	spop (v2sf);
	(v2sf) =	vpush v0, $0x7  }
0x1d1: {  	s5 =	simm.s32 $0x2900;
	s6 =	sand.u32 $0x1FFFFFF0, s6;
	s12 =	spop (v2sf)  }
0x1d2: {  	(v2sf) =	vpush v0, $0x8;
	s12 =	sand.u32 $0x1FFFFFF0, s12;
	s6 =	sadd.s32 s3, s6;
	s31 =	spop (v2sf)  }
0x1d3: {  	(v2sf) =	vpush v0, $0x9;
	[tilespmem:s13], [sflag:$0x1] =	stream.linear.gather [hbm4b:s6+s2], $0x80, $0x38;
	[tilespmem:$0x17800] =	vst v63  }
0x1d4: {  	s12 =	sadd.s32 s3, s12;
	s9 =	sand.u32 $0x1FFFFFF0, s31;
	s11 =	spop (v2sf);
	(v2sf) =	vpush v0, $0xA  }
0x1d5: {  	[tilespmem:s26], [sflag:$0x1] =	stream.linear.gather [hbm4b:s12+s2], $0x80, $0x38;
	[tilespmem:$0x17800] =	vst v63  }
0x1d6: {  	s13 =	sand.u32 $0x1FFFFFF0, s11;
	s14 =	spop (v2sf);
	s12 =	sadd.s32 s3, s9  }
0x1d7: {  	[tilespmem:s5], [sflag:$0x1] =	stream.linear.gather [hbm4b:s12+s2], $0x80, $0x38;
	[tilespmem:$0x17800] =	vst v63  }
0x1d8: {  	s18 =	sand.u32 $0x1FFFFFF0, s14;
	s13 =	sadd.s32 s3, s13;
	s12 =	simm.s32 $0x2980  }
0x1d9: {  	(v2sf) =	vpush v0, $0xB;
	[tilespmem:s12], [sflag:$0x1] =	stream.linear.gather [hbm4b:s13+s2], $0x80, $0x38;
	[tilespmem:$0x17800] =	vst v63  }
0x1da: {  	s30 =	simm.s32 $0x2A00;
	s23 =	spop (v2sf);
	s12 =	sadd.s32 s3, s18  }
0x1db: {  	[tilespmem:s30], [sflag:$0x1] =	stream.linear.gather [hbm4b:s12+s2], $0x80, $0x38;
	[tilespmem:$0x17800] =	vst v63  }
0x1dc: {  	s7 =	simm.s32 $0x2B80;
	s1 =	sand.u32 $0x1FFFFFF0, s23;
	s30 =	spop (v2sf)  }
0x1dd: {  	s24 =	simm.s32 $0x2A80;
	(v2sf) =	vpush v0, $0xC;
	s1 =	sadd.s32 s3, s1;
	s12 =	sand.u32 $0x1FFFFFF0, s30  }
0x1de: {  	[tilespmem:s24], [sflag:$0x1] =	stream.linear.gather [hbm4b:s1+s2], $0x80, $0x38;
	[tilespmem:$0x17800] =	vst v63  }
0x1df: {  	s25 =	simm.s32 $0x2D00;
	s5 =	sadd.s32 s3, s12;
	s31 =	spop (v2sf);
	(v2sf) =	vpush v0, $0xD  }
0x1e0: {  	[tilespmem:s4], [sflag:$0x1] =	stream.linear.gather [hbm4b:s5+s2], $0x80, $0x38;
	[tilespmem:$0x17800] =	vst v63  }
0x1e1: {  	s29 =	simm.s32 $0x2E00;
	s28 =	simm.s32 $0x2E80;
	s11 =	spop (v2sf);
	(v2sf) =	vpush v0, $0xE  }
0x1e2: {  	s0 =	sadd.s32 $0x10, s17;
	s26 =	simm.s32 $0x2D80;
	s12 =	spop (v2sf)  }
0x1e3: {  	s14 =	simm.s32 $0x2C80;
	s9 =	sand.u32 $0x1FFFFFF0, s31;
	s18 =	spop (v2sf);
	(v2sf) =	vpush v0, $0xF  }
0x1e4: {  	s24 =	sand.u32 $0xFF80, s0;
	s1 =	sand.u32 $0x1FFFFFF0, s11;
	s0 =	sadd.s32 s3, s9  }
0x1e5: {  	[tilespmem:s7], [sflag:$0x1] =	stream.linear.gather [hbm4b:s0+s2], $0x80, $0x38;
	[tilespmem:$0x17800] =	vst v63  }
0x1e6: {  	s13 =	simm.s32 $0x2C00;
	s4 =	sand.u32 $0x1FFFFFF0, s12;
	s1 =	sadd.s32 s3, s1  }
0x1e7: {  	[tilespmem:s13], [sflag:$0x1] =	stream.linear.gather [hbm4b:s1+s2], $0x80, $0x38;
	[tilespmem:$0x17800] =	vst v63  }
0x1e8: {  	s4 =	sadd.s32 s3, s4;
	s30 =	sand.u32 $0x1FFFFFF0, s18;
	s31 =	spop (v2sf)  }
0x1e9: {  	[tilespmem:s14], [sflag:$0x1] =	stream.linear.gather [hbm4b:s4+s2], $0x80, $0x38;
	[tilespmem:$0x17800] =	vst v63  }
0x1ea: {  	s23 =	simm.s32 $0x2F80;
	s0 =	sand.u32 $0x1FFFFFF0, s31;
	s4 =	sadd.s32 s3, s30  }
.LBB2_10:
0x1eb: {  	p1 =	sne.s32 s20, $0x26000  }
0x1ec: {  	s1 =	sand.u32 $0x70, s21;
	s6 =	spop (v2sf);
	s7 =	smov.u32 s20  }
0x1ed: {  	[tilespmem:s25], [sflag:$0x1] =	stream.linear.gather [hbm4b:s4+s2], $0x80, $0x38;
	[tilespmem:$0x17800] =	vst v63  }
0x1ee: {  	s0 =	sadd.s32 s3, s0;
	s4 =	sand.u32 $0x1FFFFFF0, s6;
	s6 =	spop (v2sf)  }
0x1ef: {  	[tilespmem:s26], [sflag:$0x1] =	stream.linear.gather [hbm4b:s0+s2], $0x80, $0x38;
	[tilespmem:$0x17800] =	vst v63  }
0x1f0: {  	s0 =	sadd.s32 s3, s4;
	s4 =	sand.u32 $0x1FFFFFF0, s6;
	s6 =	spop (v2sf)  }
0x1f1: {  	[tilespmem:s29], [sflag:$0x1] =	stream.linear.gather [hbm4b:s0+s2], $0x80, $0x38;
	[tilespmem:$0x17800] =	vst v63  }
0x1f2: {  	s0 =	sadd.s32 s3, s4;
	s4 =	sand.u32 $0x1FFFFFF0, s6;
	s6 =	spop (v2sf)  }
0x1f3: {  	[tilespmem:s28], [sflag:$0x1] =	stream.linear.gather [hbm4b:s0+s2], $0x80, $0x38;
	[tilespmem:$0x17800] =	vst v63  }
0x1f4: {  	s4 =	sadd.s32 s3, s4;
	s0 =	sadd.s32 $0x2F00, s22;
	s6 =	sand.u32 $0x1FFFFFF0, s6  }
0x1f5: {  	[tilespmem:s0], [sflag:$0x1] =	stream.linear.gather [hbm4b:s4+s2], $0x80, $0x38;
	[tilespmem:$0x17800] =	vst v63  }
0x1f6: {  	s20 =	sadd.s32 $0x2000, s20;
	s0 =	sor.u32 s1, s24;
	s1 =	sadd.s32 s3, s6  }
0x1f7: {  	[tilespmem:s23], [sflag:$0x1] =	stream.linear.gather [hbm4b:s1+s2], $0x80, $0x38;
	[tilespmem:$0x17800] =	vst v63  }
0x1f8: {  	v0 =	vld [tilespmem:s0+$0x0];
	_ =	sdelay $0x4  }
0x1f9: {  	v0 =	vshll.u32 v0, $0x4  }
0x1fa: {  	(v2sf) =	vpush v0, $0x0  }
0x1fb: {  	(v2sf) =	vpush v0, $0x1  }
0x1fc: {  	(v2sf) =	vpush v0, $0x2  }
0x1fd: {  	(v2sf) =	vpush v0, $0x3;
	_ =	sdelay $0x1  }
0x1fe: {  	(v2sf) =	vpush v0, $0x4;
	_ =	sdelay $0x1  }
0x1ff: {  	s21 =	sadd.s32 $0x10, s21;
	(v2sf) =	vpush v0, $0x5  }
0x200: {  	s22 =	sshra.s32 s19, $0x2;
	s19 =	smov.u32 s7;
	s0 =	sadd.s32 s21, s17  }
0x201: {  	s31 =	sadd.s32 $0x2B00, s22;
	s30 =	sadd.s32 $0x2B80, s22;
	s6 =	sadd.s32 $0x2880, s22;
	(v2sf) =	vpush v0, $0x6  }
0x202: {  	s7 =	sadd.s32 $0x2800, s22;
	s12 =	sadd.s32 $0x2A00, s22;
	s25 =	sadd.s32 $0x2D00, s22  }
0x203: {  	s26 =	sadd.s32 $0x2D80, s22;
	s4 =	sadd.s32 $0x2A80, s22;
	s23 =	sadd.s32 $0x2F80, s22;
	(v2sf) =	vpush v0, $0x7  }
0x204: {  	s29 =	sadd.s32 $0x2E00, s22;
	s24 =	sand.u32 $0xFF80, s0;
	s0 =	sadd.s32 $0x2C00, s22  }
0x205: {  	s28 =	sadd.s32 $0x2E80, s22;
	(v2sf) =	vpush v0, $0x8  }
0x206: {  	s1 =	sadd.s32 $0x2C80, s22  }
0x207: {  	s13 =	sadd.s32 $0x2980, s22;
	s14 =	spop (v2sf);
	(v2sf) =	vpush v0, $0x9  }
0x208: {  	s14 =	sand.u32 $0x1FFFFFF0, s14;
	s9 =	spop (v2sf)  }
0x209: {  	s11 =	sadd.s32 $0x2900, s22;
	s9 =	sand.u32 $0x1FFFFFF0, s9;
	s5 =	spop (v2sf);
	(v2sf) =	vpush v0, $0xA  }
0x20a: {  	s14 =	sadd.s32 s3, s14;
	s5 =	sand.u32 $0x1FFFFFF0, s5;
	s18 =	spop (v2sf)  }
0x20b: {  	[tilespmem:s7], [sflag:$0x1] =	stream.linear.gather [hbm4b:s14+s2], $0x80, $0x38;
	(v2sf) =	vpush v0, $0xB;
	[tilespmem:$0x17800] =	vst v63  }
0x20c: {  	s7 =	sadd.s32 s3, s9;
	s9 =	sand.u32 $0x1FFFFFF0, s18;
	s14 =	spop (v2sf)  }
0x20d: {  	[tilespmem:s6], [sflag:$0x1] =	stream.linear.gather [hbm4b:s7+s2], $0x80, $0x38;
	[tilespmem:$0x17800] =	vst v63  }
0x20e: {  	s5 =	sadd.s32 s3, s5;
	s6 =	sand.u32 $0x1FFFFFF0, s14;
	s7 =	spop (v2sf)  }
0x20f: {  	[tilespmem:s11], [sflag:$0x1] =	stream.linear.gather [hbm4b:s5+s2], $0x80, $0x38;
	(v2sf) =	vpush v0, $0xC;
	[tilespmem:$0x17800] =	vst v63  }
0x210: {  	s5 =	sadd.s32 s3, s9;
	s7 =	sand.u32 $0x1FFFFFF0, s7;
	s9 =	spop (v2sf)  }
0x211: {  	[tilespmem:s13], [sflag:$0x1] =	stream.linear.gather [hbm4b:s5+s2], $0x80, $0x38;
	(v2sf) =	vpush v0, $0xD;
	[tilespmem:$0x17800] =	vst v63  }
0x212: {  	s5 =	sadd.s32 s3, s6;
	s6 =	sand.u32 $0x1FFFFFF0, s9;
	s9 =	spop (v2sf)  }
0x213: {  	[tilespmem:s12], [sflag:$0x1] =	stream.linear.gather [hbm4b:s5+s2], $0x80, $0x38;
	(v2sf) =	vpush v0, $0xE;
	[tilespmem:$0x17800] =	vst v63  }
0x214: {  	s5 =	sadd.s32 s3, s7;
	s7 =	sand.u32 $0x1FFFFFF0, s9;
	s9 =	spop (v2sf)  }
0x215: {  	[tilespmem:s4], [sflag:$0x1] =	stream.linear.gather [hbm4b:s5+s2], $0x80, $0x38;
	(v2sf) =	vpush v0, $0xF;
	[tilespmem:$0x17800] =	vst v63  }
0x216: {  	s4 =	sadd.s32 s3, s6;
	s5 =	sand.u32 $0x1FFFFFF0, s9;
	s6 =	spop (v2sf)  }
0x217: {  	[tilespmem:s31], [sflag:$0x1] =	stream.linear.gather [hbm4b:s4+s2], $0x80, $0x38;
	[tilespmem:$0x17800] =	vst v63  }
0x218: {  	s4 =	sadd.s32 s3, s7;
	s6 =	sand.u32 $0x1FFFFFF0, s6;
	s7 =	spop (v2sf)  }
0x219: {  	[tilespmem:s30], [sflag:$0x1] =	stream.linear.gather [hbm4b:s4+s2], $0x80, $0x38;
	[tilespmem:$0x17800] =	vst v63  }
.Ltmp4:
0x21a: {  	_ = 	snop;
	(pc) =	sbr.rel @p1 .LBB2_10-.Ltmp4, $4  }
0x21b: {  	s4 =	sadd.s32 s3, s5;
	s5 =	sand.u32 $0x1FFFFFF0, s7;
	s7 =	spop (v2sf)  }
0x21c: {  	[tilespmem:s0], [sflag:$0x1] =	stream.linear.gather [hbm4b:s4+s2], $0x80, $0x38;
	[tilespmem:$0x17800] =	vst v63  }
0x21d: {  	s6 =	sadd.s32 s3, s6;
	s4 =	sadd.s32 s3, s5;
	s0 =	sand.u32 $0x1FFFFFF0, s7  }
0x21e: {  	[tilespmem:s1], [sflag:$0x1] =	stream.linear.gather [hbm4b:s6+s2], $0x80, $0x38;
	[tilespmem:$0x17800] =	vst v63  }
0x21f: {  	s1 =	sand.u32 $0x70, s21;
	s5 =	spop (v2sf)  }
0x220: {  	[tilespmem:s25], [sflag:$0x1] =	stream.linear.gather [hbm4b:s4+s2], $0x80, $0x38;
	[tilespmem:$0x17800] =	vst v63  }
0x221: {  	s0 =	sadd.s32 s3, s0;
	s9 =	sand.u32 $0x1FFFFFF0, s5;
	s11 =	spop (v2sf)  }
0x222: {  	[tilespmem:s26], [sflag:$0x1] =	stream.linear.gather [hbm4b:s0+s2], $0x80, $0x38;
	[tilespmem:$0x17800] =	vst v63  }
0x223: {  	s12 =	sadd.s32 s3, s9;
	s13 =	sand.u32 $0x1FFFFFF0, s11;
	s14 =	spop (v2sf)  }
0x224: {  	[tilespmem:s29], [sflag:$0x1] =	stream.linear.gather [hbm4b:s12+s2], $0x80, $0x38;
	[tilespmem:$0x17800] =	vst v63  }
0x225: {  	s18 =	sadd.s32 s3, s13;
	s20 =	sand.u32 $0x1FFFFFF0, s14;
	s21 =	spop (v2sf)  }
0x226: {  	[tilespmem:s28], [sflag:$0x1] =	stream.linear.gather [hbm4b:s18+s2], $0x80, $0x38;
	[tilespmem:$0x17800] =	vst v63  }
0x227: {  	s22 =	sadd.s32 $0x2F00, s22;
	s4 =	sadd.s32 s3, s20;
	s5 =	sand.u32 $0x1FFFFFF0, s21  }
0x228: {  	[tilespmem:s22], [sflag:$0x1] =	stream.linear.gather [hbm4b:s4+s2], $0x80, $0x38;
	[tilespmem:$0x17800] =	vst v63  }
0x229: {  	s24 =	sor.u32 s1, s24;
	s25 =	sadd.s32 s3, s5  }
0x22a: {  	[tilespmem:s23], [sflag:$0x1] =	stream.linear.gather [hbm4b:s25+s2], $0x80, $0x38;
	[tilespmem:$0x17800] =	vst v63  }
0x22b: {  	v0 =	vld [tilespmem:s24+$0x0];
	_ =	sdelay $0x4  }
0x22c: {  	v0 =	vshll.u32 v0, $0x4  }
0x22d: {  	(v2sf) =	vpush v0, $0x0  }
0x22e: {  	(v2sf) =	vpush v0, $0x1  }
0x22f: {  	(v2sf) =	vpush v0, $0x2;
	_ =	sdelay $0x1  }
0x230: {  	(v2sf) =	vpush v0, $0x3;
	_ =	sdelay $0x1  }
0x231: {  	(v2sf) =	vpush v0, $0x4;
	_ =	sdelay $0x1  }
0x232: {  	(v2sf) =	vpush v0, $0x5;
	_ =	sdelay $0x1  }
0x233: {  	s19 =	sshra.s32 s19, $0x2;
	(v2sf) =	vpush v0, $0x6  }
0x234: {  	s6 =	sadd.s32 $0x2B00, s19;
	s7 =	sadd.s32 $0x2B80, s19  }
0x235: {  	s1 =	sadd.s32 $0x2E00, s19;
	s26 =	sadd.s32 $0x2880, s19;
	s9 =	sadd.s32 $0x2800, s19;
	(v2sf) =	vpush v0, $0x7  }
0x236: {  	s11 =	sadd.s32 $0x2A00, s19;
	s0 =	sadd.s32 $0x2E80, s19;
	s13 =	sadd.s32 $0x2C00, s19  }
0x237: {  	s12 =	sadd.s32 $0x2A80, s19;
	s29 =	sadd.s32 $0x2900, s19;
	s20 =	sadd.s32 $0x2D80, s19;
	(v2sf) =	vpush v0, $0x8  }
0x238: {  	s18 =	sadd.s32 $0x2C80, s19;
	s4 =	sadd.s32 $0x2D00, s19;
	s14 =	spop (v2sf)  }
0x239: {  	s22 =	sadd.s32 $0x2980, s19;
	(v2sf) =	vpush v0, $0x9;
	s28 =	spop (v2sf);
	s14 =	sand.u32 $0x1FFFFFF0, s14  }
0x23a: {  	(v2sf) =	vpush v0, $0xA;
	s21 =	sand.u32 $0x1FFFFFF0, s28;
	s30 =	spop (v2sf);
	s14 =	sadd.s32 s3, s14  }
0x23b: {  	[tilespmem:s9], [sflag:$0x1] =	stream.linear.gather [hbm4b:s14+s2], $0x80, $0x38;
	[tilespmem:$0x17800] =	vst v63  }
0x23c: {  	(v2sf) =	vpush v0, $0xB;
	s31 =	sand.u32 $0x1FFFFFF0, s30;
	s24 =	spop (v2sf);
	s21 =	sadd.s32 s3, s21  }
0x23d: {  	[tilespmem:s26], [sflag:$0x1] =	stream.linear.gather [hbm4b:s21+s2], $0x80, $0x38;
	[tilespmem:$0x17800] =	vst v63  }
0x23e: {  	s25 =	sand.u32 $0x1FFFFFF0, s24;
	s9 =	sadd.s32 s3, s31;
	s26 =	spop (v2sf)  }
0x23f: {  	[tilespmem:s29], [sflag:$0x1] =	stream.linear.gather [hbm4b:s9+s2], $0x80, $0x38;
	[tilespmem:$0x17800] =	vst v63  }
0x240: {  	(v2sf) =	vpush v0, $0xC;
	s5 =	sadd.s32 s3, s25;
	s28 =	sand.u32 $0x1FFFFFF0, s26;
	s29 =	spop (v2sf)  }
0x241: {  	[tilespmem:s22], [sflag:$0x1] =	stream.linear.gather [hbm4b:s5+s2], $0x80, $0x38;
	[tilespmem:$0x17800] =	vst v63  }
0x242: {  	(v2sf) =	vpush v0, $0xD;
	s9 =	sadd.s32 s3, s28;
	s30 =	sand.u32 $0x1FFFFFF0, s29;
	s31 =	spop (v2sf)  }
0x243: {  	[tilespmem:s11], [sflag:$0x1] =	stream.linear.gather [hbm4b:s9+s2], $0x80, $0x38;
	[tilespmem:$0x17800] =	vst v63  }
0x244: {  	(v2sf) =	vpush v0, $0xE;
	s21 =	sand.u32 $0x1FFFFFF0, s31;
	s22 =	spop (v2sf);
	s5 =	sadd.s32 s3, s30  }
0x245: {  	[tilespmem:s12], [sflag:$0x1] =	stream.linear.gather [hbm4b:s5+s2], $0x80, $0x38;
	[tilespmem:$0x17800] =	vst v63  }
0x246: {  	(v2sf) =	vpush v0, $0xF;
	s23 =	sand.u32 $0x1FFFFFF0, s22;
	s24 =	spop (v2sf);
	s9 =	sadd.s32 s3, s21  }
0x247: {  	[tilespmem:s6], [sflag:$0x1] =	stream.linear.gather [hbm4b:s9+s2], $0x80, $0x38;
	[tilespmem:$0x17800] =	vst v63  }
0x248: {  	s25 =	sand.u32 $0x1FFFFFF0, s24;
	s5 =	sadd.s32 s3, s23;
	s26 =	spop (v2sf)  }
0x249: {  	s6 =	sadd.s32 s3, s25;
	s28 =	sand.u32 $0x1FFFFFF0, s26;
	s29 =	spop (v2sf)  }
0x24a: {  	[tilespmem:s7], [sflag:$0x1] =	stream.linear.gather [hbm4b:s5+s2], $0x80, $0x38;
	[tilespmem:$0x17800] =	vst v63  }
0x24b: {  	s26 =	sadd.s32 $0x2F00, s19;
	s30 =	sand.u32 $0x1FFFFFF0, s29;
	s31 =	spop (v2sf)  }
0x24c: {  	[tilespmem:s13], [sflag:$0x1] =	stream.linear.gather [hbm4b:s6+s2], $0x80, $0x38;
	[tilespmem:$0x17800] =	vst v63  }
0x24d: {  	s5 =	sadd.s32 s3, s28;
	s9 =	sadd.s32 s3, s30;
	s11 =	sand.u32 $0x1FFFFFF0, s31  }
0x24e: {  	[tilespmem:s18], [sflag:$0x1] =	stream.linear.gather [hbm4b:s5+s2], $0x80, $0x38;
	[tilespmem:$0x17800] =	vst v63  }
0x24f: {  	s12 =	spop (v2sf);
	s30 =	sadd.s32 $0x2F80, s19;
	s13 =	sadd.s32 s3, s11  }
0x250: {  	[tilespmem:s4], [sflag:$0x1] =	stream.linear.gather [hbm4b:s9+s2], $0x80, $0x38;
	[tilespmem:$0x17800] =	vst v63  }
0x251: {  	s14 =	sand.u32 $0x1FFFFFF0, s12;
	s11 =	simm.s32 $0x17000;
	s18 =	spop (v2sf)  }
0x252: {  	[tilespmem:s20], [sflag:$0x1] =	stream.linear.gather [hbm4b:s13+s2], $0x80, $0x38;
	[tilespmem:$0x17800] =	vst v63  }
0x253: {  	s21 =	sand.u32 $0x1FFFFFF0, s18;
	s22 =	spop (v2sf);
	s20 =	sadd.s32 s3, s14  }
0x254: {  	[tilespmem:s1], [sflag:$0x1] =	stream.linear.gather [hbm4b:s20+s2], $0x80, $0x38;
	[tilespmem:$0x17800] =	vst v63  }
0x255: {  	s23 =	sadd.s32 s3, s21;
	s24 =	sand.u32 $0x1FFFFFF0, s22;
	s25 =	spop (v2sf)  }
0x256: {  	[tilespmem:s0], [sflag:$0x1] =	stream.linear.gather [hbm4b:s23+s2], $0x80, $0x38;
	[tilespmem:$0x17800] =	vst v63  }
0x257: {  	s5 =	rddreg [dreg:$0x4];
	s28 =	sadd.s32 s3, s24;
	s29 =	sand.u32 $0x1FFFFFF0, s25  }
0x258: {  	[tilespmem:s26], [sflag:$0x1] =	stream.linear.gather [hbm4b:s28+s2], $0x80, $0x38;
	[tilespmem:$0x17800] =	vst v63  }
0x259: {  	s18 =	rddreg [dreg:$0x7];
	s9 =	simm.s32 $0x16800;
	s31 =	sadd.s32 s3, s29  }
0x25a: {  	[tilespmem:s30], [sflag:$0x1] =	stream.linear.gather [hbm4b:s31+s2], $0x80, $0x38;
	[tilespmem:$0x17800] =	vst v63  }
.LBB2_12:
0x25b: {  	_ =	swait.ge [sflag:s10], $0x800  }
0x25c: {  	[sflag:s10] =	ssyncset.done $0x0  }
0x25d: {  	[sflag:s10] =	ssyncadd.s32 $0xFFFFF800  }
0x25e: {  	_ =	swait.ge [sflag:s10], $0x800  }
0x25f: {  	[sflag:s10] =	ssyncset.done $0x0  }
0x260: {  	[sflag:s10] =	ssyncadd.s32 $0xFFFFF800  }
0x261: {  	_ =	swait.ge [sflag:s10], $0x800  }
0x262: {  	[sflag:s10] =	ssyncset.done $0x0  }
0x263: {  	[sflag:s10] =	ssyncadd.s32 $0xFFFFF800  }
0x264: {  	_ =	swait.ge [sflag:s10], $0x800  }
0x265: {  	[sflag:s10] =	ssyncset.done $0x0  }
0x266: {  	[sflag:s10] =	ssyncadd.s32 $0xFFFFF800  }
0x267: {  	_ =	swait.ge [sflag:s10], $0x800  }
0x268: {  	[sflag:s10] =	ssyncset.done $0x0  }
0x269: {  	[sflag:s10] =	ssyncadd.s32 $0xFFFFF800  }
0x26a: {  	_ =	swait.ge [sflag:s10], $0x800  }
0x26b: {  	[sflag:s10] =	ssyncset.done $0x0  }
0x26c: {  	[sflag:s10] =	ssyncadd.s32 $0xFFFFF800  }
0x26d: {  	_ =	swait.ge [sflag:s10], $0x800  }
0x26e: {  	[sflag:s10] =	ssyncset.done $0x0  }
0x26f: {  	[sflag:s10] =	ssyncadd.s32 $0xFFFFF800  }
0x270: {  	_ =	swait.ge [sflag:s10], $0x800  }
0x271: {  	[sflag:s10] =	ssyncset.done $0x0  }
0x272: {  	[sflag:s10] =	ssyncadd.s32 $0xFFFFF800  }
0x273: {  	_ =	swait.ge [sflag:s10], $0x800  }
0x274: {  	[sflag:s10] =	ssyncset.done $0x0  }
0x275: {  	[sflag:s10] =	ssyncadd.s32 $0xFFFFF800  }
0x276: {  	_ =	swait.ge [sflag:s10], $0x800  }
0x277: {  	[sflag:s10] =	ssyncset.done $0x0  }
0x278: {  	[sflag:s10] =	ssyncadd.s32 $0xFFFFF800  }
0x279: {  	_ =	swait.ge [sflag:s10], $0x800  }
0x27a: {  	[sflag:s10] =	ssyncset.done $0x0  }
0x27b: {  	[sflag:s10] =	ssyncadd.s32 $0xFFFFF800  }
0x27c: {  	_ =	swait.ge [sflag:s10], $0x800  }
0x27d: {  	[sflag:s10] =	ssyncset.done $0x0  }
0x27e: {  	[sflag:s10] =	ssyncadd.s32 $0xFFFFF800  }
0x27f: {  	_ =	swait.ge [sflag:s10], $0x800  }
0x280: {  	[sflag:s10] =	ssyncset.done $0x0  }
0x281: {  	[sflag:s10] =	ssyncadd.s32 $0xFFFFF800  }
0x282: {  	_ =	swait.ge [sflag:s10], $0x800  }
0x283: {  	[sflag:s10] =	ssyncset.done $0x0  }
0x284: {  	[sflag:s10] =	ssyncadd.s32 $0xFFFFF800  }
0x285: {  	_ =	swait.ge [sflag:s10], $0x800  }
0x286: {  	[sflag:s10] =	ssyncset.done $0x0  }
0x287: {  	[sflag:s10] =	ssyncadd.s32 $0xFFFFF800  }
0x288: {  	_ =	swait.ge [sflag:s10], $0x800  }
0x289: {  	[sflag:s10] =	ssyncset.done $0x0  }
0x28a: {  	[sflag:s10] =	ssyncadd.s32 $0xFFFFF800  }
0x28b: {  	_ =	swait.ge [sflag:s10], $0x800  }
0x28c: {  	[sflag:s10] =	ssyncset.done $0x0  }
0x28d: {  	[sflag:s10] =	ssyncadd.s32 $0xFFFFF800  }
0x28e: {  	_ =	swait.ge [sflag:s10], $0x800  }
0x28f: {  	[sflag:s10] =	ssyncset.done $0x0  }
0x290: {  	[sflag:s10] =	ssyncadd.s32 $0xFFFFF800  }
0x291: {  	_ =	swait.ge [sflag:s10], $0x800  }
0x292: {  	[sflag:s10] =	ssyncset.done $0x0  }
0x293: {  	[sflag:s10] =	ssyncadd.s32 $0xFFFFF800  }
0x294: {  	_ =	swait.ge [sflag:s10], $0x800  }
0x295: {  	[sflag:s10] =	ssyncset.done $0x0  }
0x296: {  	s0 =	simm.s32 @!p0 $0x4;
	[sflag:s10] =	ssyncadd.s32 $0xFFFFF800  }
0x297: {  	_ =	swait.ge @!p0 [sflag:s0], $0x800  }
0x298: {  	[sflag:s0] =	ssyncset.done @!p0 $0x0  }
0x299: {  	s21 =	simm.s32 $0xD200;
	[sflag:s0] =	ssyncadd.s32 @!p0 $0xFFFFF800  }
0x29a: {  	v0 =	vld [tilespmem:s21+$0x800]  }
0x29b: {  	v1 =	vld [tilespmem:s21+$0x880]  }
0x29c: {  	v2 =	vld [tilespmem:s21+$0x900]  }
0x29d: {  	v3 =	vld [tilespmem:s21+$0x980]  }
0x29e: {  	v4 =	vld [tilespmem:s21+$0x810]  }
0x29f: {  	v5 =	vld [tilespmem:s21+$0x890]  }
0x2a0: {  	v6 =	vld [tilespmem:s21+$0x910]  }
0x2a1: {  	v7 =	vld [tilespmem:s21+$0x10]  }
0x2a2: {  	v8 =	vld [tilespmem:s21+$0x90]  }
0x2a3: {  	v9 =	vld [tilespmem:s21+$0x110]  }
0x2a4: {  	v10 =	vld [tilespmem:s21+$0x190]  }
0x2a5: {  	v11 =	vld [tilespmem:s21+$0x210]  }
0x2a6: {  	v12 =	vld [tilespmem:s21+$0x290]  }
0x2a7: {  	v13 =	vld [tilespmem:s21+$0x310]  }
0x2a8: {  	v14 =	vld [tilespmem:s21+$0x390]  }
0x2a9: {  	v15 =	vld [tilespmem:s21+$0x410]  }
0x2aa: {  	v16 =	vld [tilespmem:s21+$0x490]  }
0x2ab: {  	v17 =	vld [tilespmem:s21+$0x510]  }
0x2ac: {  	v18 =	vld [tilespmem:s21+$0x590]  }
0x2ad: {  	v19 =	vld [tilespmem:s21+$0x610]  }
0x2ae: {  	v20 =	vld [tilespmem:s21+$0x690]  }
0x2af: {  	v21 =	vld [tilespmem:s21+$0x710]  }
0x2b0: {  	v22 =	vld [tilespmem:s21+$0x790]  }
0x2b1: {  	v23 =	vld [tilespmem:s21+$0x990]  }
0x2b2: {  	v24 =	vld [tilespmem:s21+$0x0]  }
0x2b3: {  	v25 =	vld [tilespmem:s21+$0x80]  }
0x2b4: {  	v26 =	vld [tilespmem:s21+$0x100]  }
0x2b5: {  	v27 =	vld [tilespmem:s21+$0x180]  }
0x2b6: {  	v28 =	vld [tilespmem:s21+$0x200]  }
0x2b7: {  	v29 =	vld [tilespmem:s21+$0x280]  }
0x2b8: {  	v30 =	vld [tilespmem:s21+$0x300]  }
0x2b9: {  	v31 =	vld [tilespmem:s21+$0x380]  }
0x2ba: {  	v32 =	vld [tilespmem:s21+$0x400]  }
0x2bb: {  	v33 =	vld [tilespmem:s21+$0x480]  }
0x2bc: {  	v34 =	vld [tilespmem:s21+$0x500]  }
0x2bd: {  	v35 =	vld [tilespmem:s21+$0x580]  }
0x2be: {  	v36 =	vld [tilespmem:s21+$0x600]  }
0x2bf: {  	v37 =	vld [tilespmem:s21+$0x680]  }
0x2c0: {  	v38 =	vld [tilespmem:s21+$0x700]  }
0x2c1: {  	v39 =	vld [tilespmem:s21+$0x780]  }
0x2c2: {  	v40 =	vld [tilespmem:s21+$0xFFFFF680]  }
0x2c3: {  	v41 =	vld [tilespmem:s21+$0xFFFFF700]  }
0x2c4: {  	v42 =	vld [tilespmem:s21+$0xFFFFF780]  }
0x2c5: {  	v43 =	vld [tilespmem:s21+$0xFFFFF800]  }
0x2c6: {  	v44 =	vld [tilespmem:s21+$0xFFFFF880]  }
0x2c7: {  	v45 =	vld [tilespmem:s21+$0xFFFFF900]  }
0x2c8: {  	v46 =	vld [tilespmem:s21+$0xFFFFF980]  }
0x2c9: {  	v58 =	vld [tilespmem:s21+$0xFFFFFC00];
	v0 =	vadd.f32 v1, v0;
	v1 =	vadd.f32 v3, v2  }
0x2ca: {  	v60 =	vld [tilespmem:s21+$0xFFFFFD00];
	v3 =	vadd.f32 v8, v7;
	v7 =	vadd.f32 v10, v9  }
0x2cb: {  	v63 =	vld [tilespmem:s21+$0xFFFFF690];
	v9 =	vadd.f32 v12, v11;
	v10 =	vadd.f32 v14, v13  }
0x2cc: {  	v48 =	vld [tilespmem:s21+$0xFFFFF890];
	v54 =	vadd.f32 v16, v15;
	v55 =	vadd.f32 v18, v17  }
0x2cd: {  	v49 =	vld [tilespmem:s21+$0xFFFFF910];
	v56 =	vadd.f32 v20, v19;
	v57 =	vadd.f32 v22, v21  }
0x2ce: {  	v52 =	vld [tilespmem:s21+$0xFFFFF990];
	v4 =	vadd.f32 v5, v4;
	v5 =	vadd.f32 v23, v6  }
0x2cf: {  	v53 =	vld [tilespmem:s21+$0xFFFFFA90];
	v61 =	vadd.f32 v25, v24;
	v62 =	vadd.f32 v27, v26  }
0x2d0: {  	v2 =	vld [tilespmem:s21+$0xFFFFFA00];
	v30 =	vadd.f32 v31, v30;
	v33 =	vadd.f32 v33, v32  }
0x2d1: {  	v8 =	vld [tilespmem:s21+$0xFFFFFA80];
	v34 =	vadd.f32 v35, v34;
	v37 =	vadd.f32 v37, v36  }
0x2d2: {  	v11 =	vld [tilespmem:s21+$0xFFFFFB00];
	v3 =	vadd.f32 v7, v3;
	v7 =	vadd.f32 v10, v9  }
0x2d3: {  	v14 =	vld [tilespmem:s21+$0xFFFFFB80];
	v10 =	vadd.f32 v55, v54;
	v59 =	vadd.f32 v57, v56  }
0x2d4: {  	v6 =	vld [tilespmem:s21+$0xFFFFFD80];
	v47 =	vadd.f32 v39, v38;
	v15 =	vadd.f32 v52, v49  }
0x2d5: {  	v31 =	vld [tilespmem:s21+$0xFFFFF790];
	v3 =	vadd.f32 v7, v3;
	v7 =	vadd.f32 v59, v10  }
0x2d6: {  	v35 =	vld [tilespmem:s21+$0xFFFFF810];
	v4 =	vadd.f32 v5, v4;
	v12 =	vadd.f32 v62, v61  }
0x2d7: {  	v9 =	vld [tilespmem:s21+$0xFFFFFC80];
	v3 =	vadd.f32 v7, v3;
	v7 =	vadd.f32 v29, v28  }
0x2d8: {  	v5 =	vld [tilespmem:s21+$0xFFFFF710];
	v50 =	vadd.f32 v34, v33;
	v51 =	vadd.f32 v47, v37  }
0x2d9: {  	v0 =	vadd.f32 v1, v0;
	v56 =	vld [tilespmem:s21+$0xFFFFFB10];
	v7 =	vadd.f32 v30, v7  }
0x2da: {  	v55 =	vadd.f32 v44, v43;
	v57 =	vld [tilespmem:s21+$0xFFFFFB90];
	v2 =	vadd.f32 v8, v2  }
0x2db: {  	v10 =	vld [tilespmem:s21+$0xFFFFF610];
	v1 =	vadd.f32 v7, v12;
	v7 =	vadd.f32 v51, v50  }
0x2dc: {  	v8 =	vadd.f32 v14, v11;
	v11 =	vld [tilespmem:s21+$0xFFFFFC10];
	v9 =	vadd.f32 v9, v58  }
0x2dd: {  	v58 =	vld [tilespmem:s21+$0xFFFFFC90];
	v1 =	vadd.f32 v7, v1;
	v7 =	vadd.f32 v46, v45  }
0x2de: {  	v6 =	vadd.f32 v6, v60;
	v4 =	vadd.f32 v4, v3;
	v3 =	vld [tilespmem:s21+$0xFFFFFA10]  }
0x2df: {  	v59 =	vadd.f32 v0, v1;
	v0 =	vadd.f32 v7, v55;
	v7 =	vld [tilespmem:s21+$0xFFFFFD10]  }
0x2e0: {  	v1 =	vadd.f32 v8, v2;
	v2 =	vadd.f32 v6, v9;
	v6 =	vld [tilespmem:s21+$0xFFFFFD90]  }
0x2e1: {  	v54 =	vadd.f32 v42, v41;
	v5 =	vadd.f32 v31, v5;
	v9 =	vld [tilespmem:s21+$0xFFFFF600]  }
0x2e2: {  	v60 =	vld [tilespmem:s21+$0xFFFFFE80];
	v61 =	vadd.f32 v57, v56;
	v11 =	vadd.f32 v58, v11  }
0x2e3: {  	v12 =	vadd.f32 v53, v3;
	v3 =	vld [tilespmem:s21+$0xFFFFFF00];
	v8 =	vadd.f32 v63, v10  }
0x2e4: {  	v10 =	vld [tilespmem:s21+$0xFFFFFE00];
	v1 =	vadd.f32 v2, v1;
	v2 =	vadd.f32 v48, v35  }
0x2e5: {  	v8 =	vadd.f32 v5, v8;
	v5 =	vld [tilespmem:s21+$0xFFFFFF80];
	v7 =	vadd.f32 v6, v7  }
0x2e6: {  	v62 =	vmul.f32 $5.000000070e-02, v4;
	v4 =	vld [tilespmem:s21+$0xFFFFFE10];
	v2 =	vadd.f32 v15, v2;
	v9 =	vadd.f32 v40, v9  }
0x2e7: {  	s19 =	simm.s32 $0x17090;
	v12 =	vadd.f32 v61, v12;
	v14 =	vmul.f32 $5.000000070e-02, v59;
	v6 =	vld [tilespmem:s21+$0xFFFFFE90];
	v63 =	vadd.f32 v7, v11  }
0x2e8: {  	[tilespmem:s19+$0x0] =	vst v62;
	v2 =	vadd.f32 v2, v8;
	v8 =	vld [tilespmem:s21+$0xFFFFFF10];
	v11 =	vadd.f32 v54, v9  }
0x2e9: {  	s20 =	simm.s32 $0x0;
	[tilespmem:s19+$0xFFFFFFF0] =	vst v14;
	v7 =	vadd.f32 v60, v10;
	v9 =	vld [tilespmem:s21+$0xFFFFFF90];
	s21 =	simm.s32 $0xE600;
	v10 =	vadd.f32 v63, v12  }
.LBB2_13:
0x2ea: {  	v12 =	vld [tilespmem:s21+$0x800];
	v3 =	vadd.f32 v5, v3;
	v0 =	vadd.f32 v0, v11  }
0x2eb: {  	v5 =	vld [tilespmem:s21+$0x880];
	v2 =	vadd.f32 v10, v2  }
0x2ec: {  	v10 =	vld [tilespmem:s21+$0x900];
	v0 =	vadd.f32 v1, v0;
	v1 =	vadd.f32 v6, v4  }
0x2ed: {  	v3 =	vadd.f32 v3, v7;
	v4 =	vld [tilespmem:s21+$0x980]  }
0x2ee: {  	v6 =	vld [tilespmem:s21+$0x810];
	v7 =	vadd.f32 v9, v8  }
0x2ef: {  	v0 =	vadd.f32 v3, v0;
	v8 =	vld [tilespmem:s21+$0x890]  }
0x2f0: {  	v3 =	vadd.f32 v5, v12;
	v5 =	vld [tilespmem:s21+$0x910];
	v1 =	vadd.f32 v7, v1  }
0x2f1: {  	v0 =	vmul.f32 $5.000000070e-02, v0;
	v7 =	vld [tilespmem:s21+$0x10]  }
0x2f2: {  	v4 =	vadd.f32 v4, v10;
	v9 =	vld [tilespmem:s21+$0x90];
	v1 =	vadd.f32 v1, v2  }
0x2f3: {  	v2 =	vld [tilespmem:s21+$0x110];
	[tilespmem:s19+$0xFFFFFF70] =	vst v0  }
0x2f4: {  	v0 =	vadd.f32 v4, v3;
	v3 =	vld [tilespmem:s21+$0x190];
	v1 =	vmul.f32 $5.000000070e-02, v1  }
0x2f5: {  	v4 =	vld [tilespmem:s21+$0x210]  }
0x2f6: {  	v10 =	vld [tilespmem:s21+$0x290];
	[tilespmem:s19+$0xFFFFFF80] =	vst v1  }
0x2f7: {  	v1 =	vld [tilespmem:s21+$0x310]  }
0x2f8: {  	v11 =	vld [tilespmem:s21+$0x390]  }
0x2f9: {  	v12 =	vld [tilespmem:s21+$0x410]  }
0x2fa: {  	v13 =	vld [tilespmem:s21+$0x490]  }
0x2fb: {  	v14 =	vld [tilespmem:s21+$0x510]  }
0x2fc: {  	v15 =	vld [tilespmem:s21+$0x590]  }
0x2fd: {  	v16 =	vld [tilespmem:s21+$0x610]  }
0x2fe: {  	v17 =	vld [tilespmem:s21+$0x690]  }
0x2ff: {  	v18 =	vld [tilespmem:s21+$0x710]  }
0x300: {  	s20 =	sadd.s32 $0x2, s20;
	v19 =	vld [tilespmem:s21+$0x790]  }
0x301: {  	p0 =	slt.u32 s20, $0xE;
	v20 =	vld [tilespmem:s21+$0x990]  }
0x302: {  	v7 =	vadd.f32 v9, v7;
	v2 =	vadd.f32 v3, v2;
	v21 =	vld [tilespmem:s21+$0x0]  }
0x303: {  	v4 =	vadd.f32 v10, v4;
	v1 =	vadd.f32 v11, v1;
	v3 =	vld [tilespmem:s21+$0x80]  }
0x304: {  	v10 =	vadd.f32 v13, v12;
	v11 =	vadd.f32 v15, v14;
	v9 =	vld [tilespmem:s21+$0x100]  }
0x305: {  	v13 =	vadd.f32 v17, v16;
	v12 =	vld [tilespmem:s21+$0x180];
	v14 =	vadd.f32 v19, v18  }
0x306: {  	v2 =	vadd.f32 v2, v7;
	v1 =	vadd.f32 v1, v4;
	v15 =	vld [tilespmem:s21+$0x200]  }
0x307: {  	v7 =	vadd.f32 v11, v10;
	v4 =	vld [tilespmem:s21+$0x280];
	v10 =	vadd.f32 v14, v13  }
0x308: {  	v6 =	vadd.f32 v8, v6;
	v5 =	vadd.f32 v20, v5;
	v11 =	vld [tilespmem:s21+$0x300]  }
0x309: {  	v1 =	vadd.f32 v1, v2;
	v8 =	vld [tilespmem:s21+$0x380];
	v2 =	vadd.f32 v10, v7  }
0x30a: {  	v3 =	vadd.f32 v3, v21;
	v7 =	vld [tilespmem:s21+$0x400];
	v9 =	vadd.f32 v12, v9  }
0x30b: {  	v5 =	vadd.f32 v5, v6;
	v10 =	vld [tilespmem:s21+$0x480];
	v1 =	vadd.f32 v2, v1  }
0x30c: {  	v2 =	vld [tilespmem:s21+$0x500];
	v4 =	vadd.f32 v4, v15;
	v3 =	vadd.f32 v9, v3  }
0x30d: {  	v6 =	vld [tilespmem:s21+$0x580];
	v1 =	vadd.f32 v5, v1  }
0x30e: {  	v5 =	vld [tilespmem:s21+$0x600];
	v8 =	vadd.f32 v8, v11  }
0x30f: {  	v9 =	vld [tilespmem:s21+$0x680];
	v1 =	vmul.f32 $5.000000070e-02, v1  }
0x310: {  	s19 =	sadd.s32 $0x100, s19;
	v11 =	vld [tilespmem:s21+$0x700];
	v7 =	vadd.f32 v10, v7;
	v4 =	vadd.f32 v8, v4  }
0x311: {  	v8 =	vld [tilespmem:s21+$0x780];
	[tilespmem:s19+$0x0] =	vst v1  }
0x312: {  	v10 =	vld [tilespmem:s21+$0xFFFFF680];
	v1 =	vadd.f32 v6, v2;
	v2 =	vadd.f32 v4, v3  }
0x313: {  	v3 =	vld [tilespmem:s21+$0xFFFFF700]  }
0x314: {  	v4 =	vld [tilespmem:s21+$0xFFFFF780];
	v5 =	vadd.f32 v9, v5;
	v1 =	vadd.f32 v1, v7  }
0x315: {  	v6 =	vld [tilespmem:s21+$0xFFFFF800]  }
0x316: {  	v7 =	vld [tilespmem:s21+$0xFFFFF880];
	v8 =	vadd.f32 v8, v11  }
0x317: {  	v9 =	vld [tilespmem:s21+$0xFFFFF900]  }
0x318: {  	v11 =	vld [tilespmem:s21+$0xFFFFF980];
	v5 =	vadd.f32 v8, v5  }
0x319: {  	v8 =	vld [tilespmem:s21+$0xFFFFFA00];
	v12 =	vadd.f32 v4, v3  }
0x31a: {  	v3 =	vld [tilespmem:s21+$0xFFFFFA80];
	v1 =	vadd.f32 v5, v1  }
0x31b: {  	v4 =	vld [tilespmem:s21+$0xFFFFFB00];
	v5 =	vadd.f32 v7, v6  }
0x31c: {  	v6 =	vld [tilespmem:s21+$0xFFFFFB80];
	v1 =	vadd.f32 v1, v2  }
0x31d: {  	v2 =	vld [tilespmem:s21+$0xFFFFFC00];
	v7 =	vadd.f32 v11, v9  }
0x31e: {  	v9 =	vld [tilespmem:s21+$0xFFFFFC80];
	v1 =	vadd.f32 v0, v1  }
0x31f: {  	v11 =	vld [tilespmem:s21+$0xFFFFFD00];
	v3 =	vadd.f32 v3, v8;
	v0 =	vadd.f32 v7, v5  }
0x320: {  	v5 =	vld [tilespmem:s21+$0xFFFFFD80];
	v1 =	vmul.f32 $5.000000070e-02, v1  }
0x321: {  	v4 =	vadd.f32 v6, v4;
	v6 =	vld [tilespmem:s21+$0xFFFFF610]  }
0x322: {  	v7 =	vld [tilespmem:s21+$0xFFFFF690];
	[tilespmem:s19+$0xFFFFFFF0] =	vst v1  }
0x323: {  	v1 =	vadd.f32 v9, v2;
	v2 =	vadd.f32 v4, v3;
	v3 =	vld [tilespmem:s21+$0xFFFFF710]  }
0x324: {  	v4 =	vld [tilespmem:s21+$0xFFFFF790]  }
0x325: {  	v5 =	vadd.f32 v5, v11;
	v8 =	vld [tilespmem:s21+$0xFFFFF810]  }
0x326: {  	v9 =	vld [tilespmem:s21+$0xFFFFF890]  }
0x327: {  	v1 =	vadd.f32 v5, v1;
	v5 =	vld [tilespmem:s21+$0xFFFFF910];
	v6 =	vadd.f32 v7, v6  }
0x328: {  	v7 =	vld [tilespmem:s21+$0xFFFFF990]  }
0x329: {  	v1 =	vadd.f32 v1, v2;
	v2 =	vld [tilespmem:s21+$0xFFFFFA10];
	v3 =	vadd.f32 v4, v3  }
0x32a: {  	v4 =	vld [tilespmem:s21+$0xFFFFFA90]  }
0x32b: {  	v11 =	vld [tilespmem:s21+$0xFFFFFB10];
	v8 =	vadd.f32 v9, v8;
	v3 =	vadd.f32 v3, v6  }
0x32c: {  	v6 =	vld [tilespmem:s21+$0xFFFFFB90]  }
0x32d: {  	v9 =	vld [tilespmem:s21+$0xFFFFFC10];
	v5 =	vadd.f32 v7, v5  }
0x32e: {  	v7 =	vld [tilespmem:s21+$0xFFFFFC90]  }
0x32f: {  	v13 =	vld [tilespmem:s21+$0xFFFFFD10];
	v4 =	vadd.f32 v4, v2;
	v2 =	vadd.f32 v5, v8  }
0x330: {  	v8 =	vld [tilespmem:s21+$0xFFFFFD90]  }
0x331: {  	v14 =	vld [tilespmem:s21+$0xFFFFF600];
	v5 =	vadd.f32 v6, v11;
	v2 =	vadd.f32 v2, v3  }
0x332: {  	v11 =	vld [tilespmem:s21+$0xFFFFFE00]  }
0x333: {  	v15 =	vld [tilespmem:s21+$0xFFFFFE80];
	v7 =	vadd.f32 v7, v9;
	v16 =	vadd.f32 v5, v4  }
0x334: {  	v3 =	vld [tilespmem:s21+$0xFFFFFF00]  }
.Ltmp5:
0x335: {  	v5 =	vld [tilespmem:s21+$0xFFFFFF80];
	v8 =	vadd.f32 v8, v13;
	(pc) =	sbr.rel @p0 .LBB2_13-.Ltmp5, $4  }
0x336: {  	v9 =	vadd.f32 v10, v14;
	v4 =	vld [tilespmem:s21+$0xFFFFFE10]  }
0x337: {  	v6 =	vld [tilespmem:s21+$0xFFFFFE90];
	v10 =	vadd.f32 v8, v7  }
0x338: {  	v7 =	vadd.f32 v15, v11;
	v11 =	vadd.f32 v12, v9;
	v8 =	vld [tilespmem:s21+$0xFFFFFF10]  }
0x339: {  	v9 =	vld [tilespmem:s21+$0xFFFFFF90];
	v10 =	vadd.f32 v10, v16;
	s21 =	sadd.s32 $0x1400, s21  }
0x33a: {  	_ =	sdelay $0x2  }
0x33b: {  	v3 =	vadd.f32 v5, v3;
	v0 =	vadd.f32 v0, v11  }
0x33c: {  	v4 =	vadd.f32 v6, v4;
	v60 =	vadd.f32 v9, v8  }
0x33d: {  	v0 =	vadd.f32 v1, v0;
	v61 =	vadd.f32 v3, v7  }
0x33e: {  	v2 =	vadd.f32 v10, v2;
	v62 =	vadd.f32 v60, v4  }
0x33f: {  	s15 =	sadd.s32 $0x1, s15;
	v0 =	vadd.f32 v61, v0  }
0x340: {  	p0 =	sne.s32 s15, $0x10;
	v63 =	vadd.f32 v62, v2  }
.Ltmp6:
0x341: {  	v0 =	vmul.f32 $5.000000070e-02, v0;
	(pc) =	sbr.rel @p0 .LBB2_4-.Ltmp6, $4  }
0x342: {  	v1 =	vmul.f32 $5.000000070e-02, v63  }
0x343: {  	s0 =	sshll.u32 s18, $0x8;
	[tilespmem:s19+$0xFFFFFF70] =	vst v0  }
0x344: {  	s16 =	sadd.s32 $0x280, s16;
	s17 =	sadd.s32 $0x280, s17;
	s0 =	sadd.s32 s0, s5;
	[tilespmem:s19+$0xFFFFFF80] =	vst v1  }
0x345: {  	[hbm4b:s0+s2] =	stream.linear.scatter [tilespmem:s11], [sflag:$0x4], $0x800, $0x38;
	[tilespmem:$0x17800] =	vst v63  }
0x346: {  	s0 =	simm.s32 $0x3  }
0x347: {  	_ =	swait.ge [sflag:s0], $0x800  }
0x348: {  	[sflag:s0] =	ssyncset.done $0x0  }
0x349: {  	s1 =	simm.s32 $0x4;
	[sflag:s0] =	ssyncadd.s32 $0xFFFFF800  }
0x34a: {  	_ =	swait.ge [sflag:s1], $0x800  }
0x34b: {  	s4 =	rddreg [dreg:$0x6]  }
0x34c: {  	s31 =	rddreg [dreg:$0x5];
	s4 =	sadd.s32 $0x1, s4  }
0x34d: {  	p0 =	sne.s32 s4, s31  }
.Ltmp7:
0x34e: {  	_ = 	snop;
	(pc) =	sbr.rel @p0 .LBB2_1-.Ltmp7, $3  }
0x34f: {  	_ =	sdelay $0x1  }
0x350: {  	[sflag:s1] =	ssyncset.done $0x0  }
0x351: {  	[sflag:s1] =	ssyncadd.s32 $0xFFFFF800  }
0x352: {  	_ =	sfence.sel $0x180000  }
0x353: {  	[bflag:$0x0] =	sbarrier.arrive $0xFFFF  }
0x354: {  	_ =	strace $0x90000047  }
0x355: {  	s0 =	stileid.u32;
	[bflag:$0x2] =	sbarrier.arrive $0xFFFF  }
0x356: {  	p0 =	sne.s32 s0, $0x0;
	s0 =	rddreg [dreg:$0x2]  }
0x357: {  	s0 =	sadd.s32 @!p0 $0x100000, s0  }
0x358: {  	[sflag:s0] =	ssyncadd.tile.s32 @!p0 $0x1;
	_ =	shalt  }
.Lfunc_end2:
_tile_overlayer_lowered:
.L_overlay_start_2:
0x359: {  	(tag) =	ssettag $0x2  }
0x35a: {  	s0 =	rddreg [dreg:$0x0];
	s2 =	stileid.u32  }
0x35b: {  	s1 =	rddreg [dreg:$0x1];
	p0 =	sne.s32 s2, $0x0  }
0x35c: {  	s3 =	rddreg [dreg:$0x2];
	[bflag:$0x3] =	sbarrier.arrive $0xFFFF;
	s2 =	simm.s32 @!p0 $0x1C05  }
0x35d: {  	[timem:s3], [sflag:s2] =	dma.local @!p0 [hbm:s0], s1  }
0x35e: {  	s0 =	simm.s32 @!p0 $0x5  }
0x35f: {  	_ =	swait.ge @!p0 [sflag:s0], s1  }
0x360: {  	s1 =	ssub.s32 @!p0 $0x0, s1;
	[sflag:s0] =	ssyncset.done @!p0 $0x0  }
0x361: {  	[sflag:s0] =	ssyncadd.s32 @!p0 s1  }
0x362: {  	[bflag:$0x3] =	sbarrier.arrive $0xFFFF  }
0x363: {  	_ =	shalt  }

</sc_bundles>
